<compile_context>
chip_gen: v7x
topology: tpu7x:2x2x1
jax: 0.10.2.dev20260603
libtpu: 0.0.44.dev20260713+nightly
codegen_flags: <defaults>
</compile_context>

<pallas_src>
import functools

import jax
import jax.numpy as jnp
from jax import lax
from jax.experimental import pallas as pl
from jax.experimental.pallas import tpu as pltpu
from jax.experimental.pallas import tpu_sc as plsc

CLASS_NUM = 1000
FEATURES_NUM = 512
BATCH = 4096

_NC = 2
_NS = 16
_NW = _NC * _NS
_L = 16
_ROWS_PER_W = BATCH // _NW
_GROUP = 16
_NGROUPS = _ROWS_PER_W // _GROUP
_KV = FEATURES_NUM // _L
_KVB = FEATURES_NUM // (2 * _L)
_W32 = FEATURES_NUM // 2
_CPAD = 1024


def _rsqrt16(x):
    i = plsc.bitcast(x, jnp.int32)
    i = jnp.int32(0x5F3759DF) - (i >> 1)
    y = plsc.bitcast(i, jnp.float32)
    for _ in range(3):
        y = y * (1.5 - 0.5 * x * y * y)
    return y


def _sc_partials(features, labels, center):
    mesh = plsc.VectorSubcoreMesh(core_axis_name="c", subcore_axis_name="s")

    @functools.partial(
        pl.kernel,
        mesh=mesh,
        compiler_params=pltpu.CompilerParams(
            needs_layout_passes=False,
            disable_bounds_checks=True,
            disable_semaphore_checks=True,
            skip_device_barrier=True,
        ),
        out_type=(
            jax.ShapeDtypeStruct((_NC, _CPAD), jnp.float32),
            jax.ShapeDtypeStruct((_NC, _CPAD), jnp.float32),
        ),
        scratch_types=[
            pltpu.VMEM((_ROWS_PER_W,), jnp.int32),
            pltpu.VMEM((2, _GROUP, FEATURES_NUM), jnp.float32),
            pltpu.VMEM((2, _GROUP, FEATURES_NUM), jnp.float32),
            pltpu.VMEM((_ROWS_PER_W,), jnp.float32),
            pltpu.VMEM((_ROWS_PER_W,), jnp.float32),
            pltpu.VMEM((_CPAD,), jnp.float32),
            pltpu.VMEM((_GROUP, 17), jnp.float32),
            pltpu.SemaphoreType.DMA,
            pltpu.SemaphoreType.DMA,
            pltpu.SemaphoreType.DMA,
            pltpu.SemaphoreType.DMA,
            pltpu.VMEM_SHARED((_CPAD,), jnp.float32),
            pltpu.VMEM_SHARED((_CPAD,), jnp.float32),
        ],
    )
    def k(feat_hbm, lab_hbm, cen_hbm, s_out, cnt_out,
          labels_v, feat_v, rows_v, dist_v, ones_v, zbuf, d2t,
          semf0, semf1, semr0, semr1, sh_s, sh_cnt):
        cid = lax.axis_index("c")
        sid = lax.axis_index("s")
        wid = sid * _NC + cid
        base = wid * _ROWS_PER_W
        semf = (semf0, semf1)
        semr = (semr0, semr1)

        pltpu.sync_copy(lab_hbm.at[pl.ds(base, _ROWS_PER_W)], labels_v)

        def start(g, b):
            rbase = base + g * _GROUP
            pltpu.async_copy(
                feat_hbm.at[pl.ds(rbase, _GROUP)], feat_v.at[b], semf[b])
            pltpu.async_copy(
                cen_hbm.at[labels_v.at[pl.ds(g * _GROUP, _GROUP)]],
                rows_v.at[b], semr[b])

        def wait(b):
            pltpu.make_async_copy(
                feat_hbm.at[pl.ds(0, _GROUP)], feat_v.at[b], semf[b]).wait()
            pltpu.make_async_copy(
                feat_hbm.at[pl.ds(0, _GROUP)], rows_v.at[b], semr[b]).wait()

        def compute(g, b):
            @plsc.parallel_loop(0, _GROUP, 1, unroll=2)
            def _(j):
                accs = [jnp.zeros((_L,), jnp.float32) for _ in range(4)]
                for kk in range(_KV):
                    f = feat_v[b, j, pl.ds(kk * _L, _L)]
                    c = rows_v[b, j, pl.ds(kk * _L, _L)]
                    d = f - c
                    accs[kk % 4] = accs[kk % 4] + d * d
                d2t[j, pl.ds(0, _L)] = (accs[0] + accs[1]) + (accs[2] + accs[3])
            for h in range(_GROUP // _L):
                ri = lax.iota(jnp.int32, _L) + h * _L
                tot = jnp.zeros((_L,), jnp.float32)
                for kk in range(_L):
                    tot = tot + plsc.load_gather(
                        d2t, [ri, jnp.full((_L,), kk, jnp.int32)])
                dist = tot * _rsqrt16(jnp.maximum(tot, 1e-30))
                dist_v[pl.ds(g * _GROUP + h * _L, _L)] = dist

        start(0, 0)
        start(1, 1)

        zero16 = jnp.zeros((_L,), jnp.float32)
        for i in range(_CPAD // _L):
            zbuf[pl.ds(i * _L, _L)] = zero16
        one16 = jnp.full((_L,), 1.0, jnp.float32)
        for i in range(_ROWS_PER_W // _L):
            ones_v[pl.ds(i * _L, _L)] = one16

        @pl.when(sid == 0)
        def _():
            pltpu.sync_copy(zbuf, sh_s)
            pltpu.sync_copy(zbuf, sh_cnt)

        plsc.subcore_barrier()

        n_it = _NGROUPS // 2

        def it_body(it, carry):
            g0 = it * 2
            wait(0)
            compute(g0, 0)

            @pl.when(it < n_it - 1)
            def _():
                start(g0 + 2, 0)

            wait(1)
            compute(g0 + 1, 1)

            @pl.when(it < n_it - 1)
            def _():
                start(g0 + 3, 1)

            return carry

        lax.fori_loop(0, n_it, it_body, 0)

        pltpu.sync_copy(dist_v, sh_s.at[labels_v], add=True)
        pltpu.sync_copy(ones_v, sh_cnt.at[labels_v], add=True)

        plsc.subcore_barrier()

        @pl.when(sid == 0)
        def _():
            pltpu.sync_copy(sh_s, s_out.at[cid])
            pltpu.sync_copy(sh_cnt, cnt_out.at[cid])

    return k(features, labels, center)


def _combine_kernel(s_ref, c_ref, o_ref):
    s = s_ref[0:1, :] + s_ref[1:2, :]
    c = c_ref[0:1, :] + c_ref[1:2, :]
    o_ref[...] = jnp.sum(s / jnp.maximum(c, 1.0)).reshape(1, 1)


def _combine(s_part, cnt_part):
    out = pl.pallas_call(
        _combine_kernel,
        out_shape=jax.ShapeDtypeStruct((1, 1), jnp.float32),
    )(s_part, cnt_part)
    return out[0, 0]


def kernel(features, labels, center):
    labels = labels.astype(jnp.int32)
    s_part, cnt_part = _sc_partials(features, labels, center)
    return _combine(s_part, cnt_part)

# --- scband reference (transcript-rebuilt; emitter-appended) ---
"""Pipeline reference for scband-center-loss-61435212202122 (READ-ONLY COPY).

The authoritative reference and input builder live on the scoring server;
editing this copy changes nothing except your own understanding.
"""

import jax, jax.numpy as jnp
import numpy as np

CLASS_NUM = 1000
FEATURES_NUM = 512
BATCH = 4096


def setup_inputs(seed: int = 0) -> dict:
    key = jax.random.key(seed)
    k1, k2, k3 = jax.random.split(key, 3)
    features = jax.random.normal(k1, (BATCH, FEATURES_NUM), dtype=jnp.float32)
    labels = jax.random.randint(k2, (BATCH,), 0, CLASS_NUM, dtype=jnp.int64 if jax.config.jax_enable_x64 else jnp.int32)
    center = jax.random.normal(k3, (CLASS_NUM, FEATURES_NUM), dtype=jnp.float32)
    return {"features": features, "labels": labels, "center": center}


def reference(features, labels, center):
    # center_expand = center.index_select(0, labels)
    center_expand = jnp.take(center, labels, axis=0)
    # count = torch.histc(labels, bins=class_num, min=0, max=class_num-1)
    count = jnp.bincount(labels, length=CLASS_NUM)
    count_expand = jnp.take(count, labels, axis=0).astype(jnp.float32)
    diff = features - center_expand
    dist = jnp.sqrt(jnp.sum(diff * diff, axis=1))
    loss = jnp.sum(dist / count_expand)
    return loss

if __name__ == "__main__":
    import jax
    _d = setup_inputs()
    print(jax.jit(kernel)(*tuple(_d.values())))

</pallas_src>

<mosaic_0001>
#map = affine_map<(d0, d1) -> (0, 0)>
#map1 = affine_map<(d0, d1) -> (0)>
module attributes {stable_mosaic.version = 14 : i64} {
  func.func @k(%arg0: i32, %arg1: i32, %arg2: memref<4096x512xf32, #tpu.memory_space<hbm>>, %arg3: memref<4096xi32, #tpu.memory_space<hbm>>, %arg4: memref<1000x512xf32, #tpu.memory_space<hbm>>, %arg5: memref<2x1024xf32, #tpu.memory_space<hbm>>, %arg6: memref<2x1024xf32, #tpu.memory_space<hbm>>, %arg7: memref<128xi32, #tpu.memory_space<vmem>>, %arg8: memref<2x16x512xf32, #tpu.memory_space<vmem>>, %arg9: memref<2x16x512xf32, #tpu.memory_space<vmem>>, %arg10: memref<128xf32, #tpu.memory_space<vmem>>, %arg11: memref<128xf32, #tpu.memory_space<vmem>>, %arg12: memref<1024xf32, #tpu.memory_space<vmem>>, %arg13: memref<16x17xf32, #tpu.memory_space<vmem>>, %arg14: memref<!tpu.dma_semaphore, #tpu.memory_space<semaphore_mem>>, %arg15: memref<!tpu.dma_semaphore, #tpu.memory_space<semaphore_mem>>, %arg16: memref<!tpu.dma_semaphore, #tpu.memory_space<semaphore_mem>>, %arg17: memref<!tpu.dma_semaphore, #tpu.memory_space<semaphore_mem>>, %arg18: memref<1024xf32, #tpu.memory_space<vmem_shared>>, %arg19: memref<1024xf32, #tpu.memory_space<vmem_shared>>) attributes {dimension_semantics = [#tpu.dimension_semantics<core_parallel>, #tpu.dimension_semantics<subcore_parallel>], iteration_bounds = array<i64: 2, 16>, scalar_prefetch = 0 : i64, scratch_operands = 13 : i64, tpu.core_type = #tpu.core_type<sc_vector_subcore>, window_params = [{transform_indices = #map}, {transform_indices = #map1}, {transform_indices = #map}, {transform_indices = #map}, {transform_indices = #map}]} {
    %mul3A = arith.constant 2 : i32
    %mul3A_0 = arith.muli %arg1, %mul3A : i32
    %add3A = arith.addi %mul3A_0, %arg0 : i32
    %mul3A_1 = arith.constant 128 : i32
    %mul3A_2 = arith.muli %add3A, %mul3A_1 : i32
    "tpu.region"() ({
      %run_scoped3A = tpu.sem_alloc : memref<!tpu.dma_semaphore, #tpu.memory_space<semaphore_mem>>
      %dma_start3A_211 = tpu.memref_slice %arg3[%mul3A_2] : memref<4096xi32, #tpu.memory_space<hbm>> -> memref<128xi32, #tpu.memory_space<hbm>>
      %dma_start3A_212 = tpu.memref_slice %arg3[%mul3A_2] : memref<4096xi32, #tpu.memory_space<hbm>> -> memref<128xi32, #tpu.memory_space<hbm>>
      tpu.enqueue_dma source(%dma_start3A_212 : memref<128xi32, #tpu.memory_space<hbm>>) target(%arg7 : memref<128xi32, #tpu.memory_space<vmem>>) target_semaphore(%run_scoped3A : memref<!tpu.dma_semaphore, #tpu.memory_space<semaphore_mem>>)
      %dma_wait3A = tpu.memref_slice %arg3[%mul3A_2] : memref<4096xi32, #tpu.memory_space<hbm>> -> memref<128xi32, #tpu.memory_space<hbm>>
      %dma_wait3A_213 = tpu.memref_slice %arg3[%mul3A_2] : memref<4096xi32, #tpu.memory_space<hbm>> -> memref<128xi32, #tpu.memory_space<hbm>>
      tpu.wait_dma2 semaphore(%run_scoped3A : memref<!tpu.dma_semaphore, #tpu.memory_space<semaphore_mem>>) src(%dma_wait3A_213 : memref<128xi32, #tpu.memory_space<hbm>>) dst(%arg7 : memref<128xi32, #tpu.memory_space<vmem>>)
      tpu.yield
    }) : () -> ()
    %add3A_3 = arith.constant 0 : i32
    %add3A_4 = arith.addi %mul3A_2, %add3A_3 : i32
    %dma_start3A = arith.constant 0 : i32
    %dma_start3A_5 = arith.constant 0 : i32
    %dma_start3A_6 = arith.constant 0 : i32
    %dma_start3A_7 = tpu.memref_slice %arg8[%dma_start3A, %dma_start3A_5, %dma_start3A_6] : memref<2x16x512xf32, #tpu.memory_space<vmem>> -> memref<1x16x512xf32, #tpu.memory_space<vmem>>
    %dma_start3A_8 = tpu.memref_squeeze %dma_start3A_7 : memref<1x16x512xf32, #tpu.memory_space<vmem>> -> memref<16x512xf32, #tpu.memory_space<vmem>>
    %dma_start3A_9 = arith.constant 0 : i32
    %dma_start3A_10 = tpu.memref_slice %arg2[%add3A_4, %dma_start3A_9] : memref<4096x512xf32, #tpu.memory_space<hbm>> -> memref<16x512xf32, #tpu.memory_space<hbm>>
    %dma_start3A_11 = arith.constant 0 : i32
    %dma_start3A_12 = arith.constant 0 : i32
    %dma_start3A_13 = tpu.memref_slice %arg8[%dma_start3A, %dma_start3A_11, %dma_start3A_12] : memref<2x16x512xf32, #tpu.memory_space<vmem>> -> memref<1x16x512xf32, #tpu.memory_space<vmem>>
    %dma_start3A_14 = tpu.memref_squeeze %dma_start3A_13 : memref<1x16x512xf32, #tpu.memory_space<vmem>> -> memref<16x512xf32, #tpu.memory_space<vmem>>
    %dma_start3A_15 = arith.constant 0 : i32
    %dma_start3A_16 = tpu.memref_slice %arg2[%add3A_4, %dma_start3A_15] : memref<4096x512xf32, #tpu.memory_space<hbm>> -> memref<16x512xf32, #tpu.memory_space<hbm>>
    tpu.enqueue_dma source(%dma_start3A_16 : memref<16x512xf32, #tpu.memory_space<hbm>>) target(%dma_start3A_14 : memref<16x512xf32, #tpu.memory_space<vmem>>) target_semaphore(%arg14 : memref<!tpu.dma_semaphore, #tpu.memory_space<semaphore_mem>>)
    %dma_start3A_17 = arith.constant 0 : i32
    %dma_start3A_18 = arith.constant 0 : i32
    %dma_start3A_19 = arith.constant 0 : i32
    %dma_start3A_20 = tpu.memref_slice %arg9[%dma_start3A_17, %dma_start3A_18, %dma_start3A_19] : memref<2x16x512xf32, #tpu.memory_space<vmem>> -> memref<1x16x512xf32, #tpu.memory_space<vmem>>
    %dma_start3A_21 = tpu.memref_squeeze %dma_start3A_20 : memref<1x16x512xf32, #tpu.memory_space<vmem>> -> memref<16x512xf32, #tpu.memory_space<vmem>>
    %dma_start3A_22 = arith.constant 0 : i32
    %dma_start3A_23 = tpu.memref_slice %arg7[%dma_start3A_22] : memref<128xi32, #tpu.memory_space<vmem>> -> memref<16xi32, #tpu.memory_space<vmem>>
    %dma_start3A_24 = arith.constant 0 : i32
    %dma_start3A_25 = arith.constant 0 : i32
    %dma_start3A_26 = tpu.memref_slice %arg4[%dma_start3A_24, %dma_start3A_25] : memref<1000x512xf32, #tpu.memory_space<hbm>> -> memref<1000x512xf32, #tpu.memory_space<hbm>>
    tpu.enqueue_indirect_dma source(%dma_start3A_26 : memref<1000x512xf32, #tpu.memory_space<hbm>>) target(%dma_start3A_21 : memref<16x512xf32, #tpu.memory_space<vmem>>) offsets(%dma_start3A_23 : memref<16xi32, #tpu.memory_space<vmem>>) semaphore(%arg16 : memref<!tpu.dma_semaphore, #tpu.memory_space<semaphore_mem>>)
    %add3A_27 = arith.constant 16 : i32
    %add3A_28 = arith.addi %mul3A_2, %add3A_27 : i32
    %dma_start3A_29 = arith.constant 1 : i32
    %dma_start3A_30 = arith.constant 0 : i32
    %dma_start3A_31 = arith.constant 0 : i32
    %dma_start3A_32 = tpu.memref_slice %arg8[%dma_start3A_29, %dma_start3A_30, %dma_start3A_31] : memref<2x16x512xf32, #tpu.memory_space<vmem>> -> memref<1x16x512xf32, #tpu.memory_space<vmem>>
    %dma_start3A_33 = tpu.memref_squeeze %dma_start3A_32 : memref<1x16x512xf32, #tpu.memory_space<vmem>> -> memref<16x512xf32, #tpu.memory_space<vmem>>
    %dma_start3A_34 = arith.constant 0 : i32
    %dma_start3A_35 = tpu.memref_slice %arg2[%add3A_28, %dma_start3A_34] : memref<4096x512xf32, #tpu.memory_space<hbm>> -> memref<16x512xf32, #tpu.memory_space<hbm>>
    %dma_start3A_36 = arith.constant 0 : i32
    %dma_start3A_37 = arith.constant 0 : i32
    %dma_start3A_38 = tpu.memref_slice %arg8[%dma_start3A_29, %dma_start3A_36, %dma_start3A_37] : memref<2x16x512xf32, #tpu.memory_space<vmem>> -> memref<1x16x512xf32, #tpu.memory_space<vmem>>
    %dma_start3A_39 = tpu.memref_squeeze %dma_start3A_38 : memref<1x16x512xf32, #tpu.memory_space<vmem>> -> memref<16x512xf32, #tpu.memory_space<vmem>>
    %dma_start3A_40 = arith.constant 0 : i32
    %dma_start3A_41 = tpu.memref_slice %arg2[%add3A_28, %dma_start3A_40] : memref<4096x512xf32, #tpu.memory_space<hbm>> -> memref<16x512xf32, #tpu.memory_space<hbm>>
    tpu.enqueue_dma source(%dma_start3A_41 : memref<16x512xf32, #tpu.memory_space<hbm>>) target(%dma_start3A_39 : memref<16x512xf32, #tpu.memory_space<vmem>>) target_semaphore(%arg15 : memref<!tpu.dma_semaphore, #tpu.memory_space<semaphore_mem>>)
    %dma_start3A_42 = arith.constant 1 : i32
    %dma_start3A_43 = arith.constant 0 : i32
    %dma_start3A_44 = arith.constant 0 : i32
    %dma_start3A_45 = tpu.memref_slice %arg9[%dma_start3A_42, %dma_start3A_43, %dma_start3A_44] : memref<2x16x512xf32, #tpu.memory_space<vmem>> -> memref<1x16x512xf32, #tpu.memory_space<vmem>>
    %dma_start3A_46 = tpu.memref_squeeze %dma_start3A_45 : memref<1x16x512xf32, #tpu.memory_space<vmem>> -> memref<16x512xf32, #tpu.memory_space<vmem>>
    %dma_start3A_47 = arith.constant 16 : i32
    %dma_start3A_48 = tpu.memref_slice %arg7[%dma_start3A_47] : memref<128xi32, #tpu.memory_space<vmem>> -> memref<16xi32, #tpu.memory_space<vmem>>
    %dma_start3A_49 = arith.constant 0 : i32
    %dma_start3A_50 = arith.constant 0 : i32
    %dma_start3A_51 = tpu.memref_slice %arg4[%dma_start3A_49, %dma_start3A_50] : memref<1000x512xf32, #tpu.memory_space<hbm>> -> memref<1000x512xf32, #tpu.memory_space<hbm>>
    tpu.enqueue_indirect_dma source(%dma_start3A_51 : memref<1000x512xf32, #tpu.memory_space<hbm>>) target(%dma_start3A_46 : memref<16x512xf32, #tpu.memory_space<vmem>>) offsets(%dma_start3A_48 : memref<16xi32, #tpu.memory_space<vmem>>) semaphore(%arg17 : memref<!tpu.dma_semaphore, #tpu.memory_space<semaphore_mem>>)
    %broadcast_in_dim3A = arith.constant 0.000000e+00 : f32
    %broadcast_in_dim3A_52 = vector.broadcast %broadcast_in_dim3A : f32 to vector<16xf32>
    %swap3A = arith.constant 0 : index
    %swap3A_53 = tpu.vector_load %arg12[%swap3A] {strides = array<i32>} : memref<1024xf32, #tpu.memory_space<vmem>>, vector<16xf32>,
    tpu.vector_store %arg12[%swap3A], %broadcast_in_dim3A_52 {strides = array<i32>} : memref<1024xf32, #tpu.memory_space<vmem>>, vector<16xf32>,
    %swap3A_54 = arith.constant 16 : index
    %swap3A_55 = tpu.vector_load %arg12[%swap3A_54] {strides = array<i32>} : memref<1024xf32, #tpu.memory_space<vmem>>, vector<16xf32>,
    tpu.vector_store %arg12[%swap3A_54], %broadcast_in_dim3A_52 {strides = array<i32>} : memref<1024xf32, #tpu.memory_space<vmem>>, vector<16xf32>,
    %swap3A_56 = arith.constant 32 : index
    %swap3A_57 = tpu.vector_load %arg12[%swap3A_56] {strides = array<i32>} : memref<1024xf32, #tpu.memory_space<vmem>>, vector<16xf32>,
    tpu.vector_store %arg12[%swap3A_56], %broadcast_in_dim3A_52 {strides = array<i32>} : memref<1024xf32, #tpu.memory_space<vmem>>, vector<16xf32>,
    %swap3A_58 = arith.constant 48 : index
    %swap3A_59 = tpu.vector_load %arg12[%swap3A_58] {strides = array<i32>} : memref<1024xf32, #tpu.memory_space<vmem>>, vector<16xf32>,
    tpu.vector_store %arg12[%swap3A_58], %broadcast_in_dim3A_52 {strides = array<i32>} : memref<1024xf32, #tpu.memory_space<vmem>>, vector<16xf32>,
    %swap3A_60 = arith.constant 64 : index
    %swap3A_61 = tpu.vector_load %arg12[%swap3A_60] {strides = array<i32>} : memref<1024xf32, #tpu.memory_space<vmem>>, vector<16xf32>,
    tpu.vector_store %arg12[%swap3A_60], %broadcast_in_dim3A_52 {strides = array<i32>} : memref<1024xf32, #tpu.memory_space<vmem>>, vector<16xf32>,
    %swap3A_62 = arith.constant 80 : index
    %swap3A_63 = tpu.vector_load %arg12[%swap3A_62] {strides = array<i32>} : memref<1024xf32, #tpu.memory_space<vmem>>, vector<16xf32>,
    tpu.vector_store %arg12[%swap3A_62], %broadcast_in_dim3A_52 {strides = array<i32>} : memref<1024xf32, #tpu.memory_space<vmem>>, vector<16xf32>,
    %swap3A_64 = arith.constant 96 : index
    %swap3A_65 = tpu.vector_load %arg12[%swap3A_64] {strides = array<i32>} : memref<1024xf32, #tpu.memory_space<vmem>>, vector<16xf32>,
    tpu.vector_store %arg12[%swap3A_64], %broadcast_in_dim3A_52 {strides = array<i32>} : memref<1024xf32, #tpu.memory_space<vmem>>, vector<16xf32>,
    %swap3A_66 = arith.constant 112 : index
    %swap3A_67 = tpu.vector_load %arg12[%swap3A_66] {strides = array<i32>} : memref<1024xf32, #tpu.memory_space<vmem>>, vector<16xf32>,
    tpu.vector_store %arg12[%swap3A_66], %broadcast_in_dim3A_52 {strides = array<i32>} : memref<1024xf32, #tpu.memory_space<vmem>>, vector<16xf32>,
    %swap3A_68 = arith.constant 128 : index
    %swap3A_69 = tpu.vector_load %arg12[%swap3A_68] {strides = array<i32>} : memref<1024xf32, #tpu.memory_space<vmem>>, vector<16xf32>,
    tpu.vector_store %arg12[%swap3A_68], %broadcast_in_dim3A_52 {strides = array<i32>} : memref<1024xf32, #tpu.memory_space<vmem>>, vector<16xf32>,
    %swap3A_70 = arith.constant 144 : index
    %swap3A_71 = tpu.vector_load %arg12[%swap3A_70] {strides = array<i32>} : memref<1024xf32, #tpu.memory_space<vmem>>, vector<16xf32>,
    tpu.vector_store %arg12[%swap3A_70], %broadcast_in_dim3A_52 {strides = array<i32>} : memref<1024xf32, #tpu.memory_space<vmem>>, vector<16xf32>,
    %swap3A_72 = arith.constant 160 : index
    %swap3A_73 = tpu.vector_load %arg12[%swap3A_72] {strides = array<i32>} : memref<1024xf32, #tpu.memory_space<vmem>>, vector<16xf32>,
    tpu.vector_store %arg12[%swap3A_72], %broadcast_in_dim3A_52 {strides = array<i32>} : memref<1024xf32, #tpu.memory_space<vmem>>, vector<16xf32>,
    %swap3A_74 = arith.constant 176 : index
    %swap3A_75 = tpu.vector_load %arg12[%swap3A_74] {strides = array<i32>} : memref<1024xf32, #tpu.memory_space<vmem>>, vector<16xf32>,
    tpu.vector_store %arg12[%swap3A_74], %broadcast_in_dim3A_52 {strides = array<i32>} : memref<1024xf32, #tpu.memory_space<vmem>>, vector<16xf32>,
    %swap3A_76 = arith.constant 192 : index
    %swap3A_77 = tpu.vector_load %arg12[%swap3A_76] {strides = array<i32>} : memref<1024xf32, #tpu.memory_space<vmem>>, vector<16xf32>,
    tpu.vector_store %arg12[%swap3A_76], %broadcast_in_dim3A_52 {strides = array<i32>} : memref<1024xf32, #tpu.memory_space<vmem>>, vector<16xf32>,
    %swap3A_78 = arith.constant 208 : index
    %swap3A_79 = tpu.vector_load %arg12[%swap3A_78] {strides = array<i32>} : memref<1024xf32, #tpu.memory_space<vmem>>, vector<16xf32>,
    tpu.vector_store %arg12[%swap3A_78], %broadcast_in_dim3A_52 {strides = array<i32>} : memref<1024xf32, #tpu.memory_space<vmem>>, vector<16xf32>,
    %swap3A_80 = arith.constant 224 : index
    %swap3A_81 = tpu.vector_load %arg12[%swap3A_80] {strides = array<i32>} : memref<1024xf32, #tpu.memory_space<vmem>>, vector<16xf32>,
    tpu.vector_store %arg12[%swap3A_80], %broadcast_in_dim3A_52 {strides = array<i32>} : memref<1024xf32, #tpu.memory_space<vmem>>, vector<16xf32>,
    %swap3A_82 = arith.constant 240 : index
    %swap3A_83 = tpu.vector_load %arg12[%swap3A_82] {strides = array<i32>} : memref<1024xf32, #tpu.memory_space<vmem>>, vector<16xf32>,
    tpu.vector_store %arg12[%swap3A_82], %broadcast_in_dim3A_52 {strides = array<i32>} : memref<1024xf32, #tpu.memory_space<vmem>>, vector<16xf32>,
    %swap3A_84 = arith.constant 256 : index
    %swap3A_85 = tpu.vector_load %arg12[%swap3A_84] {strides = array<i32>} : memref<1024xf32, #tpu.memory_space<vmem>>, vector<16xf32>,
    tpu.vector_store %arg12[%swap3A_84], %broadcast_in_dim3A_52 {strides = array<i32>} : memref<1024xf32, #tpu.memory_space<vmem>>, vector<16xf32>,
    %swap3A_86 = arith.constant 272 : index
    %swap3A_87 = tpu.vector_load %arg12[%swap3A_86] {strides = array<i32>} : memref<1024xf32, #tpu.memory_space<vmem>>, vector<16xf32>,
    tpu.vector_store %arg12[%swap3A_86], %broadcast_in_dim3A_52 {strides = array<i32>} : memref<1024xf32, #tpu.memory_space<vmem>>, vector<16xf32>,
    %swap3A_88 = arith.constant 288 : index
    %swap3A_89 = tpu.vector_load %arg12[%swap3A_88] {strides = array<i32>} : memref<1024xf32, #tpu.memory_space<vmem>>, vector<16xf32>,
    tpu.vector_store %arg12[%swap3A_88], %broadcast_in_dim3A_52 {strides = array<i32>} : memref<1024xf32, #tpu.memory_space<vmem>>, vector<16xf32>,
    %swap3A_90 = arith.constant 304 : index
    %swap3A_91 = tpu.vector_load %arg12[%swap3A_90] {strides = array<i32>} : memref<1024xf32, #tpu.memory_space<vmem>>, vector<16xf32>,
    tpu.vector_store %arg12[%swap3A_90], %broadcast_in_dim3A_52 {strides = array<i32>} : memref<1024xf32, #tpu.memory_space<vmem>>, vector<16xf32>,
    %swap3A_92 = arith.constant 320 : index
    %swap3A_93 = tpu.vector_load %arg12[%swap3A_92] {strides = array<i32>} : memref<1024xf32, #tpu.memory_space<vmem>>, vector<16xf32>,
    tpu.vector_store %arg12[%swap3A_92], %broadcast_in_dim3A_52 {strides = array<i32>} : memref<1024xf32, #tpu.memory_space<vmem>>, vector<16xf32>,
    %swap3A_94 = arith.constant 336 : index
    %swap3A_95 = tpu.vector_load %arg12[%swap3A_94] {strides = array<i32>} : memref<1024xf32, #tpu.memory_space<vmem>>, vector<16xf32>,
    tpu.vector_store %arg12[%swap3A_94], %broadcast_in_dim3A_52 {strides = array<i32>} : memref<1024xf32, #tpu.memory_space<vmem>>, vector<16xf32>,
    %swap3A_96 = arith.constant 352 : index
    %swap3A_97 = tpu.vector_load %arg12[%swap3A_96] {strides = array<i32>} : memref<1024xf32, #tpu.memory_space<vmem>>, vector<16xf32>,
    tpu.vector_store %arg12[%swap3A_96], %broadcast_in_dim3A_52 {strides = array<i32>} : memref<1024xf32, #tpu.memory_space<vmem>>, vector<16xf32>,
    %swap3A_98 = arith.constant 368 : index
    %swap3A_99 = tpu.vector_load %arg12[%swap3A_98] {strides = array<i32>} : memref<1024xf32, #tpu.memory_space<vmem>>, vector<16xf32>,
    tpu.vector_store %arg12[%swap3A_98], %broadcast_in_dim3A_52 {strides = array<i32>} : memref<1024xf32, #tpu.memory_space<vmem>>, vector<16xf32>,
    %swap3A_100 = arith.constant 384 : index
    %swap3A_101 = tpu.vector_load %arg12[%swap3A_100] {strides = array<i32>} : memref<1024xf32, #tpu.memory_space<vmem>>, vector<16xf32>,
    tpu.vector_store %arg12[%swap3A_100], %broadcast_in_dim3A_52 {strides = array<i32>} : memref<1024xf32, #tpu.memory_space<vmem>>, vector<16xf32>,
    %swap3A_102 = arith.constant 400 : index
    %swap3A_103 = tpu.vector_load %arg12[%swap3A_102] {strides = array<i32>} : memref<1024xf32, #tpu.memory_space<vmem>>, vector<16xf32>,
    tpu.vector_store %arg12[%swap3A_102], %broadcast_in_dim3A_52 {strides = array<i32>} : memref<1024xf32, #tpu.memory_space<vmem>>, vector<16xf32>,
    %swap3A_104 = arith.constant 416 : index
    %swap3A_105 = tpu.vector_load %arg12[%swap3A_104] {strides = array<i32>} : memref<1024xf32, #tpu.memory_space<vmem>>, vector<16xf32>,
    tpu.vector_store %arg12[%swap3A_104], %broadcast_in_dim3A_52 {strides = array<i32>} : memref<1024xf32, #tpu.memory_space<vmem>>, vector<16xf32>,
    %swap3A_106 = arith.constant 432 : index
    %swap3A_107 = tpu.vector_load %arg12[%swap3A_106] {strides = array<i32>} : memref<1024xf32, #tpu.memory_space<vmem>>, vector<16xf32>,
    tpu.vector_store %arg12[%swap3A_106], %broadcast_in_dim3A_52 {strides = array<i32>} : memref<1024xf32, #tpu.memory_space<vmem>>, vector<16xf32>,
    %swap3A_108 = arith.constant 448 : index
    %swap3A_109 = tpu.vector_load %arg12[%swap3A_108] {strides = array<i32>} : memref<1024xf32, #tpu.memory_space<vmem>>, vector<16xf32>,
    tpu.vector_store %arg12[%swap3A_108], %broadcast_in_dim3A_52 {strides = array<i32>} : memref<1024xf32, #tpu.memory_space<vmem>>, vector<16xf32>,
    %swap3A_110 = arith.constant 464 : index
    %swap3A_111 = tpu.vector_load %arg12[%swap3A_110] {strides = array<i32>} : memref<1024xf32, #tpu.memory_space<vmem>>, vector<16xf32>,
    tpu.vector_store %arg12[%swap3A_110], %broadcast_in_dim3A_52 {strides = array<i32>} : memref<1024xf32, #tpu.memory_space<vmem>>, vector<16xf32>,
    %swap3A_112 = arith.constant 480 : index
    %swap3A_113 = tpu.vector_load %arg12[%swap3A_112] {strides = array<i32>} : memref<1024xf32, #tpu.memory_space<vmem>>, vector<16xf32>,
    tpu.vector_store %arg12[%swap3A_112], %broadcast_in_dim3A_52 {strides = array<i32>} : memref<1024xf32, #tpu.memory_space<vmem>>, vector<16xf32>,
    %swap3A_114 = arith.constant 496 : index
    %swap3A_115 = tpu.vector_load %arg12[%swap3A_114] {strides = array<i32>} : memref<1024xf32, #tpu.memory_space<vmem>>, vector<16xf32>,
    tpu.vector_store %arg12[%swap3A_114], %broadcast_in_dim3A_52 {strides = array<i32>} : memref<1024xf32, #tpu.memory_space<vmem>>, vector<16xf32>,
    %swap3A_116 = arith.constant 512 : index
    %swap3A_117 = tpu.vector_load %arg12[%swap3A_116] {strides = array<i32>} : memref<1024xf32, #tpu.memory_space<vmem>>, vector<16xf32>,
    tpu.vector_store %arg12[%swap3A_116], %broadcast_in_dim3A_52 {strides = array<i32>} : memref<1024xf32, #tpu.memory_space<vmem>>, vector<16xf32>,
    %swap3A_118 = arith.constant 528 : index
    %swap3A_119 = tpu.vector_load %arg12[%swap3A_118] {strides = array<i32>} : memref<1024xf32, #tpu.memory_space<vmem>>, vector<16xf32>,
    tpu.vector_store %arg12[%swap3A_118], %broadcast_in_dim3A_52 {strides = array<i32>} : memref<1024xf32, #tpu.memory_space<vmem>>, vector<16xf32>,
    %swap3A_120 = arith.constant 544 : index
    %swap3A_121 = tpu.vector_load %arg12[%swap3A_120] {strides = array<i32>} : memref<1024xf32, #tpu.memory_space<vmem>>, vector<16xf32>,
    tpu.vector_store %arg12[%swap3A_120], %broadcast_in_dim3A_52 {strides = array<i32>} : memref<1024xf32, #tpu.memory_space<vmem>>, vector<16xf32>,
    %swap3A_122 = arith.constant 560 : index
    %swap3A_123 = tpu.vector_load %arg12[%swap3A_122] {strides = array<i32>} : memref<1024xf32, #tpu.memory_space<vmem>>, vector<16xf32>,
    tpu.vector_store %arg12[%swap3A_122], %broadcast_in_dim3A_52 {strides = array<i32>} : memref<1024xf32, #tpu.memory_space<vmem>>, vector<16xf32>,
    %swap3A_124 = arith.constant 576 : index
    %swap3A_125 = tpu.vector_load %arg12[%swap3A_124] {strides = array<i32>} : memref<1024xf32, #tpu.memory_space<vmem>>, vector<16xf32>,
    tpu.vector_store %arg12[%swap3A_124], %broadcast_in_dim3A_52 {strides = array<i32>} : memref<1024xf32, #tpu.memory_space<vmem>>, vector<16xf32>,
    %swap3A_126 = arith.constant 592 : index
    %swap3A_127 = tpu.vector_load %arg12[%swap3A_126] {strides = array<i32>} : memref<1024xf32, #tpu.memory_space<vmem>>, vector<16xf32>,
    tpu.vector_store %arg12[%swap3A_126], %broadcast_in_dim3A_52 {strides = array<i32>} : memref<1024xf32, #tpu.memory_space<vmem>>, vector<16xf32>,
    %swap3A_128 = arith.constant 608 : index
    %swap3A_129 = tpu.vector_load %arg12[%swap3A_128] {strides = array<i32>} : memref<1024xf32, #tpu.memory_space<vmem>>, vector<16xf32>,
    tpu.vector_store %arg12[%swap3A_128], %broadcast_in_dim3A_52 {strides = array<i32>} : memref<1024xf32, #tpu.memory_space<vmem>>, vector<16xf32>,
    %swap3A_130 = arith.constant 624 : index
    %swap3A_131 = tpu.vector_load %arg12[%swap3A_130] {strides = array<i32>} : memref<1024xf32, #tpu.memory_space<vmem>>, vector<16xf32>,
    tpu.vector_store %arg12[%swap3A_130], %broadcast_in_dim3A_52 {strides = array<i32>} : memref<1024xf32, #tpu.memory_space<vmem>>, vector<16xf32>,
    %swap3A_132 = arith.constant 640 : index
    %swap3A_133 = tpu.vector_load %arg12[%swap3A_132] {strides = array<i32>} : memref<1024xf32, #tpu.memory_space<vmem>>, vector<16xf32>,
    tpu.vector_store %arg12[%swap3A_132], %broadcast_in_dim3A_52 {strides = array<i32>} : memref<1024xf32, #tpu.memory_space<vmem>>, vector<16xf32>,
    %swap3A_134 = arith.constant 656 : index
    %swap3A_135 = tpu.vector_load %arg12[%swap3A_134] {strides = array<i32>} : memref<1024xf32, #tpu.memory_space<vmem>>, vector<16xf32>,
    tpu.vector_store %arg12[%swap3A_134], %broadcast_in_dim3A_52 {strides = array<i32>} : memref<1024xf32, #tpu.memory_space<vmem>>, vector<16xf32>,
    %swap3A_136 = arith.constant 672 : index
    %swap3A_137 = tpu.vector_load %arg12[%swap3A_136] {strides = array<i32>} : memref<1024xf32, #tpu.memory_space<vmem>>, vector<16xf32>,
    tpu.vector_store %arg12[%swap3A_136], %broadcast_in_dim3A_52 {strides = array<i32>} : memref<1024xf32, #tpu.memory_space<vmem>>, vector<16xf32>,
    %swap3A_138 = arith.constant 688 : index
    %swap3A_139 = tpu.vector_load %arg12[%swap3A_138] {strides = array<i32>} : memref<1024xf32, #tpu.memory_space<vmem>>, vector<16xf32>,
    tpu.vector_store %arg12[%swap3A_138], %broadcast_in_dim3A_52 {strides = array<i32>} : memref<1024xf32, #tpu.memory_space<vmem>>, vector<16xf32>,
    %swap3A_140 = arith.constant 704 : index
    %swap3A_141 = tpu.vector_load %arg12[%swap3A_140] {strides = array<i32>} : memref<1024xf32, #tpu.memory_space<vmem>>, vector<16xf32>,
    tpu.vector_store %arg12[%swap3A_140], %broadcast_in_dim3A_52 {strides = array<i32>} : memref<1024xf32, #tpu.memory_space<vmem>>, vector<16xf32>,
    %swap3A_142 = arith.constant 720 : index
    %swap3A_143 = tpu.vector_load %arg12[%swap3A_142] {strides = array<i32>} : memref<1024xf32, #tpu.memory_space<vmem>>, vector<16xf32>,
    tpu.vector_store %arg12[%swap3A_142], %broadcast_in_dim3A_52 {strides = array<i32>} : memref<1024xf32, #tpu.memory_space<vmem>>, vector<16xf32>,
    %swap3A_144 = arith.constant 736 : index
    %swap3A_145 = tpu.vector_load %arg12[%swap3A_144] {strides = array<i32>} : memref<1024xf32, #tpu.memory_space<vmem>>, vector<16xf32>,
    tpu.vector_store %arg12[%swap3A_144], %broadcast_in_dim3A_52 {strides = array<i32>} : memref<1024xf32, #tpu.memory_space<vmem>>, vector<16xf32>,
    %swap3A_146 = arith.constant 752 : index
    %swap3A_147 = tpu.vector_load %arg12[%swap3A_146] {strides = array<i32>} : memref<1024xf32, #tpu.memory_space<vmem>>, vector<16xf32>,
    tpu.vector_store %arg12[%swap3A_146], %broadcast_in_dim3A_52 {strides = array<i32>} : memref<1024xf32, #tpu.memory_space<vmem>>, vector<16xf32>,
    %swap3A_148 = arith.constant 768 : index
    %swap3A_149 = tpu.vector_load %arg12[%swap3A_148] {strides = array<i32>} : memref<1024xf32, #tpu.memory_space<vmem>>, vector<16xf32>,
    tpu.vector_store %arg12[%swap3A_148], %broadcast_in_dim3A_52 {strides = array<i32>} : memref<1024xf32, #tpu.memory_space<vmem>>, vector<16xf32>,
    %swap3A_150 = arith.constant 784 : index
    %swap3A_151 = tpu.vector_load %arg12[%swap3A_150] {strides = array<i32>} : memref<1024xf32, #tpu.memory_space<vmem>>, vector<16xf32>,
    tpu.vector_store %arg12[%swap3A_150], %broadcast_in_dim3A_52 {strides = array<i32>} : memref<1024xf32, #tpu.memory_space<vmem>>, vector<16xf32>,
    %swap3A_152 = arith.constant 800 : index
    %swap3A_153 = tpu.vector_load %arg12[%swap3A_152] {strides = array<i32>} : memref<1024xf32, #tpu.memory_space<vmem>>, vector<16xf32>,
    tpu.vector_store %arg12[%swap3A_152], %broadcast_in_dim3A_52 {strides = array<i32>} : memref<1024xf32, #tpu.memory_space<vmem>>, vector<16xf32>,
    %swap3A_154 = arith.constant 816 : index
    %swap3A_155 = tpu.vector_load %arg12[%swap3A_154] {strides = array<i32>} : memref<1024xf32, #tpu.memory_space<vmem>>, vector<16xf32>,
    tpu.vector_store %arg12[%swap3A_154], %broadcast_in_dim3A_52 {strides = array<i32>} : memref<1024xf32, #tpu.memory_space<vmem>>, vector<16xf32>,
    %swap3A_156 = arith.constant 832 : index
    %swap3A_157 = tpu.vector_load %arg12[%swap3A_156] {strides = array<i32>} : memref<1024xf32, #tpu.memory_space<vmem>>, vector<16xf32>,
    tpu.vector_store %arg12[%swap3A_156], %broadcast_in_dim3A_52 {strides = array<i32>} : memref<1024xf32, #tpu.memory_space<vmem>>, vector<16xf32>,
    %swap3A_158 = arith.constant 848 : index
    %swap3A_159 = tpu.vector_load %arg12[%swap3A_158] {strides = array<i32>} : memref<1024xf32, #tpu.memory_space<vmem>>, vector<16xf32>,
    tpu.vector_store %arg12[%swap3A_158], %broadcast_in_dim3A_52 {strides = array<i32>} : memref<1024xf32, #tpu.memory_space<vmem>>, vector<16xf32>,
    %swap3A_160 = arith.constant 864 : index
    %swap3A_161 = tpu.vector_load %arg12[%swap3A_160] {strides = array<i32>} : memref<1024xf32, #tpu.memory_space<vmem>>, vector<16xf32>,
    tpu.vector_store %arg12[%swap3A_160], %broadcast_in_dim3A_52 {strides = array<i32>} : memref<1024xf32, #tpu.memory_space<vmem>>, vector<16xf32>,
    %swap3A_162 = arith.constant 880 : index
    %swap3A_163 = tpu.vector_load %arg12[%swap3A_162] {strides = array<i32>} : memref<1024xf32, #tpu.memory_space<vmem>>, vector<16xf32>,
    tpu.vector_store %arg12[%swap3A_162], %broadcast_in_dim3A_52 {strides = array<i32>} : memref<1024xf32, #tpu.memory_space<vmem>>, vector<16xf32>,
    %swap3A_164 = arith.constant 896 : index
    %swap3A_165 = tpu.vector_load %arg12[%swap3A_164] {strides = array<i32>} : memref<1024xf32, #tpu.memory_space<vmem>>, vector<16xf32>,
    tpu.vector_store %arg12[%swap3A_164], %broadcast_in_dim3A_52 {strides = array<i32>} : memref<1024xf32, #tpu.memory_space<vmem>>, vector<16xf32>,
    %swap3A_166 = arith.constant 912 : index
    %swap3A_167 = tpu.vector_load %arg12[%swap3A_166] {strides = array<i32>} : memref<1024xf32, #tpu.memory_space<vmem>>, vector<16xf32>,
    tpu.vector_store %arg12[%swap3A_166], %broadcast_in_dim3A_52 {strides = array<i32>} : memref<1024xf32, #tpu.memory_space<vmem>>, vector<16xf32>,
    %swap3A_168 = arith.constant 928 : index
    %swap3A_169 = tpu.vector_load %arg12[%swap3A_168] {strides = array<i32>} : memref<1024xf32, #tpu.memory_space<vmem>>, vector<16xf32>,
    tpu.vector_store %arg12[%swap3A_168], %broadcast_in_dim3A_52 {strides = array<i32>} : memref<1024xf32, #tpu.memory_space<vmem>>, vector<16xf32>,
    %swap3A_170 = arith.constant 944 : index
    %swap3A_171 = tpu.vector_load %arg12[%swap3A_170] {strides = array<i32>} : memref<1024xf32, #tpu.memory_space<vmem>>, vector<16xf32>,
    tpu.vector_store %arg12[%swap3A_170], %broadcast_in_dim3A_52 {strides = array<i32>} : memref<1024xf32, #tpu.memory_space<vmem>>, vector<16xf32>,
    %swap3A_172 = arith.constant 960 : index
    %swap3A_173 = tpu.vector_load %arg12[%swap3A_172] {strides = array<i32>} : memref<1024xf32, #tpu.memory_space<vmem>>, vector<16xf32>,
    tpu.vector_store %arg12[%swap3A_172], %broadcast_in_dim3A_52 {strides = array<i32>} : memref<1024xf32, #tpu.memory_space<vmem>>, vector<16xf32>,
    %swap3A_174 = arith.constant 976 : index
    %swap3A_175 = tpu.vector_load %arg12[%swap3A_174] {strides = array<i32>} : memref<1024xf32, #tpu.memory_space<vmem>>, vector<16xf32>,
    tpu.vector_store %arg12[%swap3A_174], %broadcast_in_dim3A_52 {strides = array<i32>} : memref<1024xf32, #tpu.memory_space<vmem>>, vector<16xf32>,
    %swap3A_176 = arith.constant 992 : index
    %swap3A_177 = tpu.vector_load %arg12[%swap3A_176] {strides = array<i32>} : memref<1024xf32, #tpu.memory_space<vmem>>, vector<16xf32>,
    tpu.vector_store %arg12[%swap3A_176], %broadcast_in_dim3A_52 {strides = array<i32>} : memref<1024xf32, #tpu.memory_space<vmem>>, vector<16xf32>,
    %swap3A_178 = arith.constant 1008 : index
    %swap3A_179 = tpu.vector_load %arg12[%swap3A_178] {strides = array<i32>} : memref<1024xf32, #tpu.memory_space<vmem>>, vector<16xf32>,
    tpu.vector_store %arg12[%swap3A_178], %broadcast_in_dim3A_52 {strides = array<i32>} : memref<1024xf32, #tpu.memory_space<vmem>>, vector<16xf32>,
    %broadcast_in_dim3A_180 = arith.constant 1.000000e+00 : f32
    %broadcast_in_dim3A_181 = vector.broadcast %broadcast_in_dim3A_180 : f32 to vector<16xf32>
    %swap3A_182 = arith.constant 0 : index
    %swap3A_183 = tpu.vector_load %arg11[%swap3A_182] {strides = array<i32>} : memref<128xf32, #tpu.memory_space<vmem>>, vector<16xf32>,
    tpu.vector_store %arg11[%swap3A_182], %broadcast_in_dim3A_181 {strides = array<i32>} : memref<128xf32, #tpu.memory_space<vmem>>, vector<16xf32>,
    %swap3A_184 = arith.constant 16 : index
    %swap3A_185 = tpu.vector_load %arg11[%swap3A_184] {strides = array<i32>} : memref<128xf32, #tpu.memory_space<vmem>>, vector<16xf32>,
    tpu.vector_store %arg11[%swap3A_184], %broadcast_in_dim3A_181 {strides = array<i32>} : memref<128xf32, #tpu.memory_space<vmem>>, vector<16xf32>,
    %swap3A_186 = arith.constant 32 : index
    %swap3A_187 = tpu.vector_load %arg11[%swap3A_186] {strides = array<i32>} : memref<128xf32, #tpu.memory_space<vmem>>, vector<16xf32>,
    tpu.vector_store %arg11[%swap3A_186], %broadcast_in_dim3A_181 {strides = array<i32>} : memref<128xf32, #tpu.memory_space<vmem>>, vector<16xf32>,
    %swap3A_188 = arith.constant 48 : index
    %swap3A_189 = tpu.vector_load %arg11[%swap3A_188] {strides = array<i32>} : memref<128xf32, #tpu.memory_space<vmem>>, vector<16xf32>,
    tpu.vector_store %arg11[%swap3A_188], %broadcast_in_dim3A_181 {strides = array<i32>} : memref<128xf32, #tpu.memory_space<vmem>>, vector<16xf32>,
    %swap3A_190 = arith.constant 64 : index
    %swap3A_191 = tpu.vector_load %arg11[%swap3A_190] {strides = array<i32>} : memref<128xf32, #tpu.memory_space<vmem>>, vector<16xf32>,
    tpu.vector_store %arg11[%swap3A_190], %broadcast_in_dim3A_181 {strides = array<i32>} : memref<128xf32, #tpu.memory_space<vmem>>, vector<16xf32>,
    %swap3A_192 = arith.constant 80 : index
    %swap3A_193 = tpu.vector_load %arg11[%swap3A_192] {strides = array<i32>} : memref<128xf32, #tpu.memory_space<vmem>>, vector<16xf32>,
    tpu.vector_store %arg11[%swap3A_192], %broadcast_in_dim3A_181 {strides = array<i32>} : memref<128xf32, #tpu.memory_space<vmem>>, vector<16xf32>,
    %swap3A_194 = arith.constant 96 : index
    %swap3A_195 = tpu.vector_load %arg11[%swap3A_194] {strides = array<i32>} : memref<128xf32, #tpu.memory_space<vmem>>, vector<16xf32>,
    tpu.vector_store %arg11[%swap3A_194], %broadcast_in_dim3A_181 {strides = array<i32>} : memref<128xf32, #tpu.memory_space<vmem>>, vector<16xf32>,
    %swap3A_196 = arith.constant 112 : index
    %swap3A_197 = tpu.vector_load %arg11[%swap3A_196] {strides = array<i32>} : memref<128xf32, #tpu.memory_space<vmem>>, vector<16xf32>,
    tpu.vector_store %arg11[%swap3A_196], %broadcast_in_dim3A_181 {strides = array<i32>} : memref<128xf32, #tpu.memory_space<vmem>>, vector<16xf32>,
    %eq3A = arith.constant 0 : i32
    %eq3A_198 = arith.cmpi eq, %arg1, %eq3A : i32
    %convert_element_type3A = arith.extui %eq3A_198 : i1 to i32
    %cond3A = arith.constant 0 : i32
    %cond3A_199 = arith.cmpi ne, %convert_element_type3A, %cond3A : i32
    scf.if %cond3A_199 {
      "tpu.region"() ({
        %run_scoped3A = tpu.sem_alloc : memref<!tpu.dma_semaphore, #tpu.memory_space<semaphore_mem>>
        tpu.enqueue_dma source(%arg12 : memref<1024xf32, #tpu.memory_space<vmem>>) target(%arg18 : memref<1024xf32, #tpu.memory_space<vmem_shared>>) target_semaphore(%run_scoped3A : memref<!tpu.dma_semaphore, #tpu.memory_space<semaphore_mem>>)
        tpu.wait_dma2 semaphore(%run_scoped3A : memref<!tpu.dma_semaphore, #tpu.memory_space<semaphore_mem>>) src(%arg12 : memref<1024xf32, #tpu.memory_space<vmem>>) dst(%arg18 : memref<1024xf32, #tpu.memory_space<vmem_shared>>)
        tpu.yield
      }) : () -> ()
      "tpu.region"() ({
        %run_scoped3A = tpu.sem_alloc : memref<!tpu.dma_semaphore, #tpu.memory_space<semaphore_mem>>
        tpu.enqueue_dma source(%arg12 : memref<1024xf32, #tpu.memory_space<vmem>>) target(%arg19 : memref<1024xf32, #tpu.memory_space<vmem_shared>>) target_semaphore(%run_scoped3A : memref<!tpu.dma_semaphore, #tpu.memory_space<semaphore_mem>>)
        tpu.wait_dma2 semaphore(%run_scoped3A : memref<!tpu.dma_semaphore, #tpu.memory_space<semaphore_mem>>) src(%arg12 : memref<1024xf32, #tpu.memory_space<vmem>>) dst(%arg19 : memref<1024xf32, #tpu.memory_space<vmem_shared>>)
        tpu.yield
      }) : () -> ()
    } else {
    }
    %barrier3A = arith.constant 0 : index
    tpu.barrier barrier_id(%barrier3A)
    %scan3A = arith.constant 0 : i32
    %scan3A_200 = arith.constant 0 : i32
    %scan3A_201 = arith.constant 4 : i32
    %scan3A_202 = arith.addi %scan3A_200, %scan3A_201 : i32
    %scan3A_203 = arith.constant 1 : i32
    scf.for %scan3A_211 = %scan3A_200 to %scan3A_202 step %scan3A_203  : i32 {
      %mul3A_212 = arith.constant 2 : i32
      %mul3A_213 = arith.muli %scan3A_211, %mul3A_212 : i32
      %dma_wait3A = arith.constant 0 : i32
      %dma_wait3A_214 = arith.constant 0 : i32
      %dma_wait3A_215 = arith.constant 0 : i32
      %dma_wait3A_216 = tpu.memref_slice %arg8[%dma_wait3A, %dma_wait3A_214, %dma_wait3A_215] : memref<2x16x512xf32, #tpu.memory_space<vmem>> -> memref<1x16x512xf32, #tpu.memory_space<vmem>>
      %dma_wait3A_217 = tpu.memref_squeeze %dma_wait3A_216 : memref<1x16x512xf32, #tpu.memory_space<vmem>> -> memref<16x512xf32, #tpu.memory_space<vmem>>
      %dma_wait3A_218 = arith.constant 0 : i32
      %dma_wait3A_219 = arith.constant 0 : i32
      %dma_wait3A_220 = tpu.memref_slice %arg2[%dma_wait3A_218, %dma_wait3A_219] : memref<4096x512xf32, #tpu.memory_space<hbm>> -> memref<16x512xf32, #tpu.memory_space<hbm>>
      %dma_wait3A_221 = arith.constant 0 : i32
      %dma_wait3A_222 = arith.constant 0 : i32
      %dma_wait3A_223 = tpu.memref_slice %arg8[%dma_wait3A, %dma_wait3A_221, %dma_wait3A_222] : memref<2x16x512xf32, #tpu.memory_space<vmem>> -> memref<1x16x512xf32, #tpu.memory_space<vmem>>
      %dma_wait3A_224 = tpu.memref_squeeze %dma_wait3A_223 : memref<1x16x512xf32, #tpu.memory_space<vmem>> -> memref<16x512xf32, #tpu.memory_space<vmem>>
      %dma_wait3A_225 = arith.constant 0 : i32
      %dma_wait3A_226 = arith.constant 0 : i32
      %dma_wait3A_227 = tpu.memref_slice %arg2[%dma_wait3A_225, %dma_wait3A_226] : memref<4096x512xf32, #tpu.memory_space<hbm>> -> memref<16x512xf32, #tpu.memory_space<hbm>>
      tpu.wait_dma2 semaphore(%arg14 : memref<!tpu.dma_semaphore, #tpu.memory_space<semaphore_mem>>) src(%dma_wait3A_227 : memref<16x512xf32, #tpu.memory_space<hbm>>) dst(%dma_wait3A_224 : memref<16x512xf32, #tpu.memory_space<vmem>>)
      %dma_wait3A_228 = arith.constant 0 : i32
      %dma_wait3A_229 = arith.constant 0 : i32
      %dma_wait3A_230 = arith.constant 0 : i32
      %dma_wait3A_231 = tpu.memref_slice %arg9[%dma_wait3A_228, %dma_wait3A_229, %dma_wait3A_230] : memref<2x16x512xf32, #tpu.memory_space<vmem>> -> memref<1x16x512xf32, #tpu.memory_space<vmem>>
      %dma_wait3A_232 = tpu.memref_squeeze %dma_wait3A_231 : memref<1x16x512xf32, #tpu.memory_space<vmem>> -> memref<16x512xf32, #tpu.memory_space<vmem>>
      %dma_wait3A_233 = arith.constant 0 : i32
      %dma_wait3A_234 = arith.constant 0 : i32
      %dma_wait3A_235 = tpu.memref_slice %arg2[%dma_wait3A_233, %dma_wait3A_234] : memref<4096x512xf32, #tpu.memory_space<hbm>> -> memref<16x512xf32, #tpu.memory_space<hbm>>
      %dma_wait3A_236 = arith.constant 0 : i32
      %dma_wait3A_237 = arith.constant 0 : i32
      %dma_wait3A_238 = tpu.memref_slice %arg9[%dma_wait3A_228, %dma_wait3A_236, %dma_wait3A_237] : memref<2x16x512xf32, #tpu.memory_space<vmem>> -> memref<1x16x512xf32, #tpu.memory_space<vmem>>
      %dma_wait3A_239 = tpu.memref_squeeze %dma_wait3A_238 : memref<1x16x512xf32, #tpu.memory_space<vmem>> -> memref<16x512xf32, #tpu.memory_space<vmem>>
      %dma_wait3A_240 = arith.constant 0 : i32
      %dma_wait3A_241 = arith.constant 0 : i32
      %dma_wait3A_242 = tpu.memref_slice %arg2[%dma_wait3A_240, %dma_wait3A_241] : memref<4096x512xf32, #tpu.memory_space<hbm>> -> memref<16x512xf32, #tpu.memory_space<hbm>>
      tpu.wait_dma2 semaphore(%arg16 : memref<!tpu.dma_semaphore, #tpu.memory_space<semaphore_mem>>) src(%dma_wait3A_242 : memref<16x512xf32, #tpu.memory_space<hbm>>) dst(%dma_wait3A_239 : memref<16x512xf32, #tpu.memory_space<vmem>>)
      %parallel_loop3A = arith.constant 0 : i32
      %parallel_loop3A_243 = arith.constant 16 : i32
      %parallel_loop3A_244 = arith.constant 1 : i32
      scf.for %parallel_loop3A_513 = %parallel_loop3A to %parallel_loop3A_243 step %parallel_loop3A_244  : i32 {
        %parallel_loop3A_514 = arith.constant 0.000000e+00 : f32
        %parallel_loop3A_515 = vector.broadcast %parallel_loop3A_514 : f32 to vector<16xf32>
        %parallel_loop3A_516 = arith.constant 0.000000e+00 : f32
        %parallel_loop3A_517 = vector.broadcast %parallel_loop3A_516 : f32 to vector<16xf32>
        %parallel_loop3A_518 = arith.constant 0.000000e+00 : f32
        %parallel_loop3A_519 = vector.broadcast %parallel_loop3A_518 : f32 to vector<16xf32>
        %parallel_loop3A_520 = arith.constant 0.000000e+00 : f32
        %parallel_loop3A_521 = vector.broadcast %parallel_loop3A_520 : f32 to vector<16xf32>
        %parallel_loop3A_522 = arith.constant 0 : i32
        %parallel_loop3A_523 = arith.index_cast %parallel_loop3A_522 : i32 to index
        %parallel_loop3A_524 = arith.index_cast %parallel_loop3A_513 : i32 to index
        %parallel_loop3A_525 = arith.constant 0 : index
        %parallel_loop3A_526 = tpu.vector_load %arg8[%parallel_loop3A_523, %parallel_loop3A_524, %parallel_loop3A_525] {strides = array<i32>} : memref<2x16x512xf32, #tpu.memory_space<vmem>>, vector<16xf32>,
        %parallel_loop3A_527 = arith.constant 0 : i32
        %parallel_loop3A_528 = arith.index_cast %parallel_loop3A_527 : i32 to index
        %parallel_loop3A_529 = arith.index_cast %parallel_loop3A_513 : i32 to index
        %parallel_loop3A_530 = arith.constant 0 : index
        %parallel_loop3A_531 = tpu.vector_load %arg9[%parallel_loop3A_528, %parallel_loop3A_529, %parallel_loop3A_530] {strides = array<i32>} : memref<2x16x512xf32, #tpu.memory_space<vmem>>, vector<16xf32>,
        %parallel_loop3A_532 = arith.subf %parallel_loop3A_526, %parallel_loop3A_531 : vector<16xf32>
        %parallel_loop3A_533 = arith.mulf %parallel_loop3A_532, %parallel_loop3A_532 : vector<16xf32>
        %parallel_loop3A_534 = arith.addf %parallel_loop3A_515, %parallel_loop3A_533 : vector<16xf32>
        %parallel_loop3A_535 = arith.constant 0 : i32
        %parallel_loop3A_536 = arith.index_cast %parallel_loop3A_535 : i32 to index
        %parallel_loop3A_537 = arith.index_cast %parallel_loop3A_513 : i32 to index
        %parallel_loop3A_538 = arith.constant 16 : index
        %parallel_loop3A_539 = tpu.vector_load %arg8[%parallel_loop3A_536, %parallel_loop3A_537, %parallel_loop3A_538] {strides = array<i32>} : memref<2x16x512xf32, #tpu.memory_space<vmem>>, vector<16xf32>,
        %parallel_loop3A_540 = arith.constant 0 : i32
        %parallel_loop3A_541 = arith.index_cast %parallel_loop3A_540 : i32 to index
        %parallel_loop3A_542 = arith.index_cast %parallel_loop3A_513 : i32 to index
        %parallel_loop3A_543 = arith.constant 16 : index
        %parallel_loop3A_544 = tpu.vector_load %arg9[%parallel_loop3A_541, %parallel_loop3A_542, %parallel_loop3A_543] {strides = array<i32>} : memref<2x16x512xf32, #tpu.memory_space<vmem>>, vector<16xf32>,
        %parallel_loop3A_545 = arith.subf %parallel_loop3A_539, %parallel_loop3A_544 : vector<16xf32>
        %parallel_loop3A_546 = arith.mulf %parallel_loop3A_545, %parallel_loop3A_545 : vector<16xf32>
        %parallel_loop3A_547 = arith.addf %parallel_loop3A_517, %parallel_loop3A_546 : vector<16xf32>
        %parallel_loop3A_548 = arith.constant 0 : i32
        %parallel_loop3A_549 = arith.index_cast %parallel_loop3A_548 : i32 to index
        %parallel_loop3A_550 = arith.index_cast %parallel_loop3A_513 : i32 to index
        %parallel_loop3A_551 = arith.constant 32 : index
        %parallel_loop3A_552 = tpu.vector_load %arg8[%parallel_loop3A_549, %parallel_loop3A_550, %parallel_loop3A_551] {strides = array<i32>} : memref<2x16x512xf32, #tpu.memory_space<vmem>>, vector<16xf32>,
        %parallel_loop3A_553 = arith.constant 0 : i32
        %parallel_loop3A_554 = arith.index_cast %parallel_loop3A_553 : i32 to index
        %parallel_loop3A_555 = arith.index_cast %parallel_loop3A_513 : i32 to index
        %parallel_loop3A_556 = arith.constant 32 : index
        %parallel_loop3A_557 = tpu.vector_load %arg9[%parallel_loop3A_554, %parallel_loop3A_555, %parallel_loop3A_556] {strides = array<i32>} : memref<2x16x512xf32, #tpu.memory_space<vmem>>, vector<16xf32>,
        %parallel_loop3A_558 = arith.subf %parallel_loop3A_552, %parallel_loop3A_557 : vector<16xf32>
        %parallel_loop3A_559 = arith.mulf %parallel_loop3A_558, %parallel_loop3A_558 : vector<16xf32>
        %parallel_loop3A_560 = arith.addf %parallel_loop3A_519, %parallel_loop3A_559 : vector<16xf32>
        %parallel_loop3A_561 = arith.constant 0 : i32
        %parallel_loop3A_562 = arith.index_cast %parallel_loop3A_561 : i32 to index
        %parallel_loop3A_563 = arith.index_cast %parallel_loop3A_513 : i32 to index
        %parallel_loop3A_564 = arith.constant 48 : index
        %parallel_loop3A_565 = tpu.vector_load %arg8[%parallel_loop3A_562, %parallel_loop3A_563, %parallel_loop3A_564] {strides = array<i32>} : memref<2x16x512xf32, #tpu.memory_space<vmem>>, vector<16xf32>,
        %parallel_loop3A_566 = arith.constant 0 : i32
        %parallel_loop3A_567 = arith.index_cast %parallel_loop3A_566 : i32 to index
        %parallel_loop3A_568 = arith.index_cast %parallel_loop3A_513 : i32 to index
        %parallel_loop3A_569 = arith.constant 48 : index
        %parallel_loop3A_570 = tpu.vector_load %arg9[%parallel_loop3A_567, %parallel_loop3A_568, %parallel_loop3A_569] {strides = array<i32>} : memref<2x16x512xf32, #tpu.memory_space<vmem>>, vector<16xf32>,
        %parallel_loop3A_571 = arith.subf %parallel_loop3A_565, %parallel_loop3A_570 : vector<16xf32>
        %parallel_loop3A_572 = arith.mulf %parallel_loop3A_571, %parallel_loop3A_571 : vector<16xf32>
        %parallel_loop3A_573 = arith.addf %parallel_loop3A_521, %parallel_loop3A_572 : vector<16xf32>
        %parallel_loop3A_574 = arith.constant 0 : i32
        %parallel_loop3A_575 = arith.index_cast %parallel_loop3A_574 : i32 to index
        %parallel_loop3A_576 = arith.index_cast %parallel_loop3A_513 : i32 to index
        %parallel_loop3A_577 = arith.constant 64 : index
        %parallel_loop3A_578 = tpu.vector_load %arg8[%parallel_loop3A_575, %parallel_loop3A_576, %parallel_loop3A_577] {strides = array<i32>} : memref<2x16x512xf32, #tpu.memory_space<vmem>>, vector<16xf32>,
        %parallel_loop3A_579 = arith.constant 0 : i32
        %parallel_loop3A_580 = arith.index_cast %parallel_loop3A_579 : i32 to index
        %parallel_loop3A_581 = arith.index_cast %parallel_loop3A_513 : i32 to index
        %parallel_loop3A_582 = arith.constant 64 : index
        %parallel_loop3A_583 = tpu.vector_load %arg9[%parallel_loop3A_580, %parallel_loop3A_581, %parallel_loop3A_582] {strides = array<i32>} : memref<2x16x512xf32, #tpu.memory_space<vmem>>, vector<16xf32>,
        %parallel_loop3A_584 = arith.subf %parallel_loop3A_578, %parallel_loop3A_583 : vector<16xf32>
        %parallel_loop3A_585 = arith.mulf %parallel_loop3A_584, %parallel_loop3A_584 : vector<16xf32>
        %parallel_loop3A_586 = arith.addf %parallel_loop3A_534, %parallel_loop3A_585 : vector<16xf32>
        %parallel_loop3A_587 = arith.constant 0 : i32
        %parallel_loop3A_588 = arith.index_cast %parallel_loop3A_587 : i32 to index
        %parallel_loop3A_589 = arith.index_cast %parallel_loop3A_513 : i32 to index
        %parallel_loop3A_590 = arith.constant 80 : index
        %parallel_loop3A_591 = tpu.vector_load %arg8[%parallel_loop3A_588, %parallel_loop3A_589, %parallel_loop3A_590] {strides = array<i32>} : memref<2x16x512xf32, #tpu.memory_space<vmem>>, vector<16xf32>,
        %parallel_loop3A_592 = arith.constant 0 : i32
        %parallel_loop3A_593 = arith.index_cast %parallel_loop3A_592 : i32 to index
        %parallel_loop3A_594 = arith.index_cast %parallel_loop3A_513 : i32 to index
        %parallel_loop3A_595 = arith.constant 80 : index
        %parallel_loop3A_596 = tpu.vector_load %arg9[%parallel_loop3A_593, %parallel_loop3A_594, %parallel_loop3A_595] {strides = array<i32>} : memref<2x16x512xf32, #tpu.memory_space<vmem>>, vector<16xf32>,
        %parallel_loop3A_597 = arith.subf %parallel_loop3A_591, %parallel_loop3A_596 : vector<16xf32>
        %parallel_loop3A_598 = arith.mulf %parallel_loop3A_597, %parallel_loop3A_597 : vector<16xf32>
        %parallel_loop3A_599 = arith.addf %parallel_loop3A_547, %parallel_loop3A_598 : vector<16xf32>
        %parallel_loop3A_600 = arith.constant 0 : i32
        %parallel_loop3A_601 = arith.index_cast %parallel_loop3A_600 : i32 to index
        %parallel_loop3A_602 = arith.index_cast %parallel_loop3A_513 : i32 to index
        %parallel_loop3A_603 = arith.constant 96 : index
        %parallel_loop3A_604 = tpu.vector_load %arg8[%parallel_loop3A_601, %parallel_loop3A_602, %parallel_loop3A_603] {strides = array<i32>} : memref<2x16x512xf32, #tpu.memory_space<vmem>>, vector<16xf32>,
        %parallel_loop3A_605 = arith.constant 0 : i32
        %parallel_loop3A_606 = arith.index_cast %parallel_loop3A_605 : i32 to index
        %parallel_loop3A_607 = arith.index_cast %parallel_loop3A_513 : i32 to index
        %parallel_loop3A_608 = arith.constant 96 : index
        %parallel_loop3A_609 = tpu.vector_load %arg9[%parallel_loop3A_606, %parallel_loop3A_607, %parallel_loop3A_608] {strides = array<i32>} : memref<2x16x512xf32, #tpu.memory_space<vmem>>, vector<16xf32>,
        %parallel_loop3A_610 = arith.subf %parallel_loop3A_604, %parallel_loop3A_609 : vector<16xf32>
        %parallel_loop3A_611 = arith.mulf %parallel_loop3A_610, %parallel_loop3A_610 : vector<16xf32>
        %parallel_loop3A_612 = arith.addf %parallel_loop3A_560, %parallel_loop3A_611 : vector<16xf32>
        %parallel_loop3A_613 = arith.constant 0 : i32
        %parallel_loop3A_614 = arith.index_cast %parallel_loop3A_613 : i32 to index
        %parallel_loop3A_615 = arith.index_cast %parallel_loop3A_513 : i32 to index
        %parallel_loop3A_616 = arith.constant 112 : index
        %parallel_loop3A_617 = tpu.vector_load %arg8[%parallel_loop3A_614, %parallel_loop3A_615, %parallel_loop3A_616] {strides = array<i32>} : memref<2x16x512xf32, #tpu.memory_space<vmem>>, vector<16xf32>,
        %parallel_loop3A_618 = arith.constant 0 : i32
        %parallel_loop3A_619 = arith.index_cast %parallel_loop3A_618 : i32 to index
        %parallel_loop3A_620 = arith.index_cast %parallel_loop3A_513 : i32 to index
        %parallel_loop3A_621 = arith.constant 112 : index
        %parallel_loop3A_622 = tpu.vector_load %arg9[%parallel_loop3A_619, %parallel_loop3A_620, %parallel_loop3A_621] {strides = array<i32>} : memref<2x16x512xf32, #tpu.memory_space<vmem>>, vector<16xf32>,
        %parallel_loop3A_623 = arith.subf %parallel_loop3A_617, %parallel_loop3A_622 : vector<16xf32>
        %parallel_loop3A_624 = arith.mulf %parallel_loop3A_623, %parallel_loop3A_623 : vector<16xf32>
        %parallel_loop3A_625 = arith.addf %parallel_loop3A_573, %parallel_loop3A_624 : vector<16xf32>
        %parallel_loop3A_626 = arith.constant 0 : i32
        %parallel_loop3A_627 = arith.index_cast %parallel_loop3A_626 : i32 to index
        %parallel_loop3A_628 = arith.index_cast %parallel_loop3A_513 : i32 to index
        %parallel_loop3A_629 = arith.constant 128 : index
        %parallel_loop3A_630 = tpu.vector_load %arg8[%parallel_loop3A_627, %parallel_loop3A_628, %parallel_loop3A_629] {strides = array<i32>} : memref<2x16x512xf32, #tpu.memory_space<vmem>>, vector<16xf32>,
        %parallel_loop3A_631 = arith.constant 0 : i32
        %parallel_loop3A_632 = arith.index_cast %parallel_loop3A_631 : i32 to index
        %parallel_loop3A_633 = arith.index_cast %parallel_loop3A_513 : i32 to index
        %parallel_loop3A_634 = arith.constant 128 : index
        %parallel_loop3A_635 = tpu.vector_load %arg9[%parallel_loop3A_632, %parallel_loop3A_633, %parallel_loop3A_634] {strides = array<i32>} : memref<2x16x512xf32, #tpu.memory_space<vmem>>, vector<16xf32>,
        %parallel_loop3A_636 = arith.subf %parallel_loop3A_630, %parallel_loop3A_635 : vector<16xf32>
        %parallel_loop3A_637 = arith.mulf %parallel_loop3A_636, %parallel_loop3A_636 : vector<16xf32>
        %parallel_loop3A_638 = arith.addf %parallel_loop3A_586, %parallel_loop3A_637 : vector<16xf32>
        %parallel_loop3A_639 = arith.constant 0 : i32
        %parallel_loop3A_640 = arith.index_cast %parallel_loop3A_639 : i32 to index
        %parallel_loop3A_641 = arith.index_cast %parallel_loop3A_513 : i32 to index
        %parallel_loop3A_642 = arith.constant 144 : index
        %parallel_loop3A_643 = tpu.vector_load %arg8[%parallel_loop3A_640, %parallel_loop3A_641, %parallel_loop3A_642] {strides = array<i32>} : memref<2x16x512xf32, #tpu.memory_space<vmem>>, vector<16xf32>,
        %parallel_loop3A_644 = arith.constant 0 : i32
        %parallel_loop3A_645 = arith.index_cast %parallel_loop3A_644 : i32 to index
        %parallel_loop3A_646 = arith.index_cast %parallel_loop3A_513 : i32 to index
        %parallel_loop3A_647 = arith.constant 144 : index
        %parallel_loop3A_648 = tpu.vector_load %arg9[%parallel_loop3A_645, %parallel_loop3A_646, %parallel_loop3A_647] {strides = array<i32>} : memref<2x16x512xf32, #tpu.memory_space<vmem>>, vector<16xf32>,
        %parallel_loop3A_649 = arith.subf %parallel_loop3A_643, %parallel_loop3A_648 : vector<16xf32>
        %parallel_loop3A_650 = arith.mulf %parallel_loop3A_649, %parallel_loop3A_649 : vector<16xf32>
        %parallel_loop3A_651 = arith.addf %parallel_loop3A_599, %parallel_loop3A_650 : vector<16xf32>
        %parallel_loop3A_652 = arith.constant 0 : i32
        %parallel_loop3A_653 = arith.index_cast %parallel_loop3A_652 : i32 to index
        %parallel_loop3A_654 = arith.index_cast %parallel_loop3A_513 : i32 to index
        %parallel_loop3A_655 = arith.constant 160 : index
        %parallel_loop3A_656 = tpu.vector_load %arg8[%parallel_loop3A_653, %parallel_loop3A_654, %parallel_loop3A_655] {strides = array<i32>} : memref<2x16x512xf32, #tpu.memory_space<vmem>>, vector<16xf32>,
        %parallel_loop3A_657 = arith.constant 0 : i32
        %parallel_loop3A_658 = arith.index_cast %parallel_loop3A_657 : i32 to index
        %parallel_loop3A_659 = arith.index_cast %parallel_loop3A_513 : i32 to index
        %parallel_loop3A_660 = arith.constant 160 : index
        %parallel_loop3A_661 = tpu.vector_load %arg9[%parallel_loop3A_658, %parallel_loop3A_659, %parallel_loop3A_660] {strides = array<i32>} : memref<2x16x512xf32, #tpu.memory_space<vmem>>, vector<16xf32>,
        %parallel_loop3A_662 = arith.subf %parallel_loop3A_656, %parallel_loop3A_661 : vector<16xf32>
        %parallel_loop3A_663 = arith.mulf %parallel_loop3A_662, %parallel_loop3A_662 : vector<16xf32>
        %parallel_loop3A_664 = arith.addf %parallel_loop3A_612, %parallel_loop3A_663 : vector<16xf32>
        %parallel_loop3A_665 = arith.constant 0 : i32
        %parallel_loop3A_666 = arith.index_cast %parallel_loop3A_665 : i32 to index
        %parallel_loop3A_667 = arith.index_cast %parallel_loop3A_513 : i32 to index
        %parallel_loop3A_668 = arith.constant 176 : index
        %parallel_loop3A_669 = tpu.vector_load %arg8[%parallel_loop3A_666, %parallel_loop3A_667, %parallel_loop3A_668] {strides = array<i32>} : memref<2x16x512xf32, #tpu.memory_space<vmem>>, vector<16xf32>,
        %parallel_loop3A_670 = arith.constant 0 : i32
        %parallel_loop3A_671 = arith.index_cast %parallel_loop3A_670 : i32 to index
        %parallel_loop3A_672 = arith.index_cast %parallel_loop3A_513 : i32 to index
        %parallel_loop3A_673 = arith.constant 176 : index
        %parallel_loop3A_674 = tpu.vector_load %arg9[%parallel_loop3A_671, %parallel_loop3A_672, %parallel_loop3A_673] {strides = array<i32>} : memref<2x16x512xf32, #tpu.memory_space<vmem>>, vector<16xf32>,
        %parallel_loop3A_675 = arith.subf %parallel_loop3A_669, %parallel_loop3A_674 : vector<16xf32>
        %parallel_loop3A_676 = arith.mulf %parallel_loop3A_675, %parallel_loop3A_675 : vector<16xf32>
        %parallel_loop3A_677 = arith.addf %parallel_loop3A_625, %parallel_loop3A_676 : vector<16xf32>
        %parallel_loop3A_678 = arith.constant 0 : i32
        %parallel_loop3A_679 = arith.index_cast %parallel_loop3A_678 : i32 to index
        %parallel_loop3A_680 = arith.index_cast %parallel_loop3A_513 : i32 to index
        %parallel_loop3A_681 = arith.constant 192 : index
        %parallel_loop3A_682 = tpu.vector_load %arg8[%parallel_loop3A_679, %parallel_loop3A_680, %parallel_loop3A_681] {strides = array<i32>} : memref<2x16x512xf32, #tpu.memory_space<vmem>>, vector<16xf32>,
        %parallel_loop3A_683 = arith.constant 0 : i32
        %parallel_loop3A_684 = arith.index_cast %parallel_loop3A_683 : i32 to index
        %parallel_loop3A_685 = arith.index_cast %parallel_loop3A_513 : i32 to index
        %parallel_loop3A_686 = arith.constant 192 : index
        %parallel_loop3A_687 = tpu.vector_load %arg9[%parallel_loop3A_684, %parallel_loop3A_685, %parallel_loop3A_686] {strides = array<i32>} : memref<2x16x512xf32, #tpu.memory_space<vmem>>, vector<16xf32>,
        %parallel_loop3A_688 = arith.subf %parallel_loop3A_682, %parallel_loop3A_687 : vector<16xf32>
        %parallel_loop3A_689 = arith.mulf %parallel_loop3A_688, %parallel_loop3A_688 : vector<16xf32>
        %parallel_loop3A_690 = arith.addf %parallel_loop3A_638, %parallel_loop3A_689 : vector<16xf32>
        %parallel_loop3A_691 = arith.constant 0 : i32
        %parallel_loop3A_692 = arith.index_cast %parallel_loop3A_691 : i32 to index
        %parallel_loop3A_693 = arith.index_cast %parallel_loop3A_513 : i32 to index
        %parallel_loop3A_694 = arith.constant 208 : index
        %parallel_loop3A_695 = tpu.vector_load %arg8[%parallel_loop3A_692, %parallel_loop3A_693, %parallel_loop3A_694] {strides = array<i32>} : memref<2x16x512xf32, #tpu.memory_space<vmem>>, vector<16xf32>,
        %parallel_loop3A_696 = arith.constant 0 : i32
        %parallel_loop3A_697 = arith.index_cast %parallel_loop3A_696 : i32 to index
        %parallel_loop3A_698 = arith.index_cast %parallel_loop3A_513 : i32 to index
        %parallel_loop3A_699 = arith.constant 208 : index
        %parallel_loop3A_700 = tpu.vector_load %arg9[%parallel_loop3A_697, %parallel_loop3A_698, %parallel_loop3A_699] {strides = array<i32>} : memref<2x16x512xf32, #tpu.memory_space<vmem>>, vector<16xf32>,
        %parallel_loop3A_701 = arith.subf %parallel_loop3A_695, %parallel_loop3A_700 : vector<16xf32>
        %parallel_loop3A_702 = arith.mulf %parallel_loop3A_701, %parallel_loop3A_701 : vector<16xf32>
        %parallel_loop3A_703 = arith.addf %parallel_loop3A_651, %parallel_loop3A_702 : vector<16xf32>
        %parallel_loop3A_704 = arith.constant 0 : i32
        %parallel_loop3A_705 = arith.index_cast %parallel_loop3A_704 : i32 to index
        %parallel_loop3A_706 = arith.index_cast %parallel_loop3A_513 : i32 to index
        %parallel_loop3A_707 = arith.constant 224 : index
        %parallel_loop3A_708 = tpu.vector_load %arg8[%parallel_loop3A_705, %parallel_loop3A_706, %parallel_loop3A_707] {strides = array<i32>} : memref<2x16x512xf32, #tpu.memory_space<vmem>>, vector<16xf32>,
        %parallel_loop3A_709 = arith.constant 0 : i32
        %parallel_loop3A_710 = arith.index_cast %parallel_loop3A_709 : i32 to index
        %parallel_loop3A_711 = arith.index_cast %parallel_loop3A_513 : i32 to index
        %parallel_loop3A_712 = arith.constant 224 : index
        %parallel_loop3A_713 = tpu.vector_load %arg9[%parallel_loop3A_710, %parallel_loop3A_711, %parallel_loop3A_712] {strides = array<i32>} : memref<2x16x512xf32, #tpu.memory_space<vmem>>, vector<16xf32>,
        %parallel_loop3A_714 = arith.subf %parallel_loop3A_708, %parallel_loop3A_713 : vector<16xf32>
        %parallel_loop3A_715 = arith.mulf %parallel_loop3A_714, %parallel_loop3A_714 : vector<16xf32>
        %parallel_loop3A_716 = arith.addf %parallel_loop3A_664, %parallel_loop3A_715 : vector<16xf32>
        %parallel_loop3A_717 = arith.constant 0 : i32
        %parallel_loop3A_718 = arith.index_cast %parallel_loop3A_717 : i32 to index
        %parallel_loop3A_719 = arith.index_cast %parallel_loop3A_513 : i32 to index
        %parallel_loop3A_720 = arith.constant 240 : index
        %parallel_loop3A_721 = tpu.vector_load %arg8[%parallel_loop3A_718, %parallel_loop3A_719, %parallel_loop3A_720] {strides = array<i32>} : memref<2x16x512xf32, #tpu.memory_space<vmem>>, vector<16xf32>,
        %parallel_loop3A_722 = arith.constant 0 : i32
        %parallel_loop3A_723 = arith.index_cast %parallel_loop3A_722 : i32 to index
        %parallel_loop3A_724 = arith.index_cast %parallel_loop3A_513 : i32 to index
        %parallel_loop3A_725 = arith.constant 240 : index
        %parallel_loop3A_726 = tpu.vector_load %arg9[%parallel_loop3A_723, %parallel_loop3A_724, %parallel_loop3A_725] {strides = array<i32>} : memref<2x16x512xf32, #tpu.memory_space<vmem>>, vector<16xf32>,
        %parallel_loop3A_727 = arith.subf %parallel_loop3A_721, %parallel_loop3A_726 : vector<16xf32>
        %parallel_loop3A_728 = arith.mulf %parallel_loop3A_727, %parallel_loop3A_727 : vector<16xf32>
        %parallel_loop3A_729 = arith.addf %parallel_loop3A_677, %parallel_loop3A_728 : vector<16xf32>
        %parallel_loop3A_730 = arith.constant 0 : i32
        %parallel_loop3A_731 = arith.index_cast %parallel_loop3A_730 : i32 to index
        %parallel_loop3A_732 = arith.index_cast %parallel_loop3A_513 : i32 to index
        %parallel_loop3A_733 = arith.constant 256 : index
        %parallel_loop3A_734 = tpu.vector_load %arg8[%parallel_loop3A_731, %parallel_loop3A_732, %parallel_loop3A_733] {strides = array<i32>} : memref<2x16x512xf32, #tpu.memory_space<vmem>>, vector<16xf32>,
        %parallel_loop3A_735 = arith.constant 0 : i32
        %parallel_loop3A_736 = arith.index_cast %parallel_loop3A_735 : i32 to index
        %parallel_loop3A_737 = arith.index_cast %parallel_loop3A_513 : i32 to index
        %parallel_loop3A_738 = arith.constant 256 : index
        %parallel_loop3A_739 = tpu.vector_load %arg9[%parallel_loop3A_736, %parallel_loop3A_737, %parallel_loop3A_738] {strides = array<i32>} : memref<2x16x512xf32, #tpu.memory_space<vmem>>, vector<16xf32>,
        %parallel_loop3A_740 = arith.subf %parallel_loop3A_734, %parallel_loop3A_739 : vector<16xf32>
        %parallel_loop3A_741 = arith.mulf %parallel_loop3A_740, %parallel_loop3A_740 : vector<16xf32>
        %parallel_loop3A_742 = arith.addf %parallel_loop3A_690, %parallel_loop3A_741 : vector<16xf32>
        %parallel_loop3A_743 = arith.constant 0 : i32
        %parallel_loop3A_744 = arith.index_cast %parallel_loop3A_743 : i32 to index
        %parallel_loop3A_745 = arith.index_cast %parallel_loop3A_513 : i32 to index
        %parallel_loop3A_746 = arith.constant 272 : index
        %parallel_loop3A_747 = tpu.vector_load %arg8[%parallel_loop3A_744, %parallel_loop3A_745, %parallel_loop3A_746] {strides = array<i32>} : memref<2x16x512xf32, #tpu.memory_space<vmem>>, vector<16xf32>,
        %parallel_loop3A_748 = arith.constant 0 : i32
        %parallel_loop3A_749 = arith.index_cast %parallel_loop3A_748 : i32 to index
        %parallel_loop3A_750 = arith.index_cast %parallel_loop3A_513 : i32 to index
        %parallel_loop3A_751 = arith.constant 272 : index
        %parallel_loop3A_752 = tpu.vector_load %arg9[%parallel_loop3A_749, %parallel_loop3A_750, %parallel_loop3A_751] {strides = array<i32>} : memref<2x16x512xf32, #tpu.memory_space<vmem>>, vector<16xf32>,
        %parallel_loop3A_753 = arith.subf %parallel_loop3A_747, %parallel_loop3A_752 : vector<16xf32>
        %parallel_loop3A_754 = arith.mulf %parallel_loop3A_753, %parallel_loop3A_753 : vector<16xf32>
        %parallel_loop3A_755 = arith.addf %parallel_loop3A_703, %parallel_loop3A_754 : vector<16xf32>
        %parallel_loop3A_756 = arith.constant 0 : i32
        %parallel_loop3A_757 = arith.index_cast %parallel_loop3A_756 : i32 to index
        %parallel_loop3A_758 = arith.index_cast %parallel_loop3A_513 : i32 to index
        %parallel_loop3A_759 = arith.constant 288 : index
        %parallel_loop3A_760 = tpu.vector_load %arg8[%parallel_loop3A_757, %parallel_loop3A_758, %parallel_loop3A_759] {strides = array<i32>} : memref<2x16x512xf32, #tpu.memory_space<vmem>>, vector<16xf32>,
        %parallel_loop3A_761 = arith.constant 0 : i32
        %parallel_loop3A_762 = arith.index_cast %parallel_loop3A_761 : i32 to index
        %parallel_loop3A_763 = arith.index_cast %parallel_loop3A_513 : i32 to index
        %parallel_loop3A_764 = arith.constant 288 : index
        %parallel_loop3A_765 = tpu.vector_load %arg9[%parallel_loop3A_762, %parallel_loop3A_763, %parallel_loop3A_764] {strides = array<i32>} : memref<2x16x512xf32, #tpu.memory_space<vmem>>, vector<16xf32>,
        %parallel_loop3A_766 = arith.subf %parallel_loop3A_760, %parallel_loop3A_765 : vector<16xf32>
        %parallel_loop3A_767 = arith.mulf %parallel_loop3A_766, %parallel_loop3A_766 : vector<16xf32>
        %parallel_loop3A_768 = arith.addf %parallel_loop3A_716, %parallel_loop3A_767 : vector<16xf32>
        %parallel_loop3A_769 = arith.constant 0 : i32
        %parallel_loop3A_770 = arith.index_cast %parallel_loop3A_769 : i32 to index
        %parallel_loop3A_771 = arith.index_cast %parallel_loop3A_513 : i32 to index
        %parallel_loop3A_772 = arith.constant 304 : index
        %parallel_loop3A_773 = tpu.vector_load %arg8[%parallel_loop3A_770, %parallel_loop3A_771, %parallel_loop3A_772] {strides = array<i32>} : memref<2x16x512xf32, #tpu.memory_space<vmem>>, vector<16xf32>,
        %parallel_loop3A_774 = arith.constant 0 : i32
        %parallel_loop3A_775 = arith.index_cast %parallel_loop3A_774 : i32 to index
        %parallel_loop3A_776 = arith.index_cast %parallel_loop3A_513 : i32 to index
        %parallel_loop3A_777 = arith.constant 304 : index
        %parallel_loop3A_778 = tpu.vector_load %arg9[%parallel_loop3A_775, %parallel_loop3A_776, %parallel_loop3A_777] {strides = array<i32>} : memref<2x16x512xf32, #tpu.memory_space<vmem>>, vector<16xf32>,
        %parallel_loop3A_779 = arith.subf %parallel_loop3A_773, %parallel_loop3A_778 : vector<16xf32>
        %parallel_loop3A_780 = arith.mulf %parallel_loop3A_779, %parallel_loop3A_779 : vector<16xf32>
        %parallel_loop3A_781 = arith.addf %parallel_loop3A_729, %parallel_loop3A_780 : vector<16xf32>
        %parallel_loop3A_782 = arith.constant 0 : i32
        %parallel_loop3A_783 = arith.index_cast %parallel_loop3A_782 : i32 to index
        %parallel_loop3A_784 = arith.index_cast %parallel_loop3A_513 : i32 to index
        %parallel_loop3A_785 = arith.constant 320 : index
        %parallel_loop3A_786 = tpu.vector_load %arg8[%parallel_loop3A_783, %parallel_loop3A_784, %parallel_loop3A_785] {strides = array<i32>} : memref<2x16x512xf32, #tpu.memory_space<vmem>>, vector<16xf32>,
        %parallel_loop3A_787 = arith.constant 0 : i32
        %parallel_loop3A_788 = arith.index_cast %parallel_loop3A_787 : i32 to index
        %parallel_loop3A_789 = arith.index_cast %parallel_loop3A_513 : i32 to index
        %parallel_loop3A_790 = arith.constant 320 : index
        %parallel_loop3A_791 = tpu.vector_load %arg9[%parallel_loop3A_788, %parallel_loop3A_789, %parallel_loop3A_790] {strides = array<i32>} : memref<2x16x512xf32, #tpu.memory_space<vmem>>, vector<16xf32>,
        %parallel_loop3A_792 = arith.subf %parallel_loop3A_786, %parallel_loop3A_791 : vector<16xf32>
        %parallel_loop3A_793 = arith.mulf %parallel_loop3A_792, %parallel_loop3A_792 : vector<16xf32>
        %parallel_loop3A_794 = arith.addf %parallel_loop3A_742, %parallel_loop3A_793 : vector<16xf32>
        %parallel_loop3A_795 = arith.constant 0 : i32
        %parallel_loop3A_796 = arith.index_cast %parallel_loop3A_795 : i32 to index
        %parallel_loop3A_797 = arith.index_cast %parallel_loop3A_513 : i32 to index
        %parallel_loop3A_798 = arith.constant 336 : index
        %parallel_loop3A_799 = tpu.vector_load %arg8[%parallel_loop3A_796, %parallel_loop3A_797, %parallel_loop3A_798] {strides = array<i32>} : memref<2x16x512xf32, #tpu.memory_space<vmem>>, vector<16xf32>,
        %parallel_loop3A_800 = arith.constant 0 : i32
        %parallel_loop3A_801 = arith.index_cast %parallel_loop3A_800 : i32 to index
        %parallel_loop3A_802 = arith.index_cast %parallel_loop3A_513 : i32 to index
        %parallel_loop3A_803 = arith.constant 336 : index
        %parallel_loop3A_804 = tpu.vector_load %arg9[%parallel_loop3A_801, %parallel_loop3A_802, %parallel_loop3A_803] {strides = array<i32>} : memref<2x16x512xf32, #tpu.memory_space<vmem>>, vector<16xf32>,
        %parallel_loop3A_805 = arith.subf %parallel_loop3A_799, %parallel_loop3A_804 : vector<16xf32>
        %parallel_loop3A_806 = arith.mulf %parallel_loop3A_805, %parallel_loop3A_805 : vector<16xf32>
        %parallel_loop3A_807 = arith.addf %parallel_loop3A_755, %parallel_loop3A_806 : vector<16xf32>
        %parallel_loop3A_808 = arith.constant 0 : i32
        %parallel_loop3A_809 = arith.index_cast %parallel_loop3A_808 : i32 to index
        %parallel_loop3A_810 = arith.index_cast %parallel_loop3A_513 : i32 to index
        %parallel_loop3A_811 = arith.constant 352 : index
        %parallel_loop3A_812 = tpu.vector_load %arg8[%parallel_loop3A_809, %parallel_loop3A_810, %parallel_loop3A_811] {strides = array<i32>} : memref<2x16x512xf32, #tpu.memory_space<vmem>>, vector<16xf32>,
        %parallel_loop3A_813 = arith.constant 0 : i32
        %parallel_loop3A_814 = arith.index_cast %parallel_loop3A_813 : i32 to index
        %parallel_loop3A_815 = arith.index_cast %parallel_loop3A_513 : i32 to index
        %parallel_loop3A_816 = arith.constant 352 : index
        %parallel_loop3A_817 = tpu.vector_load %arg9[%parallel_loop3A_814, %parallel_loop3A_815, %parallel_loop3A_816] {strides = array<i32>} : memref<2x16x512xf32, #tpu.memory_space<vmem>>, vector<16xf32>,
        %parallel_loop3A_818 = arith.subf %parallel_loop3A_812, %parallel_loop3A_817 : vector<16xf32>
        %parallel_loop3A_819 = arith.mulf %parallel_loop3A_818, %parallel_loop3A_818 : vector<16xf32>
        %parallel_loop3A_820 = arith.addf %parallel_loop3A_768, %parallel_loop3A_819 : vector<16xf32>
        %parallel_loop3A_821 = arith.constant 0 : i32
        %parallel_loop3A_822 = arith.index_cast %parallel_loop3A_821 : i32 to index
        %parallel_loop3A_823 = arith.index_cast %parallel_loop3A_513 : i32 to index
        %parallel_loop3A_824 = arith.constant 368 : index
        %parallel_loop3A_825 = tpu.vector_load %arg8[%parallel_loop3A_822, %parallel_loop3A_823, %parallel_loop3A_824] {strides = array<i32>} : memref<2x16x512xf32, #tpu.memory_space<vmem>>, vector<16xf32>,
        %parallel_loop3A_826 = arith.constant 0 : i32
        %parallel_loop3A_827 = arith.index_cast %parallel_loop3A_826 : i32 to index
        %parallel_loop3A_828 = arith.index_cast %parallel_loop3A_513 : i32 to index
        %parallel_loop3A_829 = arith.constant 368 : index
        %parallel_loop3A_830 = tpu.vector_load %arg9[%parallel_loop3A_827, %parallel_loop3A_828, %parallel_loop3A_829] {strides = array<i32>} : memref<2x16x512xf32, #tpu.memory_space<vmem>>, vector<16xf32>,
        %parallel_loop3A_831 = arith.subf %parallel_loop3A_825, %parallel_loop3A_830 : vector<16xf32>
        %parallel_loop3A_832 = arith.mulf %parallel_loop3A_831, %parallel_loop3A_831 : vector<16xf32>
        %parallel_loop3A_833 = arith.addf %parallel_loop3A_781, %parallel_loop3A_832 : vector<16xf32>
        %parallel_loop3A_834 = arith.constant 0 : i32
        %parallel_loop3A_835 = arith.index_cast %parallel_loop3A_834 : i32 to index
        %parallel_loop3A_836 = arith.index_cast %parallel_loop3A_513 : i32 to index
        %parallel_loop3A_837 = arith.constant 384 : index
        %parallel_loop3A_838 = tpu.vector_load %arg8[%parallel_loop3A_835, %parallel_loop3A_836, %parallel_loop3A_837] {strides = array<i32>} : memref<2x16x512xf32, #tpu.memory_space<vmem>>, vector<16xf32>,
        %parallel_loop3A_839 = arith.constant 0 : i32
        %parallel_loop3A_840 = arith.index_cast %parallel_loop3A_839 : i32 to index
        %parallel_loop3A_841 = arith.index_cast %parallel_loop3A_513 : i32 to index
        %parallel_loop3A_842 = arith.constant 384 : index
        %parallel_loop3A_843 = tpu.vector_load %arg9[%parallel_loop3A_840, %parallel_loop3A_841, %parallel_loop3A_842] {strides = array<i32>} : memref<2x16x512xf32, #tpu.memory_space<vmem>>, vector<16xf32>,
        %parallel_loop3A_844 = arith.subf %parallel_loop3A_838, %parallel_loop3A_843 : vector<16xf32>
        %parallel_loop3A_845 = arith.mulf %parallel_loop3A_844, %parallel_loop3A_844 : vector<16xf32>
        %parallel_loop3A_846 = arith.addf %parallel_loop3A_794, %parallel_loop3A_845 : vector<16xf32>
        %parallel_loop3A_847 = arith.constant 0 : i32
        %parallel_loop3A_848 = arith.index_cast %parallel_loop3A_847 : i32 to index
        %parallel_loop3A_849 = arith.index_cast %parallel_loop3A_513 : i32 to index
        %parallel_loop3A_850 = arith.constant 400 : index
        %parallel_loop3A_851 = tpu.vector_load %arg8[%parallel_loop3A_848, %parallel_loop3A_849, %parallel_loop3A_850] {strides = array<i32>} : memref<2x16x512xf32, #tpu.memory_space<vmem>>, vector<16xf32>,
        %parallel_loop3A_852 = arith.constant 0 : i32
        %parallel_loop3A_853 = arith.index_cast %parallel_loop3A_852 : i32 to index
        %parallel_loop3A_854 = arith.index_cast %parallel_loop3A_513 : i32 to index
        %parallel_loop3A_855 = arith.constant 400 : index
        %parallel_loop3A_856 = tpu.vector_load %arg9[%parallel_loop3A_853, %parallel_loop3A_854, %parallel_loop3A_855] {strides = array<i32>} : memref<2x16x512xf32, #tpu.memory_space<vmem>>, vector<16xf32>,
        %parallel_loop3A_857 = arith.subf %parallel_loop3A_851, %parallel_loop3A_856 : vector<16xf32>
        %parallel_loop3A_858 = arith.mulf %parallel_loop3A_857, %parallel_loop3A_857 : vector<16xf32>
        %parallel_loop3A_859 = arith.addf %parallel_loop3A_807, %parallel_loop3A_858 : vector<16xf32>
        %parallel_loop3A_860 = arith.constant 0 : i32
        %parallel_loop3A_861 = arith.index_cast %parallel_loop3A_860 : i32 to index
        %parallel_loop3A_862 = arith.index_cast %parallel_loop3A_513 : i32 to index
        %parallel_loop3A_863 = arith.constant 416 : index
        %parallel_loop3A_864 = tpu.vector_load %arg8[%parallel_loop3A_861, %parallel_loop3A_862, %parallel_loop3A_863] {strides = array<i32>} : memref<2x16x512xf32, #tpu.memory_space<vmem>>, vector<16xf32>,
        %parallel_loop3A_865 = arith.constant 0 : i32
        %parallel_loop3A_866 = arith.index_cast %parallel_loop3A_865 : i32 to index
        %parallel_loop3A_867 = arith.index_cast %parallel_loop3A_513 : i32 to index
        %parallel_loop3A_868 = arith.constant 416 : index
        %parallel_loop3A_869 = tpu.vector_load %arg9[%parallel_loop3A_866, %parallel_loop3A_867, %parallel_loop3A_868] {strides = array<i32>} : memref<2x16x512xf32, #tpu.memory_space<vmem>>, vector<16xf32>,
        %parallel_loop3A_870 = arith.subf %parallel_loop3A_864, %parallel_loop3A_869 : vector<16xf32>
        %parallel_loop3A_871 = arith.mulf %parallel_loop3A_870, %parallel_loop3A_870 : vector<16xf32>
        %parallel_loop3A_872 = arith.addf %parallel_loop3A_820, %parallel_loop3A_871 : vector<16xf32>
        %parallel_loop3A_873 = arith.constant 0 : i32
        %parallel_loop3A_874 = arith.index_cast %parallel_loop3A_873 : i32 to index
        %parallel_loop3A_875 = arith.index_cast %parallel_loop3A_513 : i32 to index
        %parallel_loop3A_876 = arith.constant 432 : index
        %parallel_loop3A_877 = tpu.vector_load %arg8[%parallel_loop3A_874, %parallel_loop3A_875, %parallel_loop3A_876] {strides = array<i32>} : memref<2x16x512xf32, #tpu.memory_space<vmem>>, vector<16xf32>,
        %parallel_loop3A_878 = arith.constant 0 : i32
        %parallel_loop3A_879 = arith.index_cast %parallel_loop3A_878 : i32 to index
        %parallel_loop3A_880 = arith.index_cast %parallel_loop3A_513 : i32 to index
        %parallel_loop3A_881 = arith.constant 432 : index
        %parallel_loop3A_882 = tpu.vector_load %arg9[%parallel_loop3A_879, %parallel_loop3A_880, %parallel_loop3A_881] {strides = array<i32>} : memref<2x16x512xf32, #tpu.memory_space<vmem>>, vector<16xf32>,
        %parallel_loop3A_883 = arith.subf %parallel_loop3A_877, %parallel_loop3A_882 : vector<16xf32>
        %parallel_loop3A_884 = arith.mulf %parallel_loop3A_883, %parallel_loop3A_883 : vector<16xf32>
        %parallel_loop3A_885 = arith.addf %parallel_loop3A_833, %parallel_loop3A_884 : vector<16xf32>
        %parallel_loop3A_886 = arith.constant 0 : i32
        %parallel_loop3A_887 = arith.index_cast %parallel_loop3A_886 : i32 to index
        %parallel_loop3A_888 = arith.index_cast %parallel_loop3A_513 : i32 to index
        %parallel_loop3A_889 = arith.constant 448 : index
        %parallel_loop3A_890 = tpu.vector_load %arg8[%parallel_loop3A_887, %parallel_loop3A_888, %parallel_loop3A_889] {strides = array<i32>} : memref<2x16x512xf32, #tpu.memory_space<vmem>>, vector<16xf32>,
        %parallel_loop3A_891 = arith.constant 0 : i32
        %parallel_loop3A_892 = arith.index_cast %parallel_loop3A_891 : i32 to index
        %parallel_loop3A_893 = arith.index_cast %parallel_loop3A_513 : i32 to index
        %parallel_loop3A_894 = arith.constant 448 : index
        %parallel_loop3A_895 = tpu.vector_load %arg9[%parallel_loop3A_892, %parallel_loop3A_893, %parallel_loop3A_894] {strides = array<i32>} : memref<2x16x512xf32, #tpu.memory_space<vmem>>, vector<16xf32>,
        %parallel_loop3A_896 = arith.subf %parallel_loop3A_890, %parallel_loop3A_895 : vector<16xf32>
        %parallel_loop3A_897 = arith.mulf %parallel_loop3A_896, %parallel_loop3A_896 : vector<16xf32>
        %parallel_loop3A_898 = arith.addf %parallel_loop3A_846, %parallel_loop3A_897 : vector<16xf32>
        %parallel_loop3A_899 = arith.constant 0 : i32
        %parallel_loop3A_900 = arith.index_cast %parallel_loop3A_899 : i32 to index
        %parallel_loop3A_901 = arith.index_cast %parallel_loop3A_513 : i32 to index
        %parallel_loop3A_902 = arith.constant 464 : index
        %parallel_loop3A_903 = tpu.vector_load %arg8[%parallel_loop3A_900, %parallel_loop3A_901, %parallel_loop3A_902] {strides = array<i32>} : memref<2x16x512xf32, #tpu.memory_space<vmem>>, vector<16xf32>,
        %parallel_loop3A_904 = arith.constant 0 : i32
        %parallel_loop3A_905 = arith.index_cast %parallel_loop3A_904 : i32 to index
        %parallel_loop3A_906 = arith.index_cast %parallel_loop3A_513 : i32 to index
        %parallel_loop3A_907 = arith.constant 464 : index
        %parallel_loop3A_908 = tpu.vector_load %arg9[%parallel_loop3A_905, %parallel_loop3A_906, %parallel_loop3A_907] {strides = array<i32>} : memref<2x16x512xf32, #tpu.memory_space<vmem>>, vector<16xf32>,
        %parallel_loop3A_909 = arith.subf %parallel_loop3A_903, %parallel_loop3A_908 : vector<16xf32>
        %parallel_loop3A_910 = arith.mulf %parallel_loop3A_909, %parallel_loop3A_909 : vector<16xf32>
        %parallel_loop3A_911 = arith.addf %parallel_loop3A_859, %parallel_loop3A_910 : vector<16xf32>
        %parallel_loop3A_912 = arith.constant 0 : i32
        %parallel_loop3A_913 = arith.index_cast %parallel_loop3A_912 : i32 to index
        %parallel_loop3A_914 = arith.index_cast %parallel_loop3A_513 : i32 to index
        %parallel_loop3A_915 = arith.constant 480 : index
        %parallel_loop3A_916 = tpu.vector_load %arg8[%parallel_loop3A_913, %parallel_loop3A_914, %parallel_loop3A_915] {strides = array<i32>} : memref<2x16x512xf32, #tpu.memory_space<vmem>>, vector<16xf32>,
        %parallel_loop3A_917 = arith.constant 0 : i32
        %parallel_loop3A_918 = arith.index_cast %parallel_loop3A_917 : i32 to index
        %parallel_loop3A_919 = arith.index_cast %parallel_loop3A_513 : i32 to index
        %parallel_loop3A_920 = arith.constant 480 : index
        %parallel_loop3A_921 = tpu.vector_load %arg9[%parallel_loop3A_918, %parallel_loop3A_919, %parallel_loop3A_920] {strides = array<i32>} : memref<2x16x512xf32, #tpu.memory_space<vmem>>, vector<16xf32>,
        %parallel_loop3A_922 = arith.subf %parallel_loop3A_916, %parallel_loop3A_921 : vector<16xf32>
        %parallel_loop3A_923 = arith.mulf %parallel_loop3A_922, %parallel_loop3A_922 : vector<16xf32>
        %parallel_loop3A_924 = arith.addf %parallel_loop3A_872, %parallel_loop3A_923 : vector<16xf32>
        %parallel_loop3A_925 = arith.constant 0 : i32
        %parallel_loop3A_926 = arith.index_cast %parallel_loop3A_925 : i32 to index
        %parallel_loop3A_927 = arith.index_cast %parallel_loop3A_513 : i32 to index
        %parallel_loop3A_928 = arith.constant 496 : index
        %parallel_loop3A_929 = tpu.vector_load %arg8[%parallel_loop3A_926, %parallel_loop3A_927, %parallel_loop3A_928] {strides = array<i32>} : memref<2x16x512xf32, #tpu.memory_space<vmem>>, vector<16xf32>,
        %parallel_loop3A_930 = arith.constant 0 : i32
        %parallel_loop3A_931 = arith.index_cast %parallel_loop3A_930 : i32 to index
        %parallel_loop3A_932 = arith.index_cast %parallel_loop3A_513 : i32 to index
        %parallel_loop3A_933 = arith.constant 496 : index
        %parallel_loop3A_934 = tpu.vector_load %arg9[%parallel_loop3A_931, %parallel_loop3A_932, %parallel_loop3A_933] {strides = array<i32>} : memref<2x16x512xf32, #tpu.memory_space<vmem>>, vector<16xf32>,
        %parallel_loop3A_935 = arith.subf %parallel_loop3A_929, %parallel_loop3A_934 : vector<16xf32>
        %parallel_loop3A_936 = arith.mulf %parallel_loop3A_935, %parallel_loop3A_935 : vector<16xf32>
        %parallel_loop3A_937 = arith.addf %parallel_loop3A_885, %parallel_loop3A_936 : vector<16xf32>
        %parallel_loop3A_938 = arith.addf %parallel_loop3A_898, %parallel_loop3A_911 : vector<16xf32>
        %parallel_loop3A_939 = arith.addf %parallel_loop3A_924, %parallel_loop3A_937 : vector<16xf32>
        %parallel_loop3A_940 = arith.addf %parallel_loop3A_938, %parallel_loop3A_939 : vector<16xf32>
        %parallel_loop3A_941 = arith.index_cast %parallel_loop3A_513 : i32 to index
        %parallel_loop3A_942 = arith.constant 0 : index
        %parallel_loop3A_943 = tpu.vector_load %arg13[%parallel_loop3A_941, %parallel_loop3A_942] {strides = array<i32>} : memref<16x17xf32, #tpu.memory_space<vmem>>, vector<16xf32>,
        tpu.vector_store %arg13[%parallel_loop3A_941, %parallel_loop3A_942], %parallel_loop3A_940 {strides = array<i32>} : memref<16x17xf32, #tpu.memory_space<vmem>>, vector<16xf32>,
      } {sc.loop_unroll_factor = 2 : i64, sc.parallel_access}
      %iota3A = tpu.iota {dimensions = array<i32: 0>} : vector<16xi32>
      %add3A_245 = arith.constant 0 : i32
      %add3A_246 = vector.broadcast %add3A_245 : i32 to vector<16xi32>
      %add3A_247 = arith.addi %iota3A, %add3A_246 : vector<16xi32>
      %broadcast_in_dim3A_248 = arith.constant 0.000000e+00 : f32
      %broadcast_in_dim3A_249 = vector.broadcast %broadcast_in_dim3A_248 : f32 to vector<16xf32>
      %broadcast_in_dim3A_250 = arith.constant 0 : i32
      %broadcast_in_dim3A_251 = vector.broadcast %broadcast_in_dim3A_250 : i32 to vector<16xi32>
      %gather3A = tpu.vector_load_idx %arg13[%add3A_247, %broadcast_in_dim3A_251] : memref<16x17xf32, #tpu.memory_space<vmem>>[vector<16xi32>, vector<16xi32>], vector<16xf32>,
      %add3A_252 = arith.addf %broadcast_in_dim3A_249, %gather3A : vector<16xf32>
      %broadcast_in_dim3A_253 = arith.constant 1 : i32
      %broadcast_in_dim3A_254 = vector.broadcast %broadcast_in_dim3A_253 : i32 to vector<16xi32>
      %gather3A_255 = tpu.vector_load_idx %arg13[%add3A_247, %broadcast_in_dim3A_254] : memref<16x17xf32, #tpu.memory_space<vmem>>[vector<16xi32>, vector<16xi32>], vector<16xf32>,
      %add3A_256 = arith.addf %add3A_252, %gather3A_255 : vector<16xf32>
      %broadcast_in_dim3A_257 = arith.constant 2 : i32
      %broadcast_in_dim3A_258 = vector.broadcast %broadcast_in_dim3A_257 : i32 to vector<16xi32>
      %gather3A_259 = tpu.vector_load_idx %arg13[%add3A_247, %broadcast_in_dim3A_258] : memref<16x17xf32, #tpu.memory_space<vmem>>[vector<16xi32>, vector<16xi32>], vector<16xf32>,
      %add3A_260 = arith.addf %add3A_256, %gather3A_259 : vector<16xf32>
      %broadcast_in_dim3A_261 = arith.constant 3 : i32
      %broadcast_in_dim3A_262 = vector.broadcast %broadcast_in_dim3A_261 : i32 to vector<16xi32>
      %gather3A_263 = tpu.vector_load_idx %arg13[%add3A_247, %broadcast_in_dim3A_262] : memref<16x17xf32, #tpu.memory_space<vmem>>[vector<16xi32>, vector<16xi32>], vector<16xf32>,
      %add3A_264 = arith.addf %add3A_260, %gather3A_263 : vector<16xf32>
      %broadcast_in_dim3A_265 = arith.constant 4 : i32
      %broadcast_in_dim3A_266 = vector.broadcast %broadcast_in_dim3A_265 : i32 to vector<16xi32>
      %gather3A_267 = tpu.vector_load_idx %arg13[%add3A_247, %broadcast_in_dim3A_266] : memref<16x17xf32, #tpu.memory_space<vmem>>[vector<16xi32>, vector<16xi32>], vector<16xf32>,
      %add3A_268 = arith.addf %add3A_264, %gather3A_267 : vector<16xf32>
      %broadcast_in_dim3A_269 = arith.constant 5 : i32
      %broadcast_in_dim3A_270 = vector.broadcast %broadcast_in_dim3A_269 : i32 to vector<16xi32>
      %gather3A_271 = tpu.vector_load_idx %arg13[%add3A_247, %broadcast_in_dim3A_270] : memref<16x17xf32, #tpu.memory_space<vmem>>[vector<16xi32>, vector<16xi32>], vector<16xf32>,
      %add3A_272 = arith.addf %add3A_268, %gather3A_271 : vector<16xf32>
      %broadcast_in_dim3A_273 = arith.constant 6 : i32
      %broadcast_in_dim3A_274 = vector.broadcast %broadcast_in_dim3A_273 : i32 to vector<16xi32>
      %gather3A_275 = tpu.vector_load_idx %arg13[%add3A_247, %broadcast_in_dim3A_274] : memref<16x17xf32, #tpu.memory_space<vmem>>[vector<16xi32>, vector<16xi32>], vector<16xf32>,
      %add3A_276 = arith.addf %add3A_272, %gather3A_275 : vector<16xf32>
      %broadcast_in_dim3A_277 = arith.constant 7 : i32
      %broadcast_in_dim3A_278 = vector.broadcast %broadcast_in_dim3A_277 : i32 to vector<16xi32>
      %gather3A_279 = tpu.vector_load_idx %arg13[%add3A_247, %broadcast_in_dim3A_278] : memref<16x17xf32, #tpu.memory_space<vmem>>[vector<16xi32>, vector<16xi32>], vector<16xf32>,
      %add3A_280 = arith.addf %add3A_276, %gather3A_279 : vector<16xf32>
      %broadcast_in_dim3A_281 = arith.constant 8 : i32
      %broadcast_in_dim3A_282 = vector.broadcast %broadcast_in_dim3A_281 : i32 to vector<16xi32>
      %gather3A_283 = tpu.vector_load_idx %arg13[%add3A_247, %broadcast_in_dim3A_282] : memref<16x17xf32, #tpu.memory_space<vmem>>[vector<16xi32>, vector<16xi32>], vector<16xf32>,
      %add3A_284 = arith.addf %add3A_280, %gather3A_283 : vector<16xf32>
      %broadcast_in_dim3A_285 = arith.constant 9 : i32
      %broadcast_in_dim3A_286 = vector.broadcast %broadcast_in_dim3A_285 : i32 to vector<16xi32>
      %gather3A_287 = tpu.vector_load_idx %arg13[%add3A_247, %broadcast_in_dim3A_286] : memref<16x17xf32, #tpu.memory_space<vmem>>[vector<16xi32>, vector<16xi32>], vector<16xf32>,
      %add3A_288 = arith.addf %add3A_284, %gather3A_287 : vector<16xf32>
      %broadcast_in_dim3A_289 = arith.constant 10 : i32
      %broadcast_in_dim3A_290 = vector.broadcast %broadcast_in_dim3A_289 : i32 to vector<16xi32>
      %gather3A_291 = tpu.vector_load_idx %arg13[%add3A_247, %broadcast_in_dim3A_290] : memref<16x17xf32, #tpu.memory_space<vmem>>[vector<16xi32>, vector<16xi32>], vector<16xf32>,
      %add3A_292 = arith.addf %add3A_288, %gather3A_291 : vector<16xf32>
      %broadcast_in_dim3A_293 = arith.constant 11 : i32
      %broadcast_in_dim3A_294 = vector.broadcast %broadcast_in_dim3A_293 : i32 to vector<16xi32>
      %gather3A_295 = tpu.vector_load_idx %arg13[%add3A_247, %broadcast_in_dim3A_294] : memref<16x17xf32, #tpu.memory_space<vmem>>[vector<16xi32>, vector<16xi32>], vector<16xf32>,
      %add3A_296 = arith.addf %add3A_292, %gather3A_295 : vector<16xf32>
      %broadcast_in_dim3A_297 = arith.constant 12 : i32
      %broadcast_in_dim3A_298 = vector.broadcast %broadcast_in_dim3A_297 : i32 to vector<16xi32>
      %gather3A_299 = tpu.vector_load_idx %arg13[%add3A_247, %broadcast_in_dim3A_298] : memref<16x17xf32, #tpu.memory_space<vmem>>[vector<16xi32>, vector<16xi32>], vector<16xf32>,
      %add3A_300 = arith.addf %add3A_296, %gather3A_299 : vector<16xf32>
      %broadcast_in_dim3A_301 = arith.constant 13 : i32
      %broadcast_in_dim3A_302 = vector.broadcast %broadcast_in_dim3A_301 : i32 to vector<16xi32>
      %gather3A_303 = tpu.vector_load_idx %arg13[%add3A_247, %broadcast_in_dim3A_302] : memref<16x17xf32, #tpu.memory_space<vmem>>[vector<16xi32>, vector<16xi32>], vector<16xf32>,
      %add3A_304 = arith.addf %add3A_300, %gather3A_303 : vector<16xf32>
      %broadcast_in_dim3A_305 = arith.constant 14 : i32
      %broadcast_in_dim3A_306 = vector.broadcast %broadcast_in_dim3A_305 : i32 to vector<16xi32>
      %gather3A_307 = tpu.vector_load_idx %arg13[%add3A_247, %broadcast_in_dim3A_306] : memref<16x17xf32, #tpu.memory_space<vmem>>[vector<16xi32>, vector<16xi32>], vector<16xf32>,
      %add3A_308 = arith.addf %add3A_304, %gather3A_307 : vector<16xf32>
      %broadcast_in_dim3A_309 = arith.constant 15 : i32
      %broadcast_in_dim3A_310 = vector.broadcast %broadcast_in_dim3A_309 : i32 to vector<16xi32>
      %gather3A_311 = tpu.vector_load_idx %arg13[%add3A_247, %broadcast_in_dim3A_310] : memref<16x17xf32, #tpu.memory_space<vmem>>[vector<16xi32>, vector<16xi32>], vector<16xf32>,
      %add3A_312 = arith.addf %add3A_308, %gather3A_311 : vector<16xf32>
      %max3A = arith.constant 1.000000e-30 : f32
      %max3A_313 = vector.broadcast %max3A : f32 to vector<16xf32>
      %max3A_314 = arith.maximumf %add3A_312, %max3A_313 : vector<16xf32>
      %bitcast3A = vector.bitcast %max3A_314 : vector<16xf32> to vector<16xi32>
      %shift_right_arithmetic3A = arith.constant 1 : i32
      %shift_right_arithmetic3A_315 = vector.broadcast %shift_right_arithmetic3A : i32 to vector<16xi32>
      %shift_right_arithmetic3A_316 = arith.shrsi %bitcast3A, %shift_right_arithmetic3A_315 : vector<16xi32>
      %sub3A = arith.constant 1597463007 : i32
      %sub3A_317 = vector.broadcast %sub3A : i32 to vector<16xi32>
      %sub3A_318 = arith.subi %sub3A_317, %shift_right_arithmetic3A_316 : vector<16xi32>
      %bitcast3A_319 = vector.bitcast %sub3A_318 : vector<16xi32> to vector<16xf32>
      %mul3A_320 = arith.constant 5.000000e-01 : f32
      %mul3A_321 = vector.broadcast %mul3A_320 : f32 to vector<16xf32>
      %mul3A_322 = arith.mulf %mul3A_321, %max3A_314 : vector<16xf32>
      %mul3A_323 = arith.mulf %mul3A_322, %bitcast3A_319 : vector<16xf32>
      %mul3A_324 = arith.mulf %mul3A_323, %bitcast3A_319 : vector<16xf32>
      %sub3A_325 = arith.constant 1.500000e+00 : f32
      %sub3A_326 = vector.broadcast %sub3A_325 : f32 to vector<16xf32>
      %sub3A_327 = arith.subf %sub3A_326, %mul3A_324 : vector<16xf32>
      %mul3A_328 = arith.mulf %bitcast3A_319, %sub3A_327 : vector<16xf32>
      %mul3A_329 = arith.constant 5.000000e-01 : f32
      %mul3A_330 = vector.broadcast %mul3A_329 : f32 to vector<16xf32>
      %mul3A_331 = arith.mulf %mul3A_330, %max3A_314 : vector<16xf32>
      %mul3A_332 = arith.mulf %mul3A_331, %mul3A_328 : vector<16xf32>
      %mul3A_333 = arith.mulf %mul3A_332, %mul3A_328 : vector<16xf32>
      %sub3A_334 = arith.constant 1.500000e+00 : f32
      %sub3A_335 = vector.broadcast %sub3A_334 : f32 to vector<16xf32>
      %sub3A_336 = arith.subf %sub3A_335, %mul3A_333 : vector<16xf32>
      %mul3A_337 = arith.mulf %mul3A_328, %sub3A_336 : vector<16xf32>
      %mul3A_338 = arith.constant 5.000000e-01 : f32
      %mul3A_339 = vector.broadcast %mul3A_338 : f32 to vector<16xf32>
      %mul3A_340 = arith.mulf %mul3A_339, %max3A_314 : vector<16xf32>
      %mul3A_341 = arith.mulf %mul3A_340, %mul3A_337 : vector<16xf32>
      %mul3A_342 = arith.mulf %mul3A_341, %mul3A_337 : vector<16xf32>
      %sub3A_343 = arith.constant 1.500000e+00 : f32
      %sub3A_344 = vector.broadcast %sub3A_343 : f32 to vector<16xf32>
      %sub3A_345 = arith.subf %sub3A_344, %mul3A_342 : vector<16xf32>
      %mul3A_346 = arith.mulf %mul3A_337, %sub3A_345 : vector<16xf32>
      %mul3A_347 = arith.mulf %add3A_312, %mul3A_346 : vector<16xf32>
      %mul3A_348 = arith.constant 16 : i32
      %mul3A_349 = arith.muli %mul3A_213, %mul3A_348 : i32
      %add3A_350 = arith.constant 0 : i32
      %add3A_351 = arith.addi %mul3A_349, %add3A_350 : i32
      %swap3A_352 = arith.index_cast %add3A_351 : i32 to index
      %swap3A_353 = tpu.vector_load %arg10[%swap3A_352] {strides = array<i32>} : memref<128xf32, #tpu.memory_space<vmem>>, vector<16xf32>,
      tpu.vector_store %arg10[%swap3A_352], %mul3A_347 {strides = array<i32>} : memref<128xf32, #tpu.memory_space<vmem>>, vector<16xf32>,
      %lt3A = arith.constant 3 : i32
      %lt3A_354 = arith.cmpi slt, %scan3A_211, %lt3A : i32
      %convert_element_type3A_355 = arith.extui %lt3A_354 : i1 to i32
      %cond3A_356 = arith.constant 0 : i32
      %cond3A_357 = arith.cmpi ne, %convert_element_type3A_355, %cond3A_356 : i32
      scf.if %cond3A_357 {
        %add3A_513 = arith.constant 2 : i32
        %add3A_514 = arith.addi %mul3A_213, %add3A_513 : i32
        %mul3A_515 = arith.constant 16 : i32
        %mul3A_516 = arith.muli %add3A_514, %mul3A_515 : i32
        %add3A_517 = arith.addi %mul3A_2, %mul3A_516 : i32
        %dma_start3A_518 = arith.constant 0 : i32
        %dma_start3A_519 = arith.constant 0 : i32
        %dma_start3A_520 = arith.constant 0 : i32
        %dma_start3A_521 = tpu.memref_slice %arg8[%dma_start3A_518, %dma_start3A_519, %dma_start3A_520] : memref<2x16x512xf32, #tpu.memory_space<vmem>> -> memref<1x16x512xf32, #tpu.memory_space<vmem>>
        %dma_start3A_522 = tpu.memref_squeeze %dma_start3A_521 : memref<1x16x512xf32, #tpu.memory_space<vmem>> -> memref<16x512xf32, #tpu.memory_space<vmem>>
        %dma_start3A_523 = arith.constant 0 : i32
        %dma_start3A_524 = tpu.memref_slice %arg2[%add3A_517, %dma_start3A_523] : memref<4096x512xf32, #tpu.memory_space<hbm>> -> memref<16x512xf32, #tpu.memory_space<hbm>>
        %dma_start3A_525 = arith.constant 0 : i32
        %dma_start3A_526 = arith.constant 0 : i32
        %dma_start3A_527 = tpu.memref_slice %arg8[%dma_start3A_518, %dma_start3A_525, %dma_start3A_526] : memref<2x16x512xf32, #tpu.memory_space<vmem>> -> memref<1x16x512xf32, #tpu.memory_space<vmem>>
        %dma_start3A_528 = tpu.memref_squeeze %dma_start3A_527 : memref<1x16x512xf32, #tpu.memory_space<vmem>> -> memref<16x512xf32, #tpu.memory_space<vmem>>
        %dma_start3A_529 = arith.constant 0 : i32
        %dma_start3A_530 = tpu.memref_slice %arg2[%add3A_517, %dma_start3A_529] : memref<4096x512xf32, #tpu.memory_space<hbm>> -> memref<16x512xf32, #tpu.memory_space<hbm>>
        tpu.enqueue_dma source(%dma_start3A_530 : memref<16x512xf32, #tpu.memory_space<hbm>>) target(%dma_start3A_528 : memref<16x512xf32, #tpu.memory_space<vmem>>) target_semaphore(%arg14 : memref<!tpu.dma_semaphore, #tpu.memory_space<semaphore_mem>>)
        %mul3A_531 = arith.constant 16 : i32
        %mul3A_532 = arith.muli %add3A_514, %mul3A_531 : i32
        %dma_start3A_533 = arith.constant 0 : i32
        %dma_start3A_534 = arith.constant 0 : i32
        %dma_start3A_535 = arith.constant 0 : i32
        %dma_start3A_536 = tpu.memref_slice %arg9[%dma_start3A_533, %dma_start3A_534, %dma_start3A_535] : memref<2x16x512xf32, #tpu.memory_space<vmem>> -> memref<1x16x512xf32, #tpu.memory_space<vmem>>
        %dma_start3A_537 = tpu.memref_squeeze %dma_start3A_536 : memref<1x16x512xf32, #tpu.memory_space<vmem>> -> memref<16x512xf32, #tpu.memory_space<vmem>>
        %dma_start3A_538 = tpu.memref_slice %arg7[%mul3A_532] : memref<128xi32, #tpu.memory_space<vmem>> -> memref<16xi32, #tpu.memory_space<vmem>>
        %dma_start3A_539 = arith.constant 0 : i32
        %dma_start3A_540 = arith.constant 0 : i32
        %dma_start3A_541 = tpu.memref_slice %arg4[%dma_start3A_539, %dma_start3A_540] : memref<1000x512xf32, #tpu.memory_space<hbm>> -> memref<1000x512xf32, #tpu.memory_space<hbm>>
        tpu.enqueue_indirect_dma source(%dma_start3A_541 : memref<1000x512xf32, #tpu.memory_space<hbm>>) target(%dma_start3A_537 : memref<16x512xf32, #tpu.memory_space<vmem>>) offsets(%dma_start3A_538 : memref<16xi32, #tpu.memory_space<vmem>>) semaphore(%arg16 : memref<!tpu.dma_semaphore, #tpu.memory_space<semaphore_mem>>)
      } else {
      }
      %dma_wait3A_358 = arith.constant 1 : i32
      %dma_wait3A_359 = arith.constant 0 : i32
      %dma_wait3A_360 = arith.constant 0 : i32
      %dma_wait3A_361 = tpu.memref_slice %arg8[%dma_wait3A_358, %dma_wait3A_359, %dma_wait3A_360] : memref<2x16x512xf32, #tpu.memory_space<vmem>> -> memref<1x16x512xf32, #tpu.memory_space<vmem>>
      %dma_wait3A_362 = tpu.memref_squeeze %dma_wait3A_361 : memref<1x16x512xf32, #tpu.memory_space<vmem>> -> memref<16x512xf32, #tpu.memory_space<vmem>>
      %dma_wait3A_363 = arith.constant 0 : i32
      %dma_wait3A_364 = arith.constant 0 : i32
      %dma_wait3A_365 = tpu.memref_slice %arg2[%dma_wait3A_363, %dma_wait3A_364] : memref<4096x512xf32, #tpu.memory_space<hbm>> -> memref<16x512xf32, #tpu.memory_space<hbm>>
      %dma_wait3A_366 = arith.constant 0 : i32
      %dma_wait3A_367 = arith.constant 0 : i32
      %dma_wait3A_368 = tpu.memref_slice %arg8[%dma_wait3A_358, %dma_wait3A_366, %dma_wait3A_367] : memref<2x16x512xf32, #tpu.memory_space<vmem>> -> memref<1x16x512xf32, #tpu.memory_space<vmem>>
      %dma_wait3A_369 = tpu.memref_squeeze %dma_wait3A_368 : memref<1x16x512xf32, #tpu.memory_space<vmem>> -> memref<16x512xf32, #tpu.memory_space<vmem>>
      %dma_wait3A_370 = arith.constant 0 : i32
      %dma_wait3A_371 = arith.constant 0 : i32
      %dma_wait3A_372 = tpu.memref_slice %arg2[%dma_wait3A_370, %dma_wait3A_371] : memref<4096x512xf32, #tpu.memory_space<hbm>> -> memref<16x512xf32, #tpu.memory_space<hbm>>
      tpu.wait_dma2 semaphore(%arg15 : memref<!tpu.dma_semaphore, #tpu.memory_space<semaphore_mem>>) src(%dma_wait3A_372 : memref<16x512xf32, #tpu.memory_space<hbm>>) dst(%dma_wait3A_369 : memref<16x512xf32, #tpu.memory_space<vmem>>)
      %dma_wait3A_373 = arith.constant 1 : i32
      %dma_wait3A_374 = arith.constant 0 : i32
      %dma_wait3A_375 = arith.constant 0 : i32
      %dma_wait3A_376 = tpu.memref_slice %arg9[%dma_wait3A_373, %dma_wait3A_374, %dma_wait3A_375] : memref<2x16x512xf32, #tpu.memory_space<vmem>> -> memref<1x16x512xf32, #tpu.memory_space<vmem>>
      %dma_wait3A_377 = tpu.memref_squeeze %dma_wait3A_376 : memref<1x16x512xf32, #tpu.memory_space<vmem>> -> memref<16x512xf32, #tpu.memory_space<vmem>>
      %dma_wait3A_378 = arith.constant 0 : i32
      %dma_wait3A_379 = arith.constant 0 : i32
      %dma_wait3A_380 = tpu.memref_slice %arg2[%dma_wait3A_378, %dma_wait3A_379] : memref<4096x512xf32, #tpu.memory_space<hbm>> -> memref<16x512xf32, #tpu.memory_space<hbm>>
      %dma_wait3A_381 = arith.constant 0 : i32
      %dma_wait3A_382 = arith.constant 0 : i32
      %dma_wait3A_383 = tpu.memref_slice %arg9[%dma_wait3A_373, %dma_wait3A_381, %dma_wait3A_382] : memref<2x16x512xf32, #tpu.memory_space<vmem>> -> memref<1x16x512xf32, #tpu.memory_space<vmem>>
      %dma_wait3A_384 = tpu.memref_squeeze %dma_wait3A_383 : memref<1x16x512xf32, #tpu.memory_space<vmem>> -> memref<16x512xf32, #tpu.memory_space<vmem>>
      %dma_wait3A_385 = arith.constant 0 : i32
      %dma_wait3A_386 = arith.constant 0 : i32
      %dma_wait3A_387 = tpu.memref_slice %arg2[%dma_wait3A_385, %dma_wait3A_386] : memref<4096x512xf32, #tpu.memory_space<hbm>> -> memref<16x512xf32, #tpu.memory_space<hbm>>
      tpu.wait_dma2 semaphore(%arg17 : memref<!tpu.dma_semaphore, #tpu.memory_space<semaphore_mem>>) src(%dma_wait3A_387 : memref<16x512xf32, #tpu.memory_space<hbm>>) dst(%dma_wait3A_384 : memref<16x512xf32, #tpu.memory_space<vmem>>)
      %add3A_388 = arith.constant 1 : i32
      %add3A_389 = arith.addi %mul3A_213, %add3A_388 : i32
      %parallel_loop3A_390 = arith.constant 0 : i32
      %parallel_loop3A_391 = arith.constant 16 : i32
      %parallel_loop3A_392 = arith.constant 1 : i32
      scf.for %parallel_loop3A_513 = %parallel_loop3A_390 to %parallel_loop3A_391 step %parallel_loop3A_392  : i32 {
        %parallel_loop3A_514 = arith.constant 0.000000e+00 : f32
        %parallel_loop3A_515 = vector.broadcast %parallel_loop3A_514 : f32 to vector<16xf32>
        %parallel_loop3A_516 = arith.constant 0.000000e+00 : f32
        %parallel_loop3A_517 = vector.broadcast %parallel_loop3A_516 : f32 to vector<16xf32>
        %parallel_loop3A_518 = arith.constant 0.000000e+00 : f32
        %parallel_loop3A_519 = vector.broadcast %parallel_loop3A_518 : f32 to vector<16xf32>
        %parallel_loop3A_520 = arith.constant 0.000000e+00 : f32
        %parallel_loop3A_521 = vector.broadcast %parallel_loop3A_520 : f32 to vector<16xf32>
        %parallel_loop3A_522 = arith.constant 1 : i32
        %parallel_loop3A_523 = arith.index_cast %parallel_loop3A_522 : i32 to index
        %parallel_loop3A_524 = arith.index_cast %parallel_loop3A_513 : i32 to index
        %parallel_loop3A_525 = arith.constant 0 : index
        %parallel_loop3A_526 = tpu.vector_load %arg8[%parallel_loop3A_523, %parallel_loop3A_524, %parallel_loop3A_525] {strides = array<i32>} : memref<2x16x512xf32, #tpu.memory_space<vmem>>, vector<16xf32>,
        %parallel_loop3A_527 = arith.constant 1 : i32
        %parallel_loop3A_528 = arith.index_cast %parallel_loop3A_527 : i32 to index
        %parallel_loop3A_529 = arith.index_cast %parallel_loop3A_513 : i32 to index
        %parallel_loop3A_530 = arith.constant 0 : index
        %parallel_loop3A_531 = tpu.vector_load %arg9[%parallel_loop3A_528, %parallel_loop3A_529, %parallel_loop3A_530] {strides = array<i32>} : memref<2x16x512xf32, #tpu.memory_space<vmem>>, vector<16xf32>,
        %parallel_loop3A_532 = arith.subf %parallel_loop3A_526, %parallel_loop3A_531 : vector<16xf32>
        %parallel_loop3A_533 = arith.mulf %parallel_loop3A_532, %parallel_loop3A_532 : vector<16xf32>
        %parallel_loop3A_534 = arith.addf %parallel_loop3A_515, %parallel_loop3A_533 : vector<16xf32>
        %parallel_loop3A_535 = arith.constant 1 : i32
        %parallel_loop3A_536 = arith.index_cast %parallel_loop3A_535 : i32 to index
        %parallel_loop3A_537 = arith.index_cast %parallel_loop3A_513 : i32 to index
        %parallel_loop3A_538 = arith.constant 16 : index
        %parallel_loop3A_539 = tpu.vector_load %arg8[%parallel_loop3A_536, %parallel_loop3A_537, %parallel_loop3A_538] {strides = array<i32>} : memref<2x16x512xf32, #tpu.memory_space<vmem>>, vector<16xf32>,
        %parallel_loop3A_540 = arith.constant 1 : i32
        %parallel_loop3A_541 = arith.index_cast %parallel_loop3A_540 : i32 to index
        %parallel_loop3A_542 = arith.index_cast %parallel_loop3A_513 : i32 to index
        %parallel_loop3A_543 = arith.constant 16 : index
        %parallel_loop3A_544 = tpu.vector_load %arg9[%parallel_loop3A_541, %parallel_loop3A_542, %parallel_loop3A_543] {strides = array<i32>} : memref<2x16x512xf32, #tpu.memory_space<vmem>>, vector<16xf32>,
        %parallel_loop3A_545 = arith.subf %parallel_loop3A_539, %parallel_loop3A_544 : vector<16xf32>
        %parallel_loop3A_546 = arith.mulf %parallel_loop3A_545, %parallel_loop3A_545 : vector<16xf32>
        %parallel_loop3A_547 = arith.addf %parallel_loop3A_517, %parallel_loop3A_546 : vector<16xf32>
        %parallel_loop3A_548 = arith.constant 1 : i32
        %parallel_loop3A_549 = arith.index_cast %parallel_loop3A_548 : i32 to index
        %parallel_loop3A_550 = arith.index_cast %parallel_loop3A_513 : i32 to index
        %parallel_loop3A_551 = arith.constant 32 : index
        %parallel_loop3A_552 = tpu.vector_load %arg8[%parallel_loop3A_549, %parallel_loop3A_550, %parallel_loop3A_551] {strides = array<i32>} : memref<2x16x512xf32, #tpu.memory_space<vmem>>, vector<16xf32>,
        %parallel_loop3A_553 = arith.constant 1 : i32
        %parallel_loop3A_554 = arith.index_cast %parallel_loop3A_553 : i32 to index
        %parallel_loop3A_555 = arith.index_cast %parallel_loop3A_513 : i32 to index
        %parallel_loop3A_556 = arith.constant 32 : index
        %parallel_loop3A_557 = tpu.vector_load %arg9[%parallel_loop3A_554, %parallel_loop3A_555, %parallel_loop3A_556] {strides = array<i32>} : memref<2x16x512xf32, #tpu.memory_space<vmem>>, vector<16xf32>,
        %parallel_loop3A_558 = arith.subf %parallel_loop3A_552, %parallel_loop3A_557 : vector<16xf32>
        %parallel_loop3A_559 = arith.mulf %parallel_loop3A_558, %parallel_loop3A_558 : vector<16xf32>
        %parallel_loop3A_560 = arith.addf %parallel_loop3A_519, %parallel_loop3A_559 : vector<16xf32>
        %parallel_loop3A_561 = arith.constant 1 : i32
        %parallel_loop3A_562 = arith.index_cast %parallel_loop3A_561 : i32 to index
        %parallel_loop3A_563 = arith.index_cast %parallel_loop3A_513 : i32 to index
        %parallel_loop3A_564 = arith.constant 48 : index
        %parallel_loop3A_565 = tpu.vector_load %arg8[%parallel_loop3A_562, %parallel_loop3A_563, %parallel_loop3A_564] {strides = array<i32>} : memref<2x16x512xf32, #tpu.memory_space<vmem>>, vector<16xf32>,
        %parallel_loop3A_566 = arith.constant 1 : i32
        %parallel_loop3A_567 = arith.index_cast %parallel_loop3A_566 : i32 to index
        %parallel_loop3A_568 = arith.index_cast %parallel_loop3A_513 : i32 to index
        %parallel_loop3A_569 = arith.constant 48 : index
        %parallel_loop3A_570 = tpu.vector_load %arg9[%parallel_loop3A_567, %parallel_loop3A_568, %parallel_loop3A_569] {strides = array<i32>} : memref<2x16x512xf32, #tpu.memory_space<vmem>>, vector<16xf32>,
        %parallel_loop3A_571 = arith.subf %parallel_loop3A_565, %parallel_loop3A_570 : vector<16xf32>
        %parallel_loop3A_572 = arith.mulf %parallel_loop3A_571, %parallel_loop3A_571 : vector<16xf32>
        %parallel_loop3A_573 = arith.addf %parallel_loop3A_521, %parallel_loop3A_572 : vector<16xf32>
        %parallel_loop3A_574 = arith.constant 1 : i32
        %parallel_loop3A_575 = arith.index_cast %parallel_loop3A_574 : i32 to index
        %parallel_loop3A_576 = arith.index_cast %parallel_loop3A_513 : i32 to index
        %parallel_loop3A_577 = arith.constant 64 : index
        %parallel_loop3A_578 = tpu.vector_load %arg8[%parallel_loop3A_575, %parallel_loop3A_576, %parallel_loop3A_577] {strides = array<i32>} : memref<2x16x512xf32, #tpu.memory_space<vmem>>, vector<16xf32>,
        %parallel_loop3A_579 = arith.constant 1 : i32
        %parallel_loop3A_580 = arith.index_cast %parallel_loop3A_579 : i32 to index
        %parallel_loop3A_581 = arith.index_cast %parallel_loop3A_513 : i32 to index
        %parallel_loop3A_582 = arith.constant 64 : index
        %parallel_loop3A_583 = tpu.vector_load %arg9[%parallel_loop3A_580, %parallel_loop3A_581, %parallel_loop3A_582] {strides = array<i32>} : memref<2x16x512xf32, #tpu.memory_space<vmem>>, vector<16xf32>,
        %parallel_loop3A_584 = arith.subf %parallel_loop3A_578, %parallel_loop3A_583 : vector<16xf32>
        %parallel_loop3A_585 = arith.mulf %parallel_loop3A_584, %parallel_loop3A_584 : vector<16xf32>
        %parallel_loop3A_586 = arith.addf %parallel_loop3A_534, %parallel_loop3A_585 : vector<16xf32>
        %parallel_loop3A_587 = arith.constant 1 : i32
        %parallel_loop3A_588 = arith.index_cast %parallel_loop3A_587 : i32 to index
        %parallel_loop3A_589 = arith.index_cast %parallel_loop3A_513 : i32 to index
        %parallel_loop3A_590 = arith.constant 80 : index
        %parallel_loop3A_591 = tpu.vector_load %arg8[%parallel_loop3A_588, %parallel_loop3A_589, %parallel_loop3A_590] {strides = array<i32>} : memref<2x16x512xf32, #tpu.memory_space<vmem>>, vector<16xf32>,
        %parallel_loop3A_592 = arith.constant 1 : i32
        %parallel_loop3A_593 = arith.index_cast %parallel_loop3A_592 : i32 to index
        %parallel_loop3A_594 = arith.index_cast %parallel_loop3A_513 : i32 to index
        %parallel_loop3A_595 = arith.constant 80 : index
        %parallel_loop3A_596 = tpu.vector_load %arg9[%parallel_loop3A_593, %parallel_loop3A_594, %parallel_loop3A_595] {strides = array<i32>} : memref<2x16x512xf32, #tpu.memory_space<vmem>>, vector<16xf32>,
        %parallel_loop3A_597 = arith.subf %parallel_loop3A_591, %parallel_loop3A_596 : vector<16xf32>
        %parallel_loop3A_598 = arith.mulf %parallel_loop3A_597, %parallel_loop3A_597 : vector<16xf32>
        %parallel_loop3A_599 = arith.addf %parallel_loop3A_547, %parallel_loop3A_598 : vector<16xf32>
        %parallel_loop3A_600 = arith.constant 1 : i32
        %parallel_loop3A_601 = arith.index_cast %parallel_loop3A_600 : i32 to index
        %parallel_loop3A_602 = arith.index_cast %parallel_loop3A_513 : i32 to index
        %parallel_loop3A_603 = arith.constant 96 : index
        %parallel_loop3A_604 = tpu.vector_load %arg8[%parallel_loop3A_601, %parallel_loop3A_602, %parallel_loop3A_603] {strides = array<i32>} : memref<2x16x512xf32, #tpu.memory_space<vmem>>, vector<16xf32>,
        %parallel_loop3A_605 = arith.constant 1 : i32
        %parallel_loop3A_606 = arith.index_cast %parallel_loop3A_605 : i32 to index
        %parallel_loop3A_607 = arith.index_cast %parallel_loop3A_513 : i32 to index
        %parallel_loop3A_608 = arith.constant 96 : index
        %parallel_loop3A_609 = tpu.vector_load %arg9[%parallel_loop3A_606, %parallel_loop3A_607, %parallel_loop3A_608] {strides = array<i32>} : memref<2x16x512xf32, #tpu.memory_space<vmem>>, vector<16xf32>,
        %parallel_loop3A_610 = arith.subf %parallel_loop3A_604, %parallel_loop3A_609 : vector<16xf32>
        %parallel_loop3A_611 = arith.mulf %parallel_loop3A_610, %parallel_loop3A_610 : vector<16xf32>
        %parallel_loop3A_612 = arith.addf %parallel_loop3A_560, %parallel_loop3A_611 : vector<16xf32>
        %parallel_loop3A_613 = arith.constant 1 : i32
        %parallel_loop3A_614 = arith.index_cast %parallel_loop3A_613 : i32 to index
        %parallel_loop3A_615 = arith.index_cast %parallel_loop3A_513 : i32 to index
        %parallel_loop3A_616 = arith.constant 112 : index
        %parallel_loop3A_617 = tpu.vector_load %arg8[%parallel_loop3A_614, %parallel_loop3A_615, %parallel_loop3A_616] {strides = array<i32>} : memref<2x16x512xf32, #tpu.memory_space<vmem>>, vector<16xf32>,
        %parallel_loop3A_618 = arith.constant 1 : i32
        %parallel_loop3A_619 = arith.index_cast %parallel_loop3A_618 : i32 to index
        %parallel_loop3A_620 = arith.index_cast %parallel_loop3A_513 : i32 to index
        %parallel_loop3A_621 = arith.constant 112 : index
        %parallel_loop3A_622 = tpu.vector_load %arg9[%parallel_loop3A_619, %parallel_loop3A_620, %parallel_loop3A_621] {strides = array<i32>} : memref<2x16x512xf32, #tpu.memory_space<vmem>>, vector<16xf32>,
        %parallel_loop3A_623 = arith.subf %parallel_loop3A_617, %parallel_loop3A_622 : vector<16xf32>
        %parallel_loop3A_624 = arith.mulf %parallel_loop3A_623, %parallel_loop3A_623 : vector<16xf32>
        %parallel_loop3A_625 = arith.addf %parallel_loop3A_573, %parallel_loop3A_624 : vector<16xf32>
        %parallel_loop3A_626 = arith.constant 1 : i32
        %parallel_loop3A_627 = arith.index_cast %parallel_loop3A_626 : i32 to index
        %parallel_loop3A_628 = arith.index_cast %parallel_loop3A_513 : i32 to index
        %parallel_loop3A_629 = arith.constant 128 : index
        %parallel_loop3A_630 = tpu.vector_load %arg8[%parallel_loop3A_627, %parallel_loop3A_628, %parallel_loop3A_629] {strides = array<i32>} : memref<2x16x512xf32, #tpu.memory_space<vmem>>, vector<16xf32>,
        %parallel_loop3A_631 = arith.constant 1 : i32
        %parallel_loop3A_632 = arith.index_cast %parallel_loop3A_631 : i32 to index
        %parallel_loop3A_633 = arith.index_cast %parallel_loop3A_513 : i32 to index
        %parallel_loop3A_634 = arith.constant 128 : index
        %parallel_loop3A_635 = tpu.vector_load %arg9[%parallel_loop3A_632, %parallel_loop3A_633, %parallel_loop3A_634] {strides = array<i32>} : memref<2x16x512xf32, #tpu.memory_space<vmem>>, vector<16xf32>,
        %parallel_loop3A_636 = arith.subf %parallel_loop3A_630, %parallel_loop3A_635 : vector<16xf32>
        %parallel_loop3A_637 = arith.mulf %parallel_loop3A_636, %parallel_loop3A_636 : vector<16xf32>
        %parallel_loop3A_638 = arith.addf %parallel_loop3A_586, %parallel_loop3A_637 : vector<16xf32>
        %parallel_loop3A_639 = arith.constant 1 : i32
        %parallel_loop3A_640 = arith.index_cast %parallel_loop3A_639 : i32 to index
        %parallel_loop3A_641 = arith.index_cast %parallel_loop3A_513 : i32 to index
        %parallel_loop3A_642 = arith.constant 144 : index
        %parallel_loop3A_643 = tpu.vector_load %arg8[%parallel_loop3A_640, %parallel_loop3A_641, %parallel_loop3A_642] {strides = array<i32>} : memref<2x16x512xf32, #tpu.memory_space<vmem>>, vector<16xf32>,
        %parallel_loop3A_644 = arith.constant 1 : i32
        %parallel_loop3A_645 = arith.index_cast %parallel_loop3A_644 : i32 to index
        %parallel_loop3A_646 = arith.index_cast %parallel_loop3A_513 : i32 to index
        %parallel_loop3A_647 = arith.constant 144 : index
        %parallel_loop3A_648 = tpu.vector_load %arg9[%parallel_loop3A_645, %parallel_loop3A_646, %parallel_loop3A_647] {strides = array<i32>} : memref<2x16x512xf32, #tpu.memory_space<vmem>>, vector<16xf32>,
        %parallel_loop3A_649 = arith.subf %parallel_loop3A_643, %parallel_loop3A_648 : vector<16xf32>
        %parallel_loop3A_650 = arith.mulf %parallel_loop3A_649, %parallel_loop3A_649 : vector<16xf32>
        %parallel_loop3A_651 = arith.addf %parallel_loop3A_599, %parallel_loop3A_650 : vector<16xf32>
        %parallel_loop3A_652 = arith.constant 1 : i32
        %parallel_loop3A_653 = arith.index_cast %parallel_loop3A_652 : i32 to index
        %parallel_loop3A_654 = arith.index_cast %parallel_loop3A_513 : i32 to index
        %parallel_loop3A_655 = arith.constant 160 : index
        %parallel_loop3A_656 = tpu.vector_load %arg8[%parallel_loop3A_653, %parallel_loop3A_654, %parallel_loop3A_655] {strides = array<i32>} : memref<2x16x512xf32, #tpu.memory_space<vmem>>, vector<16xf32>,
        %parallel_loop3A_657 = arith.constant 1 : i32
        %parallel_loop3A_658 = arith.index_cast %parallel_loop3A_657 : i32 to index
        %parallel_loop3A_659 = arith.index_cast %parallel_loop3A_513 : i32 to index
        %parallel_loop3A_660 = arith.constant 160 : index
        %parallel_loop3A_661 = tpu.vector_load %arg9[%parallel_loop3A_658, %parallel_loop3A_659, %parallel_loop3A_660] {strides = array<i32>} : memref<2x16x512xf32, #tpu.memory_space<vmem>>, vector<16xf32>,
        %parallel_loop3A_662 = arith.subf %parallel_loop3A_656, %parallel_loop3A_661 : vector<16xf32>
        %parallel_loop3A_663 = arith.mulf %parallel_loop3A_662, %parallel_loop3A_662 : vector<16xf32>
        %parallel_loop3A_664 = arith.addf %parallel_loop3A_612, %parallel_loop3A_663 : vector<16xf32>
        %parallel_loop3A_665 = arith.constant 1 : i32
        %parallel_loop3A_666 = arith.index_cast %parallel_loop3A_665 : i32 to index
        %parallel_loop3A_667 = arith.index_cast %parallel_loop3A_513 : i32 to index
        %parallel_loop3A_668 = arith.constant 176 : index
        %parallel_loop3A_669 = tpu.vector_load %arg8[%parallel_loop3A_666, %parallel_loop3A_667, %parallel_loop3A_668] {strides = array<i32>} : memref<2x16x512xf32, #tpu.memory_space<vmem>>, vector<16xf32>,
        %parallel_loop3A_670 = arith.constant 1 : i32
        %parallel_loop3A_671 = arith.index_cast %parallel_loop3A_670 : i32 to index
        %parallel_loop3A_672 = arith.index_cast %parallel_loop3A_513 : i32 to index
        %parallel_loop3A_673 = arith.constant 176 : index
        %parallel_loop3A_674 = tpu.vector_load %arg9[%parallel_loop3A_671, %parallel_loop3A_672, %parallel_loop3A_673] {strides = array<i32>} : memref<2x16x512xf32, #tpu.memory_space<vmem>>, vector<16xf32>,
        %parallel_loop3A_675 = arith.subf %parallel_loop3A_669, %parallel_loop3A_674 : vector<16xf32>
        %parallel_loop3A_676 = arith.mulf %parallel_loop3A_675, %parallel_loop3A_675 : vector<16xf32>
        %parallel_loop3A_677 = arith.addf %parallel_loop3A_625, %parallel_loop3A_676 : vector<16xf32>
        %parallel_loop3A_678 = arith.constant 1 : i32
        %parallel_loop3A_679 = arith.index_cast %parallel_loop3A_678 : i32 to index
        %parallel_loop3A_680 = arith.index_cast %parallel_loop3A_513 : i32 to index
        %parallel_loop3A_681 = arith.constant 192 : index
        %parallel_loop3A_682 = tpu.vector_load %arg8[%parallel_loop3A_679, %parallel_loop3A_680, %parallel_loop3A_681] {strides = array<i32>} : memref<2x16x512xf32, #tpu.memory_space<vmem>>, vector<16xf32>,
        %parallel_loop3A_683 = arith.constant 1 : i32
        %parallel_loop3A_684 = arith.index_cast %parallel_loop3A_683 : i32 to index
        %parallel_loop3A_685 = arith.index_cast %parallel_loop3A_513 : i32 to index
        %parallel_loop3A_686 = arith.constant 192 : index
        %parallel_loop3A_687 = tpu.vector_load %arg9[%parallel_loop3A_684, %parallel_loop3A_685, %parallel_loop3A_686] {strides = array<i32>} : memref<2x16x512xf32, #tpu.memory_space<vmem>>, vector<16xf32>,
        %parallel_loop3A_688 = arith.subf %parallel_loop3A_682, %parallel_loop3A_687 : vector<16xf32>
        %parallel_loop3A_689 = arith.mulf %parallel_loop3A_688, %parallel_loop3A_688 : vector<16xf32>
        %parallel_loop3A_690 = arith.addf %parallel_loop3A_638, %parallel_loop3A_689 : vector<16xf32>
        %parallel_loop3A_691 = arith.constant 1 : i32
        %parallel_loop3A_692 = arith.index_cast %parallel_loop3A_691 : i32 to index
        %parallel_loop3A_693 = arith.index_cast %parallel_loop3A_513 : i32 to index
        %parallel_loop3A_694 = arith.constant 208 : index
        %parallel_loop3A_695 = tpu.vector_load %arg8[%parallel_loop3A_692, %parallel_loop3A_693, %parallel_loop3A_694] {strides = array<i32>} : memref<2x16x512xf32, #tpu.memory_space<vmem>>, vector<16xf32>,
        %parallel_loop3A_696 = arith.constant 1 : i32
        %parallel_loop3A_697 = arith.index_cast %parallel_loop3A_696 : i32 to index
        %parallel_loop3A_698 = arith.index_cast %parallel_loop3A_513 : i32 to index
        %parallel_loop3A_699 = arith.constant 208 : index
        %parallel_loop3A_700 = tpu.vector_load %arg9[%parallel_loop3A_697, %parallel_loop3A_698, %parallel_loop3A_699] {strides = array<i32>} : memref<2x16x512xf32, #tpu.memory_space<vmem>>, vector<16xf32>,
        %parallel_loop3A_701 = arith.subf %parallel_loop3A_695, %parallel_loop3A_700 : vector<16xf32>
        %parallel_loop3A_702 = arith.mulf %parallel_loop3A_701, %parallel_loop3A_701 : vector<16xf32>
        %parallel_loop3A_703 = arith.addf %parallel_loop3A_651, %parallel_loop3A_702 : vector<16xf32>
        %parallel_loop3A_704 = arith.constant 1 : i32
        %parallel_loop3A_705 = arith.index_cast %parallel_loop3A_704 : i32 to index
        %parallel_loop3A_706 = arith.index_cast %parallel_loop3A_513 : i32 to index
        %parallel_loop3A_707 = arith.constant 224 : index
        %parallel_loop3A_708 = tpu.vector_load %arg8[%parallel_loop3A_705, %parallel_loop3A_706, %parallel_loop3A_707] {strides = array<i32>} : memref<2x16x512xf32, #tpu.memory_space<vmem>>, vector<16xf32>,
        %parallel_loop3A_709 = arith.constant 1 : i32
        %parallel_loop3A_710 = arith.index_cast %parallel_loop3A_709 : i32 to index
        %parallel_loop3A_711 = arith.index_cast %parallel_loop3A_513 : i32 to index
        %parallel_loop3A_712 = arith.constant 224 : index
        %parallel_loop3A_713 = tpu.vector_load %arg9[%parallel_loop3A_710, %parallel_loop3A_711, %parallel_loop3A_712] {strides = array<i32>} : memref<2x16x512xf32, #tpu.memory_space<vmem>>, vector<16xf32>,
        %parallel_loop3A_714 = arith.subf %parallel_loop3A_708, %parallel_loop3A_713 : vector<16xf32>
        %parallel_loop3A_715 = arith.mulf %parallel_loop3A_714, %parallel_loop3A_714 : vector<16xf32>
        %parallel_loop3A_716 = arith.addf %parallel_loop3A_664, %parallel_loop3A_715 : vector<16xf32>
        %parallel_loop3A_717 = arith.constant 1 : i32
        %parallel_loop3A_718 = arith.index_cast %parallel_loop3A_717 : i32 to index
        %parallel_loop3A_719 = arith.index_cast %parallel_loop3A_513 : i32 to index
        %parallel_loop3A_720 = arith.constant 240 : index
        %parallel_loop3A_721 = tpu.vector_load %arg8[%parallel_loop3A_718, %parallel_loop3A_719, %parallel_loop3A_720] {strides = array<i32>} : memref<2x16x512xf32, #tpu.memory_space<vmem>>, vector<16xf32>,
        %parallel_loop3A_722 = arith.constant 1 : i32
        %parallel_loop3A_723 = arith.index_cast %parallel_loop3A_722 : i32 to index
        %parallel_loop3A_724 = arith.index_cast %parallel_loop3A_513 : i32 to index
        %parallel_loop3A_725 = arith.constant 240 : index
        %parallel_loop3A_726 = tpu.vector_load %arg9[%parallel_loop3A_723, %parallel_loop3A_724, %parallel_loop3A_725] {strides = array<i32>} : memref<2x16x512xf32, #tpu.memory_space<vmem>>, vector<16xf32>,
        %parallel_loop3A_727 = arith.subf %parallel_loop3A_721, %parallel_loop3A_726 : vector<16xf32>
        %parallel_loop3A_728 = arith.mulf %parallel_loop3A_727, %parallel_loop3A_727 : vector<16xf32>
        %parallel_loop3A_729 = arith.addf %parallel_loop3A_677, %parallel_loop3A_728 : vector<16xf32>
        %parallel_loop3A_730 = arith.constant 1 : i32
        %parallel_loop3A_731 = arith.index_cast %parallel_loop3A_730 : i32 to index
        %parallel_loop3A_732 = arith.index_cast %parallel_loop3A_513 : i32 to index
        %parallel_loop3A_733 = arith.constant 256 : index
        %parallel_loop3A_734 = tpu.vector_load %arg8[%parallel_loop3A_731, %parallel_loop3A_732, %parallel_loop3A_733] {strides = array<i32>} : memref<2x16x512xf32, #tpu.memory_space<vmem>>, vector<16xf32>,
        %parallel_loop3A_735 = arith.constant 1 : i32
        %parallel_loop3A_736 = arith.index_cast %parallel_loop3A_735 : i32 to index
        %parallel_loop3A_737 = arith.index_cast %parallel_loop3A_513 : i32 to index
        %parallel_loop3A_738 = arith.constant 256 : index
        %parallel_loop3A_739 = tpu.vector_load %arg9[%parallel_loop3A_736, %parallel_loop3A_737, %parallel_loop3A_738] {strides = array<i32>} : memref<2x16x512xf32, #tpu.memory_space<vmem>>, vector<16xf32>,
        %parallel_loop3A_740 = arith.subf %parallel_loop3A_734, %parallel_loop3A_739 : vector<16xf32>
        %parallel_loop3A_741 = arith.mulf %parallel_loop3A_740, %parallel_loop3A_740 : vector<16xf32>
        %parallel_loop3A_742 = arith.addf %parallel_loop3A_690, %parallel_loop3A_741 : vector<16xf32>
        %parallel_loop3A_743 = arith.constant 1 : i32
        %parallel_loop3A_744 = arith.index_cast %parallel_loop3A_743 : i32 to index
        %parallel_loop3A_745 = arith.index_cast %parallel_loop3A_513 : i32 to index
        %parallel_loop3A_746 = arith.constant 272 : index
        %parallel_loop3A_747 = tpu.vector_load %arg8[%parallel_loop3A_744, %parallel_loop3A_745, %parallel_loop3A_746] {strides = array<i32>} : memref<2x16x512xf32, #tpu.memory_space<vmem>>, vector<16xf32>,
        %parallel_loop3A_748 = arith.constant 1 : i32
        %parallel_loop3A_749 = arith.index_cast %parallel_loop3A_748 : i32 to index
        %parallel_loop3A_750 = arith.index_cast %parallel_loop3A_513 : i32 to index
        %parallel_loop3A_751 = arith.constant 272 : index
        %parallel_loop3A_752 = tpu.vector_load %arg9[%parallel_loop3A_749, %parallel_loop3A_750, %parallel_loop3A_751] {strides = array<i32>} : memref<2x16x512xf32, #tpu.memory_space<vmem>>, vector<16xf32>,
        %parallel_loop3A_753 = arith.subf %parallel_loop3A_747, %parallel_loop3A_752 : vector<16xf32>
        %parallel_loop3A_754 = arith.mulf %parallel_loop3A_753, %parallel_loop3A_753 : vector<16xf32>
        %parallel_loop3A_755 = arith.addf %parallel_loop3A_703, %parallel_loop3A_754 : vector<16xf32>
        %parallel_loop3A_756 = arith.constant 1 : i32
        %parallel_loop3A_757 = arith.index_cast %parallel_loop3A_756 : i32 to index
        %parallel_loop3A_758 = arith.index_cast %parallel_loop3A_513 : i32 to index
        %parallel_loop3A_759 = arith.constant 288 : index
        %parallel_loop3A_760 = tpu.vector_load %arg8[%parallel_loop3A_757, %parallel_loop3A_758, %parallel_loop3A_759] {strides = array<i32>} : memref<2x16x512xf32, #tpu.memory_space<vmem>>, vector<16xf32>,
        %parallel_loop3A_761 = arith.constant 1 : i32
        %parallel_loop3A_762 = arith.index_cast %parallel_loop3A_761 : i32 to index
        %parallel_loop3A_763 = arith.index_cast %parallel_loop3A_513 : i32 to index
        %parallel_loop3A_764 = arith.constant 288 : index
        %parallel_loop3A_765 = tpu.vector_load %arg9[%parallel_loop3A_762, %parallel_loop3A_763, %parallel_loop3A_764] {strides = array<i32>} : memref<2x16x512xf32, #tpu.memory_space<vmem>>, vector<16xf32>,
        %parallel_loop3A_766 = arith.subf %parallel_loop3A_760, %parallel_loop3A_765 : vector<16xf32>
        %parallel_loop3A_767 = arith.mulf %parallel_loop3A_766, %parallel_loop3A_766 : vector<16xf32>
        %parallel_loop3A_768 = arith.addf %parallel_loop3A_716, %parallel_loop3A_767 : vector<16xf32>
        %parallel_loop3A_769 = arith.constant 1 : i32
        %parallel_loop3A_770 = arith.index_cast %parallel_loop3A_769 : i32 to index
        %parallel_loop3A_771 = arith.index_cast %parallel_loop3A_513 : i32 to index
        %parallel_loop3A_772 = arith.constant 304 : index
        %parallel_loop3A_773 = tpu.vector_load %arg8[%parallel_loop3A_770, %parallel_loop3A_771, %parallel_loop3A_772] {strides = array<i32>} : memref<2x16x512xf32, #tpu.memory_space<vmem>>, vector<16xf32>,
        %parallel_loop3A_774 = arith.constant 1 : i32
        %parallel_loop3A_775 = arith.index_cast %parallel_loop3A_774 : i32 to index
        %parallel_loop3A_776 = arith.index_cast %parallel_loop3A_513 : i32 to index
        %parallel_loop3A_777 = arith.constant 304 : index
        %parallel_loop3A_778 = tpu.vector_load %arg9[%parallel_loop3A_775, %parallel_loop3A_776, %parallel_loop3A_777] {strides = array<i32>} : memref<2x16x512xf32, #tpu.memory_space<vmem>>, vector<16xf32>,
        %parallel_loop3A_779 = arith.subf %parallel_loop3A_773, %parallel_loop3A_778 : vector<16xf32>
        %parallel_loop3A_780 = arith.mulf %parallel_loop3A_779, %parallel_loop3A_779 : vector<16xf32>
        %parallel_loop3A_781 = arith.addf %parallel_loop3A_729, %parallel_loop3A_780 : vector<16xf32>
        %parallel_loop3A_782 = arith.constant 1 : i32
        %parallel_loop3A_783 = arith.index_cast %parallel_loop3A_782 : i32 to index
        %parallel_loop3A_784 = arith.index_cast %parallel_loop3A_513 : i32 to index
        %parallel_loop3A_785 = arith.constant 320 : index
        %parallel_loop3A_786 = tpu.vector_load %arg8[%parallel_loop3A_783, %parallel_loop3A_784, %parallel_loop3A_785] {strides = array<i32>} : memref<2x16x512xf32, #tpu.memory_space<vmem>>, vector<16xf32>,
        %parallel_loop3A_787 = arith.constant 1 : i32
        %parallel_loop3A_788 = arith.index_cast %parallel_loop3A_787 : i32 to index
        %parallel_loop3A_789 = arith.index_cast %parallel_loop3A_513 : i32 to index
        %parallel_loop3A_790 = arith.constant 320 : index
        %parallel_loop3A_791 = tpu.vector_load %arg9[%parallel_loop3A_788, %parallel_loop3A_789, %parallel_loop3A_790] {strides = array<i32>} : memref<2x16x512xf32, #tpu.memory_space<vmem>>, vector<16xf32>,
        %parallel_loop3A_792 = arith.subf %parallel_loop3A_786, %parallel_loop3A_791 : vector<16xf32>
        %parallel_loop3A_793 = arith.mulf %parallel_loop3A_792, %parallel_loop3A_792 : vector<16xf32>
        %parallel_loop3A_794 = arith.addf %parallel_loop3A_742, %parallel_loop3A_793 : vector<16xf32>
        %parallel_loop3A_795 = arith.constant 1 : i32
        %parallel_loop3A_796 = arith.index_cast %parallel_loop3A_795 : i32 to index
        %parallel_loop3A_797 = arith.index_cast %parallel_loop3A_513 : i32 to index
        %parallel_loop3A_798 = arith.constant 336 : index
        %parallel_loop3A_799 = tpu.vector_load %arg8[%parallel_loop3A_796, %parallel_loop3A_797, %parallel_loop3A_798] {strides = array<i32>} : memref<2x16x512xf32, #tpu.memory_space<vmem>>, vector<16xf32>,
        %parallel_loop3A_800 = arith.constant 1 : i32
        %parallel_loop3A_801 = arith.index_cast %parallel_loop3A_800 : i32 to index
        %parallel_loop3A_802 = arith.index_cast %parallel_loop3A_513 : i32 to index
        %parallel_loop3A_803 = arith.constant 336 : index
        %parallel_loop3A_804 = tpu.vector_load %arg9[%parallel_loop3A_801, %parallel_loop3A_802, %parallel_loop3A_803] {strides = array<i32>} : memref<2x16x512xf32, #tpu.memory_space<vmem>>, vector<16xf32>,
        %parallel_loop3A_805 = arith.subf %parallel_loop3A_799, %parallel_loop3A_804 : vector<16xf32>
        %parallel_loop3A_806 = arith.mulf %parallel_loop3A_805, %parallel_loop3A_805 : vector<16xf32>
        %parallel_loop3A_807 = arith.addf %parallel_loop3A_755, %parallel_loop3A_806 : vector<16xf32>
        %parallel_loop3A_808 = arith.constant 1 : i32
        %parallel_loop3A_809 = arith.index_cast %parallel_loop3A_808 : i32 to index
        %parallel_loop3A_810 = arith.index_cast %parallel_loop3A_513 : i32 to index
        %parallel_loop3A_811 = arith.constant 352 : index
        %parallel_loop3A_812 = tpu.vector_load %arg8[%parallel_loop3A_809, %parallel_loop3A_810, %parallel_loop3A_811] {strides = array<i32>} : memref<2x16x512xf32, #tpu.memory_space<vmem>>, vector<16xf32>,
        %parallel_loop3A_813 = arith.constant 1 : i32
        %parallel_loop3A_814 = arith.index_cast %parallel_loop3A_813 : i32 to index
        %parallel_loop3A_815 = arith.index_cast %parallel_loop3A_513 : i32 to index
        %parallel_loop3A_816 = arith.constant 352 : index
        %parallel_loop3A_817 = tpu.vector_load %arg9[%parallel_loop3A_814, %parallel_loop3A_815, %parallel_loop3A_816] {strides = array<i32>} : memref<2x16x512xf32, #tpu.memory_space<vmem>>, vector<16xf32>,
        %parallel_loop3A_818 = arith.subf %parallel_loop3A_812, %parallel_loop3A_817 : vector<16xf32>
        %parallel_loop3A_819 = arith.mulf %parallel_loop3A_818, %parallel_loop3A_818 : vector<16xf32>
        %parallel_loop3A_820 = arith.addf %parallel_loop3A_768, %parallel_loop3A_819 : vector<16xf32>
        %parallel_loop3A_821 = arith.constant 1 : i32
        %parallel_loop3A_822 = arith.index_cast %parallel_loop3A_821 : i32 to index
        %parallel_loop3A_823 = arith.index_cast %parallel_loop3A_513 : i32 to index
        %parallel_loop3A_824 = arith.constant 368 : index
        %parallel_loop3A_825 = tpu.vector_load %arg8[%parallel_loop3A_822, %parallel_loop3A_823, %parallel_loop3A_824] {strides = array<i32>} : memref<2x16x512xf32, #tpu.memory_space<vmem>>, vector<16xf32>,
        %parallel_loop3A_826 = arith.constant 1 : i32
        %parallel_loop3A_827 = arith.index_cast %parallel_loop3A_826 : i32 to index
        %parallel_loop3A_828 = arith.index_cast %parallel_loop3A_513 : i32 to index
        %parallel_loop3A_829 = arith.constant 368 : index
        %parallel_loop3A_830 = tpu.vector_load %arg9[%parallel_loop3A_827, %parallel_loop3A_828, %parallel_loop3A_829] {strides = array<i32>} : memref<2x16x512xf32, #tpu.memory_space<vmem>>, vector<16xf32>,
        %parallel_loop3A_831 = arith.subf %parallel_loop3A_825, %parallel_loop3A_830 : vector<16xf32>
        %parallel_loop3A_832 = arith.mulf %parallel_loop3A_831, %parallel_loop3A_831 : vector<16xf32>
        %parallel_loop3A_833 = arith.addf %parallel_loop3A_781, %parallel_loop3A_832 : vector<16xf32>
        %parallel_loop3A_834 = arith.constant 1 : i32
        %parallel_loop3A_835 = arith.index_cast %parallel_loop3A_834 : i32 to index
        %parallel_loop3A_836 = arith.index_cast %parallel_loop3A_513 : i32 to index
        %parallel_loop3A_837 = arith.constant 384 : index
        %parallel_loop3A_838 = tpu.vector_load %arg8[%parallel_loop3A_835, %parallel_loop3A_836, %parallel_loop3A_837] {strides = array<i32>} : memref<2x16x512xf32, #tpu.memory_space<vmem>>, vector<16xf32>,
        %parallel_loop3A_839 = arith.constant 1 : i32
        %parallel_loop3A_840 = arith.index_cast %parallel_loop3A_839 : i32 to index
        %parallel_loop3A_841 = arith.index_cast %parallel_loop3A_513 : i32 to index
        %parallel_loop3A_842 = arith.constant 384 : index
        %parallel_loop3A_843 = tpu.vector_load %arg9[%parallel_loop3A_840, %parallel_loop3A_841, %parallel_loop3A_842] {strides = array<i32>} : memref<2x16x512xf32, #tpu.memory_space<vmem>>, vector<16xf32>,
        %parallel_loop3A_844 = arith.subf %parallel_loop3A_838, %parallel_loop3A_843 : vector<16xf32>
        %parallel_loop3A_845 = arith.mulf %parallel_loop3A_844, %parallel_loop3A_844 : vector<16xf32>
        %parallel_loop3A_846 = arith.addf %parallel_loop3A_794, %parallel_loop3A_845 : vector<16xf32>
        %parallel_loop3A_847 = arith.constant 1 : i32
        %parallel_loop3A_848 = arith.index_cast %parallel_loop3A_847 : i32 to index
        %parallel_loop3A_849 = arith.index_cast %parallel_loop3A_513 : i32 to index
        %parallel_loop3A_850 = arith.constant 400 : index
        %parallel_loop3A_851 = tpu.vector_load %arg8[%parallel_loop3A_848, %parallel_loop3A_849, %parallel_loop3A_850] {strides = array<i32>} : memref<2x16x512xf32, #tpu.memory_space<vmem>>, vector<16xf32>,
        %parallel_loop3A_852 = arith.constant 1 : i32
        %parallel_loop3A_853 = arith.index_cast %parallel_loop3A_852 : i32 to index
        %parallel_loop3A_854 = arith.index_cast %parallel_loop3A_513 : i32 to index
        %parallel_loop3A_855 = arith.constant 400 : index
        %parallel_loop3A_856 = tpu.vector_load %arg9[%parallel_loop3A_853, %parallel_loop3A_854, %parallel_loop3A_855] {strides = array<i32>} : memref<2x16x512xf32, #tpu.memory_space<vmem>>, vector<16xf32>,
        %parallel_loop3A_857 = arith.subf %parallel_loop3A_851, %parallel_loop3A_856 : vector<16xf32>
        %parallel_loop3A_858 = arith.mulf %parallel_loop3A_857, %parallel_loop3A_857 : vector<16xf32>
        %parallel_loop3A_859 = arith.addf %parallel_loop3A_807, %parallel_loop3A_858 : vector<16xf32>
        %parallel_loop3A_860 = arith.constant 1 : i32
        %parallel_loop3A_861 = arith.index_cast %parallel_loop3A_860 : i32 to index
        %parallel_loop3A_862 = arith.index_cast %parallel_loop3A_513 : i32 to index
        %parallel_loop3A_863 = arith.constant 416 : index
        %parallel_loop3A_864 = tpu.vector_load %arg8[%parallel_loop3A_861, %parallel_loop3A_862, %parallel_loop3A_863] {strides = array<i32>} : memref<2x16x512xf32, #tpu.memory_space<vmem>>, vector<16xf32>,
        %parallel_loop3A_865 = arith.constant 1 : i32
        %parallel_loop3A_866 = arith.index_cast %parallel_loop3A_865 : i32 to index
        %parallel_loop3A_867 = arith.index_cast %parallel_loop3A_513 : i32 to index
        %parallel_loop3A_868 = arith.constant 416 : index
        %parallel_loop3A_869 = tpu.vector_load %arg9[%parallel_loop3A_866, %parallel_loop3A_867, %parallel_loop3A_868] {strides = array<i32>} : memref<2x16x512xf32, #tpu.memory_space<vmem>>, vector<16xf32>,
        %parallel_loop3A_870 = arith.subf %parallel_loop3A_864, %parallel_loop3A_869 : vector<16xf32>
        %parallel_loop3A_871 = arith.mulf %parallel_loop3A_870, %parallel_loop3A_870 : vector<16xf32>
        %parallel_loop3A_872 = arith.addf %parallel_loop3A_820, %parallel_loop3A_871 : vector<16xf32>
        %parallel_loop3A_873 = arith.constant 1 : i32
        %parallel_loop3A_874 = arith.index_cast %parallel_loop3A_873 : i32 to index
        %parallel_loop3A_875 = arith.index_cast %parallel_loop3A_513 : i32 to index
        %parallel_loop3A_876 = arith.constant 432 : index
        %parallel_loop3A_877 = tpu.vector_load %arg8[%parallel_loop3A_874, %parallel_loop3A_875, %parallel_loop3A_876] {strides = array<i32>} : memref<2x16x512xf32, #tpu.memory_space<vmem>>, vector<16xf32>,
        %parallel_loop3A_878 = arith.constant 1 : i32
        %parallel_loop3A_879 = arith.index_cast %parallel_loop3A_878 : i32 to index
        %parallel_loop3A_880 = arith.index_cast %parallel_loop3A_513 : i32 to index
        %parallel_loop3A_881 = arith.constant 432 : index
        %parallel_loop3A_882 = tpu.vector_load %arg9[%parallel_loop3A_879, %parallel_loop3A_880, %parallel_loop3A_881] {strides = array<i32>} : memref<2x16x512xf32, #tpu.memory_space<vmem>>, vector<16xf32>,
        %parallel_loop3A_883 = arith.subf %parallel_loop3A_877, %parallel_loop3A_882 : vector<16xf32>
        %parallel_loop3A_884 = arith.mulf %parallel_loop3A_883, %parallel_loop3A_883 : vector<16xf32>
        %parallel_loop3A_885 = arith.addf %parallel_loop3A_833, %parallel_loop3A_884 : vector<16xf32>
        %parallel_loop3A_886 = arith.constant 1 : i32
        %parallel_loop3A_887 = arith.index_cast %parallel_loop3A_886 : i32 to index
        %parallel_loop3A_888 = arith.index_cast %parallel_loop3A_513 : i32 to index
        %parallel_loop3A_889 = arith.constant 448 : index
        %parallel_loop3A_890 = tpu.vector_load %arg8[%parallel_loop3A_887, %parallel_loop3A_888, %parallel_loop3A_889] {strides = array<i32>} : memref<2x16x512xf32, #tpu.memory_space<vmem>>, vector<16xf32>,
        %parallel_loop3A_891 = arith.constant 1 : i32
        %parallel_loop3A_892 = arith.index_cast %parallel_loop3A_891 : i32 to index
        %parallel_loop3A_893 = arith.index_cast %parallel_loop3A_513 : i32 to index
        %parallel_loop3A_894 = arith.constant 448 : index
        %parallel_loop3A_895 = tpu.vector_load %arg9[%parallel_loop3A_892, %parallel_loop3A_893, %parallel_loop3A_894] {strides = array<i32>} : memref<2x16x512xf32, #tpu.memory_space<vmem>>, vector<16xf32>,
        %parallel_loop3A_896 = arith.subf %parallel_loop3A_890, %parallel_loop3A_895 : vector<16xf32>
        %parallel_loop3A_897 = arith.mulf %parallel_loop3A_896, %parallel_loop3A_896 : vector<16xf32>
        %parallel_loop3A_898 = arith.addf %parallel_loop3A_846, %parallel_loop3A_897 : vector<16xf32>
        %parallel_loop3A_899 = arith.constant 1 : i32
        %parallel_loop3A_900 = arith.index_cast %parallel_loop3A_899 : i32 to index
        %parallel_loop3A_901 = arith.index_cast %parallel_loop3A_513 : i32 to index
        %parallel_loop3A_902 = arith.constant 464 : index
        %parallel_loop3A_903 = tpu.vector_load %arg8[%parallel_loop3A_900, %parallel_loop3A_901, %parallel_loop3A_902] {strides = array<i32>} : memref<2x16x512xf32, #tpu.memory_space<vmem>>, vector<16xf32>,
        %parallel_loop3A_904 = arith.constant 1 : i32
        %parallel_loop3A_905 = arith.index_cast %parallel_loop3A_904 : i32 to index
        %parallel_loop3A_906 = arith.index_cast %parallel_loop3A_513 : i32 to index
        %parallel_loop3A_907 = arith.constant 464 : index
        %parallel_loop3A_908 = tpu.vector_load %arg9[%parallel_loop3A_905, %parallel_loop3A_906, %parallel_loop3A_907] {strides = array<i32>} : memref<2x16x512xf32, #tpu.memory_space<vmem>>, vector<16xf32>,
        %parallel_loop3A_909 = arith.subf %parallel_loop3A_903, %parallel_loop3A_908 : vector<16xf32>
        %parallel_loop3A_910 = arith.mulf %parallel_loop3A_909, %parallel_loop3A_909 : vector<16xf32>
        %parallel_loop3A_911 = arith.addf %parallel_loop3A_859, %parallel_loop3A_910 : vector<16xf32>
        %parallel_loop3A_912 = arith.constant 1 : i32
        %parallel_loop3A_913 = arith.index_cast %parallel_loop3A_912 : i32 to index
        %parallel_loop3A_914 = arith.index_cast %parallel_loop3A_513 : i32 to index
        %parallel_loop3A_915 = arith.constant 480 : index
        %parallel_loop3A_916 = tpu.vector_load %arg8[%parallel_loop3A_913, %parallel_loop3A_914, %parallel_loop3A_915] {strides = array<i32>} : memref<2x16x512xf32, #tpu.memory_space<vmem>>, vector<16xf32>,
        %parallel_loop3A_917 = arith.constant 1 : i32
        %parallel_loop3A_918 = arith.index_cast %parallel_loop3A_917 : i32 to index
        %parallel_loop3A_919 = arith.index_cast %parallel_loop3A_513 : i32 to index
        %parallel_loop3A_920 = arith.constant 480 : index
        %parallel_loop3A_921 = tpu.vector_load %arg9[%parallel_loop3A_918, %parallel_loop3A_919, %parallel_loop3A_920] {strides = array<i32>} : memref<2x16x512xf32, #tpu.memory_space<vmem>>, vector<16xf32>,
        %parallel_loop3A_922 = arith.subf %parallel_loop3A_916, %parallel_loop3A_921 : vector<16xf32>
        %parallel_loop3A_923 = arith.mulf %parallel_loop3A_922, %parallel_loop3A_922 : vector<16xf32>
        %parallel_loop3A_924 = arith.addf %parallel_loop3A_872, %parallel_loop3A_923 : vector<16xf32>
        %parallel_loop3A_925 = arith.constant 1 : i32
        %parallel_loop3A_926 = arith.index_cast %parallel_loop3A_925 : i32 to index
        %parallel_loop3A_927 = arith.index_cast %parallel_loop3A_513 : i32 to index
        %parallel_loop3A_928 = arith.constant 496 : index
        %parallel_loop3A_929 = tpu.vector_load %arg8[%parallel_loop3A_926, %parallel_loop3A_927, %parallel_loop3A_928] {strides = array<i32>} : memref<2x16x512xf32, #tpu.memory_space<vmem>>, vector<16xf32>,
        %parallel_loop3A_930 = arith.constant 1 : i32
        %parallel_loop3A_931 = arith.index_cast %parallel_loop3A_930 : i32 to index
        %parallel_loop3A_932 = arith.index_cast %parallel_loop3A_513 : i32 to index
        %parallel_loop3A_933 = arith.constant 496 : index
        %parallel_loop3A_934 = tpu.vector_load %arg9[%parallel_loop3A_931, %parallel_loop3A_932, %parallel_loop3A_933] {strides = array<i32>} : memref<2x16x512xf32, #tpu.memory_space<vmem>>, vector<16xf32>,
        %parallel_loop3A_935 = arith.subf %parallel_loop3A_929, %parallel_loop3A_934 : vector<16xf32>
        %parallel_loop3A_936 = arith.mulf %parallel_loop3A_935, %parallel_loop3A_935 : vector<16xf32>
        %parallel_loop3A_937 = arith.addf %parallel_loop3A_885, %parallel_loop3A_936 : vector<16xf32>
        %parallel_loop3A_938 = arith.addf %parallel_loop3A_898, %parallel_loop3A_911 : vector<16xf32>
        %parallel_loop3A_939 = arith.addf %parallel_loop3A_924, %parallel_loop3A_937 : vector<16xf32>
        %parallel_loop3A_940 = arith.addf %parallel_loop3A_938, %parallel_loop3A_939 : vector<16xf32>
        %parallel_loop3A_941 = arith.index_cast %parallel_loop3A_513 : i32 to index
        %parallel_loop3A_942 = arith.constant 0 : index
        %parallel_loop3A_943 = tpu.vector_load %arg13[%parallel_loop3A_941, %parallel_loop3A_942] {strides = array<i32>} : memref<16x17xf32, #tpu.memory_space<vmem>>, vector<16xf32>,
        tpu.vector_store %arg13[%parallel_loop3A_941, %parallel_loop3A_942], %parallel_loop3A_940 {strides = array<i32>} : memref<16x17xf32, #tpu.memory_space<vmem>>, vector<16xf32>,
      } {sc.loop_unroll_factor = 2 : i64, sc.parallel_access}
      %iota3A_393 = tpu.iota {dimensions = array<i32: 0>} : vector<16xi32>
      %add3A_394 = arith.constant 0 : i32
      %add3A_395 = vector.broadcast %add3A_394 : i32 to vector<16xi32>
      %add3A_396 = arith.addi %iota3A_393, %add3A_395 : vector<16xi32>
      %broadcast_in_dim3A_397 = arith.constant 0.000000e+00 : f32
      %broadcast_in_dim3A_398 = vector.broadcast %broadcast_in_dim3A_397 : f32 to vector<16xf32>
      %broadcast_in_dim3A_399 = arith.constant 0 : i32
      %broadcast_in_dim3A_400 = vector.broadcast %broadcast_in_dim3A_399 : i32 to vector<16xi32>
      %gather3A_401 = tpu.vector_load_idx %arg13[%add3A_396, %broadcast_in_dim3A_400] : memref<16x17xf32, #tpu.memory_space<vmem>>[vector<16xi32>, vector<16xi32>], vector<16xf32>,
      %add3A_402 = arith.addf %broadcast_in_dim3A_398, %gather3A_401 : vector<16xf32>
      %broadcast_in_dim3A_403 = arith.constant 1 : i32
      %broadcast_in_dim3A_404 = vector.broadcast %broadcast_in_dim3A_403 : i32 to vector<16xi32>
      %gather3A_405 = tpu.vector_load_idx %arg13[%add3A_396, %broadcast_in_dim3A_404] : memref<16x17xf32, #tpu.memory_space<vmem>>[vector<16xi32>, vector<16xi32>], vector<16xf32>,
      %add3A_406 = arith.addf %add3A_402, %gather3A_405 : vector<16xf32>
      %broadcast_in_dim3A_407 = arith.constant 2 : i32
      %broadcast_in_dim3A_408 = vector.broadcast %broadcast_in_dim3A_407 : i32 to vector<16xi32>
      %gather3A_409 = tpu.vector_load_idx %arg13[%add3A_396, %broadcast_in_dim3A_408] : memref<16x17xf32, #tpu.memory_space<vmem>>[vector<16xi32>, vector<16xi32>], vector<16xf32>,
      %add3A_410 = arith.addf %add3A_406, %gather3A_409 : vector<16xf32>
      %broadcast_in_dim3A_411 = arith.constant 3 : i32
      %broadcast_in_dim3A_412 = vector.broadcast %broadcast_in_dim3A_411 : i32 to vector<16xi32>
      %gather3A_413 = tpu.vector_load_idx %arg13[%add3A_396, %broadcast_in_dim3A_412] : memref<16x17xf32, #tpu.memory_space<vmem>>[vector<16xi32>, vector<16xi32>], vector<16xf32>,
      %add3A_414 = arith.addf %add3A_410, %gather3A_413 : vector<16xf32>
      %broadcast_in_dim3A_415 = arith.constant 4 : i32
      %broadcast_in_dim3A_416 = vector.broadcast %broadcast_in_dim3A_415 : i32 to vector<16xi32>
      %gather3A_417 = tpu.vector_load_idx %arg13[%add3A_396, %broadcast_in_dim3A_416] : memref<16x17xf32, #tpu.memory_space<vmem>>[vector<16xi32>, vector<16xi32>], vector<16xf32>,
      %add3A_418 = arith.addf %add3A_414, %gather3A_417 : vector<16xf32>
      %broadcast_in_dim3A_419 = arith.constant 5 : i32
      %broadcast_in_dim3A_420 = vector.broadcast %broadcast_in_dim3A_419 : i32 to vector<16xi32>
      %gather3A_421 = tpu.vector_load_idx %arg13[%add3A_396, %broadcast_in_dim3A_420] : memref<16x17xf32, #tpu.memory_space<vmem>>[vector<16xi32>, vector<16xi32>], vector<16xf32>,
      %add3A_422 = arith.addf %add3A_418, %gather3A_421 : vector<16xf32>
      %broadcast_in_dim3A_423 = arith.constant 6 : i32
      %broadcast_in_dim3A_424 = vector.broadcast %broadcast_in_dim3A_423 : i32 to vector<16xi32>
      %gather3A_425 = tpu.vector_load_idx %arg13[%add3A_396, %broadcast_in_dim3A_424] : memref<16x17xf32, #tpu.memory_space<vmem>>[vector<16xi32>, vector<16xi32>], vector<16xf32>,
      %add3A_426 = arith.addf %add3A_422, %gather3A_425 : vector<16xf32>
      %broadcast_in_dim3A_427 = arith.constant 7 : i32
      %broadcast_in_dim3A_428 = vector.broadcast %broadcast_in_dim3A_427 : i32 to vector<16xi32>
      %gather3A_429 = tpu.vector_load_idx %arg13[%add3A_396, %broadcast_in_dim3A_428] : memref<16x17xf32, #tpu.memory_space<vmem>>[vector<16xi32>, vector<16xi32>], vector<16xf32>,
      %add3A_430 = arith.addf %add3A_426, %gather3A_429 : vector<16xf32>
      %broadcast_in_dim3A_431 = arith.constant 8 : i32
      %broadcast_in_dim3A_432 = vector.broadcast %broadcast_in_dim3A_431 : i32 to vector<16xi32>
      %gather3A_433 = tpu.vector_load_idx %arg13[%add3A_396, %broadcast_in_dim3A_432] : memref<16x17xf32, #tpu.memory_space<vmem>>[vector<16xi32>, vector<16xi32>], vector<16xf32>,
      %add3A_434 = arith.addf %add3A_430, %gather3A_433 : vector<16xf32>
      %broadcast_in_dim3A_435 = arith.constant 9 : i32
      %broadcast_in_dim3A_436 = vector.broadcast %broadcast_in_dim3A_435 : i32 to vector<16xi32>
      %gather3A_437 = tpu.vector_load_idx %arg13[%add3A_396, %broadcast_in_dim3A_436] : memref<16x17xf32, #tpu.memory_space<vmem>>[vector<16xi32>, vector<16xi32>], vector<16xf32>,
      %add3A_438 = arith.addf %add3A_434, %gather3A_437 : vector<16xf32>
      %broadcast_in_dim3A_439 = arith.constant 10 : i32
      %broadcast_in_dim3A_440 = vector.broadcast %broadcast_in_dim3A_439 : i32 to vector<16xi32>
      %gather3A_441 = tpu.vector_load_idx %arg13[%add3A_396, %broadcast_in_dim3A_440] : memref<16x17xf32, #tpu.memory_space<vmem>>[vector<16xi32>, vector<16xi32>], vector<16xf32>,
      %add3A_442 = arith.addf %add3A_438, %gather3A_441 : vector<16xf32>
      %broadcast_in_dim3A_443 = arith.constant 11 : i32
      %broadcast_in_dim3A_444 = vector.broadcast %broadcast_in_dim3A_443 : i32 to vector<16xi32>
      %gather3A_445 = tpu.vector_load_idx %arg13[%add3A_396, %broadcast_in_dim3A_444] : memref<16x17xf32, #tpu.memory_space<vmem>>[vector<16xi32>, vector<16xi32>], vector<16xf32>,
      %add3A_446 = arith.addf %add3A_442, %gather3A_445 : vector<16xf32>
      %broadcast_in_dim3A_447 = arith.constant 12 : i32
      %broadcast_in_dim3A_448 = vector.broadcast %broadcast_in_dim3A_447 : i32 to vector<16xi32>
      %gather3A_449 = tpu.vector_load_idx %arg13[%add3A_396, %broadcast_in_dim3A_448] : memref<16x17xf32, #tpu.memory_space<vmem>>[vector<16xi32>, vector<16xi32>], vector<16xf32>,
      %add3A_450 = arith.addf %add3A_446, %gather3A_449 : vector<16xf32>
      %broadcast_in_dim3A_451 = arith.constant 13 : i32
      %broadcast_in_dim3A_452 = vector.broadcast %broadcast_in_dim3A_451 : i32 to vector<16xi32>
      %gather3A_453 = tpu.vector_load_idx %arg13[%add3A_396, %broadcast_in_dim3A_452] : memref<16x17xf32, #tpu.memory_space<vmem>>[vector<16xi32>, vector<16xi32>], vector<16xf32>,
      %add3A_454 = arith.addf %add3A_450, %gather3A_453 : vector<16xf32>
      %broadcast_in_dim3A_455 = arith.constant 14 : i32
      %broadcast_in_dim3A_456 = vector.broadcast %broadcast_in_dim3A_455 : i32 to vector<16xi32>
      %gather3A_457 = tpu.vector_load_idx %arg13[%add3A_396, %broadcast_in_dim3A_456] : memref<16x17xf32, #tpu.memory_space<vmem>>[vector<16xi32>, vector<16xi32>], vector<16xf32>,
      %add3A_458 = arith.addf %add3A_454, %gather3A_457 : vector<16xf32>
      %broadcast_in_dim3A_459 = arith.constant 15 : i32
      %broadcast_in_dim3A_460 = vector.broadcast %broadcast_in_dim3A_459 : i32 to vector<16xi32>
      %gather3A_461 = tpu.vector_load_idx %arg13[%add3A_396, %broadcast_in_dim3A_460] : memref<16x17xf32, #tpu.memory_space<vmem>>[vector<16xi32>, vector<16xi32>], vector<16xf32>,
      %add3A_462 = arith.addf %add3A_458, %gather3A_461 : vector<16xf32>
      %max3A_463 = arith.constant 1.000000e-30 : f32
      %max3A_464 = vector.broadcast %max3A_463 : f32 to vector<16xf32>
      %max3A_465 = arith.maximumf %add3A_462, %max3A_464 : vector<16xf32>
      %bitcast3A_466 = vector.bitcast %max3A_465 : vector<16xf32> to vector<16xi32>
      %shift_right_arithmetic3A_467 = arith.constant 1 : i32
      %shift_right_arithmetic3A_468 = vector.broadcast %shift_right_arithmetic3A_467 : i32 to vector<16xi32>
      %shift_right_arithmetic3A_469 = arith.shrsi %bitcast3A_466, %shift_right_arithmetic3A_468 : vector<16xi32>
      %sub3A_470 = arith.constant 1597463007 : i32
      %sub3A_471 = vector.broadcast %sub3A_470 : i32 to vector<16xi32>
      %sub3A_472 = arith.subi %sub3A_471, %shift_right_arithmetic3A_469 : vector<16xi32>
      %bitcast3A_473 = vector.bitcast %sub3A_472 : vector<16xi32> to vector<16xf32>
      %mul3A_474 = arith.constant 5.000000e-01 : f32
      %mul3A_475 = vector.broadcast %mul3A_474 : f32 to vector<16xf32>
      %mul3A_476 = arith.mulf %mul3A_475, %max3A_465 : vector<16xf32>
      %mul3A_477 = arith.mulf %mul3A_476, %bitcast3A_473 : vector<16xf32>
      %mul3A_478 = arith.mulf %mul3A_477, %bitcast3A_473 : vector<16xf32>
      %sub3A_479 = arith.constant 1.500000e+00 : f32
      %sub3A_480 = vector.broadcast %sub3A_479 : f32 to vector<16xf32>
      %sub3A_481 = arith.subf %sub3A_480, %mul3A_478 : vector<16xf32>
      %mul3A_482 = arith.mulf %bitcast3A_473, %sub3A_481 : vector<16xf32>
      %mul3A_483 = arith.constant 5.000000e-01 : f32
      %mul3A_484 = vector.broadcast %mul3A_483 : f32 to vector<16xf32>
      %mul3A_485 = arith.mulf %mul3A_484, %max3A_465 : vector<16xf32>
      %mul3A_486 = arith.mulf %mul3A_485, %mul3A_482 : vector<16xf32>
      %mul3A_487 = arith.mulf %mul3A_486, %mul3A_482 : vector<16xf32>
      %sub3A_488 = arith.constant 1.500000e+00 : f32
      %sub3A_489 = vector.broadcast %sub3A_488 : f32 to vector<16xf32>
      %sub3A_490 = arith.subf %sub3A_489, %mul3A_487 : vector<16xf32>
      %mul3A_491 = arith.mulf %mul3A_482, %sub3A_490 : vector<16xf32>
      %mul3A_492 = arith.constant 5.000000e-01 : f32
      %mul3A_493 = vector.broadcast %mul3A_492 : f32 to vector<16xf32>
      %mul3A_494 = arith.mulf %mul3A_493, %max3A_465 : vector<16xf32>
      %mul3A_495 = arith.mulf %mul3A_494, %mul3A_491 : vector<16xf32>
      %mul3A_496 = arith.mulf %mul3A_495, %mul3A_491 : vector<16xf32>
      %sub3A_497 = arith.constant 1.500000e+00 : f32
      %sub3A_498 = vector.broadcast %sub3A_497 : f32 to vector<16xf32>
      %sub3A_499 = arith.subf %sub3A_498, %mul3A_496 : vector<16xf32>
      %mul3A_500 = arith.mulf %mul3A_491, %sub3A_499 : vector<16xf32>
      %mul3A_501 = arith.mulf %add3A_462, %mul3A_500 : vector<16xf32>
      %mul3A_502 = arith.constant 16 : i32
      %mul3A_503 = arith.muli %add3A_389, %mul3A_502 : i32
      %add3A_504 = arith.constant 0 : i32
      %add3A_505 = arith.addi %mul3A_503, %add3A_504 : i32
      %swap3A_506 = arith.index_cast %add3A_505 : i32 to index
      %swap3A_507 = tpu.vector_load %arg10[%swap3A_506] {strides = array<i32>} : memref<128xf32, #tpu.memory_space<vmem>>, vector<16xf32>,
      tpu.vector_store %arg10[%swap3A_506], %mul3A_501 {strides = array<i32>} : memref<128xf32, #tpu.memory_space<vmem>>, vector<16xf32>,
      %lt3A_508 = arith.constant 3 : i32
      %lt3A_509 = arith.cmpi slt, %scan3A_211, %lt3A_508 : i32
      %convert_element_type3A_510 = arith.extui %lt3A_509 : i1 to i32
      %cond3A_511 = arith.constant 0 : i32
      %cond3A_512 = arith.cmpi ne, %convert_element_type3A_510, %cond3A_511 : i32
      scf.if %cond3A_512 {
        %add3A_513 = arith.constant 3 : i32
        %add3A_514 = arith.addi %mul3A_213, %add3A_513 : i32
        %mul3A_515 = arith.constant 16 : i32
        %mul3A_516 = arith.muli %add3A_514, %mul3A_515 : i32
        %add3A_517 = arith.addi %mul3A_2, %mul3A_516 : i32
        %dma_start3A_518 = arith.constant 1 : i32
        %dma_start3A_519 = arith.constant 0 : i32
        %dma_start3A_520 = arith.constant 0 : i32
        %dma_start3A_521 = tpu.memref_slice %arg8[%dma_start3A_518, %dma_start3A_519, %dma_start3A_520] : memref<2x16x512xf32, #tpu.memory_space<vmem>> -> memref<1x16x512xf32, #tpu.memory_space<vmem>>
        %dma_start3A_522 = tpu.memref_squeeze %dma_start3A_521 : memref<1x16x512xf32, #tpu.memory_space<vmem>> -> memref<16x512xf32, #tpu.memory_space<vmem>>
        %dma_start3A_523 = arith.constant 0 : i32
        %dma_start3A_524 = tpu.memref_slice %arg2[%add3A_517, %dma_start3A_523] : memref<4096x512xf32, #tpu.memory_space<hbm>> -> memref<16x512xf32, #tpu.memory_space<hbm>>
        %dma_start3A_525 = arith.constant 0 : i32
        %dma_start3A_526 = arith.constant 0 : i32
        %dma_start3A_527 = tpu.memref_slice %arg8[%dma_start3A_518, %dma_start3A_525, %dma_start3A_526] : memref<2x16x512xf32, #tpu.memory_space<vmem>> -> memref<1x16x512xf32, #tpu.memory_space<vmem>>
        %dma_start3A_528 = tpu.memref_squeeze %dma_start3A_527 : memref<1x16x512xf32, #tpu.memory_space<vmem>> -> memref<16x512xf32, #tpu.memory_space<vmem>>
        %dma_start3A_529 = arith.constant 0 : i32
        %dma_start3A_530 = tpu.memref_slice %arg2[%add3A_517, %dma_start3A_529] : memref<4096x512xf32, #tpu.memory_space<hbm>> -> memref<16x512xf32, #tpu.memory_space<hbm>>
        tpu.enqueue_dma source(%dma_start3A_530 : memref<16x512xf32, #tpu.memory_space<hbm>>) target(%dma_start3A_528 : memref<16x512xf32, #tpu.memory_space<vmem>>) target_semaphore(%arg15 : memref<!tpu.dma_semaphore, #tpu.memory_space<semaphore_mem>>)
        %mul3A_531 = arith.constant 16 : i32
        %mul3A_532 = arith.muli %add3A_514, %mul3A_531 : i32
        %dma_start3A_533 = arith.constant 1 : i32
        %dma_start3A_534 = arith.constant 0 : i32
        %dma_start3A_535 = arith.constant 0 : i32
        %dma_start3A_536 = tpu.memref_slice %arg9[%dma_start3A_533, %dma_start3A_534, %dma_start3A_535] : memref<2x16x512xf32, #tpu.memory_space<vmem>> -> memref<1x16x512xf32, #tpu.memory_space<vmem>>
        %dma_start3A_537 = tpu.memref_squeeze %dma_start3A_536 : memref<1x16x512xf32, #tpu.memory_space<vmem>> -> memref<16x512xf32, #tpu.memory_space<vmem>>
        %dma_start3A_538 = tpu.memref_slice %arg7[%mul3A_532] : memref<128xi32, #tpu.memory_space<vmem>> -> memref<16xi32, #tpu.memory_space<vmem>>
        %dma_start3A_539 = arith.constant 0 : i32
        %dma_start3A_540 = arith.constant 0 : i32
        %dma_start3A_541 = tpu.memref_slice %arg4[%dma_start3A_539, %dma_start3A_540] : memref<1000x512xf32, #tpu.memory_space<hbm>> -> memref<1000x512xf32, #tpu.memory_space<hbm>>
        tpu.enqueue_indirect_dma source(%dma_start3A_541 : memref<1000x512xf32, #tpu.memory_space<hbm>>) target(%dma_start3A_537 : memref<16x512xf32, #tpu.memory_space<vmem>>) offsets(%dma_start3A_538 : memref<16xi32, #tpu.memory_space<vmem>>) semaphore(%arg17 : memref<!tpu.dma_semaphore, #tpu.memory_space<semaphore_mem>>)
      } else {
      }
    }
    %scan3A_204 = arith.constant 4 : i32
    "tpu.region"() ({
      %run_scoped3A = tpu.sem_alloc : memref<!tpu.dma_semaphore, #tpu.memory_space<semaphore_mem>>
      %dma_start3A_211 = arith.constant 0 : i32
      %dma_start3A_212 = tpu.memref_slice %arg18[%dma_start3A_211] : memref<1024xf32, #tpu.memory_space<vmem_shared>> -> memref<1024xf32, #tpu.memory_space<vmem_shared>>
      tpu.enqueue_indirect_dma source(%arg10 : memref<128xf32, #tpu.memory_space<vmem>>) target(%dma_start3A_212 : memref<1024xf32, #tpu.memory_space<vmem_shared>>) offsets(%arg7 : memref<128xi32, #tpu.memory_space<vmem>>) semaphore(%run_scoped3A : memref<!tpu.dma_semaphore, #tpu.memory_space<semaphore_mem>>) {add = true}
      %dma_wait3A = arith.constant 0 : i32
      %dma_wait3A_213 = tpu.memref_slice %arg18[%dma_wait3A] : memref<1024xf32, #tpu.memory_space<vmem_shared>> -> memref<1024xf32, #tpu.memory_space<vmem_shared>>
      tpu.wait_indirect_dma semaphore(%run_scoped3A : memref<!tpu.dma_semaphore, #tpu.memory_space<semaphore_mem>>) src(%arg10 : memref<128xf32, #tpu.memory_space<vmem>>) dst(%dma_wait3A_213 : memref<1024xf32, #tpu.memory_space<vmem_shared>>)
      tpu.yield
    }) : () -> ()
    "tpu.region"() ({
      %run_scoped3A = tpu.sem_alloc : memref<!tpu.dma_semaphore, #tpu.memory_space<semaphore_mem>>
      %dma_start3A_211 = arith.constant 0 : i32
      %dma_start3A_212 = tpu.memref_slice %arg19[%dma_start3A_211] : memref<1024xf32, #tpu.memory_space<vmem_shared>> -> memref<1024xf32, #tpu.memory_space<vmem_shared>>
      tpu.enqueue_indirect_dma source(%arg11 : memref<128xf32, #tpu.memory_space<vmem>>) target(%dma_start3A_212 : memref<1024xf32, #tpu.memory_space<vmem_shared>>) offsets(%arg7 : memref<128xi32, #tpu.memory_space<vmem>>) semaphore(%run_scoped3A : memref<!tpu.dma_semaphore, #tpu.memory_space<semaphore_mem>>) {add = true}
      %dma_wait3A = arith.constant 0 : i32
      %dma_wait3A_213 = tpu.memref_slice %arg19[%dma_wait3A] : memref<1024xf32, #tpu.memory_space<vmem_shared>> -> memref<1024xf32, #tpu.memory_space<vmem_shared>>
      tpu.wait_indirect_dma semaphore(%run_scoped3A : memref<!tpu.dma_semaphore, #tpu.memory_space<semaphore_mem>>) src(%arg11 : memref<128xf32, #tpu.memory_space<vmem>>) dst(%dma_wait3A_213 : memref<1024xf32, #tpu.memory_space<vmem_shared>>)
      tpu.yield
    }) : () -> ()
    %barrier3A_205 = arith.constant 0 : index
    tpu.barrier barrier_id(%barrier3A_205)
    %eq3A_206 = arith.constant 0 : i32
    %eq3A_207 = arith.cmpi eq, %arg1, %eq3A_206 : i32
    %convert_element_type3A_208 = arith.extui %eq3A_207 : i1 to i32
    %cond3A_209 = arith.constant 0 : i32
    %cond3A_210 = arith.cmpi ne, %convert_element_type3A_208, %cond3A_209 : i32
    scf.if %cond3A_210 {
      "tpu.region"() ({
        %run_scoped3A = tpu.sem_alloc : memref<!tpu.dma_semaphore, #tpu.memory_space<semaphore_mem>>
        %dma_start3A_211 = arith.constant 0 : i32
        %dma_start3A_212 = tpu.memref_slice %arg5[%arg0, %dma_start3A_211] : memref<2x1024xf32, #tpu.memory_space<hbm>> -> memref<1x1024xf32, #tpu.memory_space<hbm>>
        %dma_start3A_213 = tpu.memref_squeeze %dma_start3A_212 : memref<1x1024xf32, #tpu.memory_space<hbm>> -> memref<1024xf32, #tpu.memory_space<hbm>>
        tpu.enqueue_dma source(%arg18 : memref<1024xf32, #tpu.memory_space<vmem_shared>>) target(%dma_start3A_213 : memref<1024xf32, #tpu.memory_space<hbm>>) target_semaphore(%run_scoped3A : memref<!tpu.dma_semaphore, #tpu.memory_space<semaphore_mem>>)
        %dma_wait3A = arith.constant 0 : i32
        %dma_wait3A_214 = tpu.memref_slice %arg5[%arg0, %dma_wait3A] : memref<2x1024xf32, #tpu.memory_space<hbm>> -> memref<1x1024xf32, #tpu.memory_space<hbm>>
        %dma_wait3A_215 = tpu.memref_squeeze %dma_wait3A_214 : memref<1x1024xf32, #tpu.memory_space<hbm>> -> memref<1024xf32, #tpu.memory_space<hbm>>
        tpu.wait_dma2 semaphore(%run_scoped3A : memref<!tpu.dma_semaphore, #tpu.memory_space<semaphore_mem>>) src(%arg18 : memref<1024xf32, #tpu.memory_space<vmem_shared>>) dst(%dma_wait3A_215 : memref<1024xf32, #tpu.memory_space<hbm>>)
        tpu.yield
      }) : () -> ()
      "tpu.region"() ({
        %run_scoped3A = tpu.sem_alloc : memref<!tpu.dma_semaphore, #tpu.memory_space<semaphore_mem>>
        %dma_start3A_211 = arith.constant 0 : i32
        %dma_start3A_212 = tpu.memref_slice %arg6[%arg0, %dma_start3A_211] : memref<2x1024xf32, #tpu.memory_space<hbm>> -> memref<1x1024xf32, #tpu.memory_space<hbm>>
        %dma_start3A_213 = tpu.memref_squeeze %dma_start3A_212 : memref<1x1024xf32, #tpu.memory_space<hbm>> -> memref<1024xf32, #tpu.memory_space<hbm>>
        tpu.enqueue_dma source(%arg19 : memref<1024xf32, #tpu.memory_space<vmem_shared>>) target(%dma_start3A_213 : memref<1024xf32, #tpu.memory_space<hbm>>) target_semaphore(%run_scoped3A : memref<!tpu.dma_semaphore, #tpu.memory_space<semaphore_mem>>)
        %dma_wait3A = arith.constant 0 : i32
        %dma_wait3A_214 = tpu.memref_slice %arg6[%arg0, %dma_wait3A] : memref<2x1024xf32, #tpu.memory_space<hbm>> -> memref<1x1024xf32, #tpu.memory_space<hbm>>
        %dma_wait3A_215 = tpu.memref_squeeze %dma_wait3A_214 : memref<1x1024xf32, #tpu.memory_space<hbm>> -> memref<1024xf32, #tpu.memory_space<hbm>>
        tpu.wait_dma2 semaphore(%run_scoped3A : memref<!tpu.dma_semaphore, #tpu.memory_space<semaphore_mem>>) src(%arg19 : memref<1024xf32, #tpu.memory_space<vmem_shared>>) dst(%dma_wait3A_215 : memref<1024xf32, #tpu.memory_space<hbm>>)
        tpu.yield
      }) : () -> ()
    } else {
    }
    return
  }
}

module attributes {stable_mosaic.version = 14 : i64} {
  func.func @_combine_kernel(%arg0: memref<2x1024xf32, #tpu.memory_space<vmem>>, %arg1: memref<2x1024xf32, #tpu.memory_space<vmem>>, %arg2: memref<1x1xf32, #tpu.memory_space<vmem>>) attributes {dimension_semantics = [], scalar_prefetch = 0 : i64, scratch_operands = 0 : i64, tpu.core_type = #tpu.core_type<tc>} {
    %get3A = arith.constant 0 : index
    %get3A_0 = arith.constant 0 : index
    %get3A_1 = vector.load %arg0[%get3A, %get3A_0] : memref<2x1024xf32, #tpu.memory_space<vmem>>, vector<1x1024xf32>
    %get3A_2 = arith.constant 1 : index
    %get3A_3 = arith.constant 0 : index
    %get3A_4 = vector.load %arg0[%get3A_2, %get3A_3] : memref<2x1024xf32, #tpu.memory_space<vmem>>, vector<1x1024xf32>
    %add3A = arith.addf %get3A_1, %get3A_4 : vector<1x1024xf32>
    %get3A_5 = arith.constant 0 : index
    %get3A_6 = arith.constant 0 : index
    %get3A_7 = vector.load %arg1[%get3A_5, %get3A_6] : memref<2x1024xf32, #tpu.memory_space<vmem>>, vector<1x1024xf32>
    %get3A_8 = arith.constant 1 : index
    %get3A_9 = arith.constant 0 : index
    %get3A_10 = vector.load %arg1[%get3A_8, %get3A_9] : memref<2x1024xf32, #tpu.memory_space<vmem>>, vector<1x1024xf32>
    %add3A_11 = arith.addf %get3A_7, %get3A_10 : vector<1x1024xf32>
    %max3A = arith.constant 1.000000e+00 : f32
    %max3A_12 = vector.broadcast %max3A : f32 to vector<1x1024xf32>
    %max3A_13 = arith.maximumf %add3A_11, %max3A_12 : vector<1x1024xf32>
    %div3A = arith.divf %add3A, %max3A_13 : vector<1x1024xf32>
    %reduce_sum3A = vector.shape_cast %div3A : vector<1x1024xf32> to vector<1x1x1024xf32>
    %reduce_sum3A_14 = arith.constant dense<0.000000e+00> : vector<1xf32>
    %reduce_sum3A_15 = vector.multi_reduction <add>, %reduce_sum3A, %reduce_sum3A_14 [1, 2] : vector<1x1x1024xf32> to vector<1xf32>
    %reduce_sum3A_16 = vector.shape_cast %reduce_sum3A_15 : vector<1xf32> to vector<1x1x1xf32>
    %reduce_sum3A_17 = vector.extract %reduce_sum3A_16[0, 0, 0] : f32 from vector<1x1x1xf32>
    %reshape3A = vector.broadcast %reduce_sum3A_17 : f32 to vector<1x1xf32>
    %swap3A = arith.constant 0 : index
    %swap3A_18 = arith.constant 0 : index
    %swap3A_19 = vector.load %arg2[%swap3A, %swap3A_18] : memref<1x1xf32, #tpu.memory_space<vmem>>, vector<1x1xf32>
    tpu.vector_store %arg2[%swap3A, %swap3A_18], %reshape3A {strides = array<i32>} : memref<1x1xf32, #tpu.memory_space<vmem>>, vector<1x1xf32>,
    return
  }
}

</mosaic_0001>

<sc_bundles>
// kernel: kernel.4.cloned.1.call-start
scs
__scs_entry_jumppad:
0x0: {  	(pc) =	sbr.rel $0x88, $3  }
0x1: {  	(tag) =	ssettag $0x0;
	lr =	simm.s32 $0x1  }
0x2: {  	[smem:$0x3F9E] =	sst lr;
	_ =	strace $0xD0000000  }
0x3: {  	_ = 	snop  }
0x4: {  	_ = 	snop  }
0x5: {  	_ = 	snop  }
0x6: {  	_ = 	snop  }
0x7: {  	_ = 	snop  }
__scs_overlays_trampoline_lowered:
0x8: {  	[smem:$0x3FAD] =	sst s0  }
0x9: {  	[smem:$0x3FAE] =	sst s1  }
0xa: {  	[smem:$0x3FAF] =	sst s2  }
0xb: {  	[smem:$0x3FB0] =	sst s3  }
0xc: {  	[smem:$0x3FB1] =	sst s4  }
0xd: {  	[smem:$0x3FB2] =	sst s5  }
0xe: {  	[smem:$0x3FB3] =	sst s6  }
0xf: {  	[smem:$0x3FB4] =	sst s7  }
0x10: {  	[smem:$0x3FB5] =	sst s8  }
0x11: {  	[smem:$0x3FB6] =	sst s9;
	s0 =	simm.s32 @!p0 $0x0  }
0x12: {  	s1 =	sld [smem:$0x3F9C];
	s0 =	simm.s32 @p0 $0x1  }
0x13: {  	[smem:$0x3FB7] =	sst s0;
	s0 =	simm.s32 @!p1 $0x0  }
0x14: {  	s2 =	sld [smem:$0x3F9B];
	s0 =	simm.s32 @p1 $0x1  }
0x15: {  	[smem:$0x3FB8] =	sst s0;
	s0 =	simm.s32 @!p2 $0x0  }
0x16: {  	s3 =	sld [smem:$0x3FDB];
	s0 =	simm.s32 @p2 $0x1  }
0x17: {  	s4 =	simm.s32 $0x1BF5;
	[smem:$0x3FBA] =	sst s0  }
0x18: {  	s0 =	sld [smem:$0x3F9D];
	_ =	swait.ge [sflag:s4], $0x0  }
0x19: {  	s7 =	sld [smem:$0x3F9E]  }
0x1a: {  	s8 =	sadd.s32 $0xFFFFE003, lr  }
0x1b: {  	s9 =	sadd.s32 $0xFFFFFEF7, lr;
	s5 =	simm.s32 $0xFFFFFFFF;
	p2 =	slt.u32 s8, $0xFFFFF086  }
0x1c: {  	p1 =	slt.u32 s9, $0xF7A;
	s5 =	simm.s32 @!p2 $0x0  }
0x1d: {  	s5 =	simm.s32 @p1 $0x1;
	p0 =	seq.s32 s7, s2  }
0x1e: {  	s7 =	smul.u32 @!p0 $0xF7A, s2;
	p2 =	seq.s32 @!p0 s5, $0x0  }
0x1f: {  	s9 =	smul.u32 $0xF7A, s1;
	s8 =	simm.s32 @!p0 $0x1BF5;
	p2 =	por !p2, p0  }
0x20: {  	[sflag:s8] =	ssyncset.s32 @!p0 $0xFFFFF086;
	s6 =	sadd.s32 @!p0 s3, s7;
	s7 =	simm.s32 @!p0 $0x108  }
0x21: {  	s3 =	sadd.s32 s3, s9;
	s6 =	sadd.s32 @!p0 $0x88, s6;
	s7 =	simm.s32 @p2 $0x1082  }
0x22: {  	[simem:s7], [sflag:s8] =	dma.local @!p0 [hbm:s6], $0xF7A  }
0x23: {  	s9 =	sor.u32 $0xD0000000, s2;
	s6 =	simm.s32 $0x108;
	_ =	swait.ge @!p0 [sflag:s8], $0x0  }
0x24: {  	s3 =	sadd.s32 $0x88, s3;
	s6 =	simm.s32 @!p1 $0x1082;
	[sflag:s4] =	ssyncset.s32 $0xFFFFF086  }
0x25: {  	[simem:s6], [sflag:s4] =	dma.local [hbm:s3], $0xF7A  }
0x26: {  	[smem:$0x3F9E] =	sst s1;
	(tag) =	ssettag s2;
	_ =	strace s9  }
0x27: {  	s1 =	sld [smem:$0x3FAE]  }
0x28: {  	s2 =	sld [smem:$0x3FAF]  }
0x29: {  	s4 =	sld [smem:$0x3FB1]  }
0x2a: {  	p0 =	seq.s32 s5, $0x0;
	s5 =	sld [smem:$0x3FB2]  }
0x2b: {  	s6 =	sld [smem:$0x3FB3]  }
0x2c: {  	s7 =	sld [smem:$0x3FB4]  }
0x2d: {  	s3 =	simm.s32 $0x108;
	s8 =	sld [smem:$0x3FB5]  }
0x2e: {  	s3 =	simm.s32 @!p0 $0x1082;
	s9 =	sld [smem:$0x3FB6]  }
0x2f: {  	lr =	sadd.s32 s0, s3;
	s0 =	sld [smem:$0x3FAD]  }
0x30: {  	s3 =	sld [smem:$0x3FB0]  }
0x31: {  	[smem:$0x3FB9] =	sst s10  }
0x32: {  	s10 =	sld [smem:$0x3FB7];
	_ =	sdelay $0x3  }
0x33: {  	p0 =	seq.s32 s10, $0x1;
	s10 =	sld [smem:$0x3FB9];
	_ =	sdelay $0x3  }
0x34: {  	[smem:$0x3FB9] =	sst s10  }
0x35: {  	s10 =	sld [smem:$0x3FB8];
	_ =	sdelay $0x3  }
0x36: {  	p1 =	seq.s32 s10, $0x1;
	s10 =	sld [smem:$0x3FB9];
	_ =	sdelay $0x3  }
0x37: {  	[smem:$0x3FB9] =	sst s10  }
0x38: {  	s10 =	sld [smem:$0x3FBA]  }
0x39: {  	_ = 	snop;
	(pc) =	sbr.ind lr, $3  }
0x3a: {  	_ = 	snop  }
0x3b: {  	_ = 	snop  }
0x3c: {  	p2 =	seq.s32 s10, $0x1;
	s10 =	sld [smem:$0x3FB9]  }
0x3d: {  	_ =	shalt  }
0x3e: {  	_ =	shalt  }
0x3f: {  	_ =	shalt  }
0x40: {  	_ =	shalt  }
0x41: {  	_ =	shalt  }
0x42: {  	_ =	shalt  }
0x43: {  	_ =	shalt  }
0x44: {  	_ =	shalt  }
0x45: {  	_ =	shalt  }
0x46: {  	_ =	shalt  }
0x47: {  	_ =	shalt  }
0x48: {  	_ =	shalt  }
0x49: {  	_ =	shalt  }
0x4a: {  	_ =	shalt  }
0x4b: {  	_ =	shalt  }
0x4c: {  	_ =	shalt  }
0x4d: {  	_ =	shalt  }
0x4e: {  	_ =	shalt  }
0x4f: {  	_ =	shalt  }
0x50: {  	_ =	shalt  }
0x51: {  	_ =	shalt  }
0x52: {  	_ =	shalt  }
0x53: {  	_ =	shalt  }
0x54: {  	_ =	shalt  }
0x55: {  	_ =	shalt  }
0x56: {  	_ =	shalt  }
0x57: {  	_ =	shalt  }
0x58: {  	_ =	shalt  }
0x59: {  	_ =	shalt  }
0x5a: {  	_ =	shalt  }
0x5b: {  	_ =	shalt  }
0x5c: {  	_ =	shalt  }
0x5d: {  	_ =	shalt  }
0x5e: {  	_ =	shalt  }
0x5f: {  	_ =	shalt  }
0x60: {  	_ =	shalt  }
0x61: {  	_ =	shalt  }
0x62: {  	_ =	shalt  }
0x63: {  	_ =	shalt  }
0x64: {  	_ =	shalt  }
0x65: {  	_ =	shalt  }
0x66: {  	_ =	shalt  }
0x67: {  	_ =	shalt  }
0x68: {  	_ =	shalt  }
0x69: {  	_ =	shalt  }
0x6a: {  	_ =	shalt  }
0x6b: {  	_ =	shalt  }
0x6c: {  	_ =	shalt  }
0x6d: {  	_ =	shalt  }
0x6e: {  	_ =	shalt  }
0x6f: {  	_ =	shalt  }
0x70: {  	_ =	shalt  }
0x71: {  	_ =	shalt  }
0x72: {  	_ =	shalt  }
0x73: {  	_ =	shalt  }
0x74: {  	_ =	shalt  }
0x75: {  	_ =	shalt  }
0x76: {  	_ =	shalt  }
0x77: {  	_ =	shalt  }
0x78: {  	_ =	shalt  }
0x79: {  	_ =	shalt  }
0x7a: {  	_ =	shalt  }
0x7b: {  	_ =	shalt  }
0x7c: {  	_ =	shalt  }
0x7d: {  	_ =	shalt  }
0x7e: {  	_ =	shalt  }
0x7f: {  	_ =	shalt  }
0x80: {  	_ =	shalt  }
0x81: {  	_ =	shalt  }
0x82: {  	_ =	shalt  }
0x83: {  	_ =	shalt  }
0x84: {  	_ =	shalt  }
0x85: {  	_ =	shalt  }
0x86: {  	_ =	shalt  }
0x87: {  	_ =	shalt  }
.Lfunc_end0:
.L_simem_size_0:
called_computation_lowered:
.L_overlay_start_0:
0x88: {  	s2 =	sld [smem:$0x3FD9]  }
0x89: {  	s3 =	sld [smem:$0x3FFE];
	_ =	sdelay $0x1  }
0x8a: {  	s1 =	srdreg.scid  }
0x8b: {  	s0 =	sand.u32 $0x1, s1  }
0x8c: {  	s17 =	sshll.u32 s0, $0xA;
	s2 =	sadd.s32 s3, s2  }
0x8d: {  	s2 =	sadd.s32 s2, s17  }
0x8e: {  	[smem:$0x3FC5] =	sst s2  }
0x8f: {  	_ = 	snop  }
0x90: {  	s2 =	sld [smem:$0x3FC9]  }
0x91: {  	s18 =	sld [smem:$0x3FC8]  }
0x92: {  	s4 =	sld [smem:$0x3FC7];
	(tm) =	ssettm $0x1  }
0x93: {  	s5 =	sld [smem:$0x3FFB];
	_ =	sdelay $0x3  }
0x94: {  	_ =	strace s5  }
0x95: {  	s5 =	sld [smem:$0x3FFC];
	_ =	sdelay $0x3  }
0x96: {  	_ =	strace s5  }
0x97: {  	s5 =	sld [smem:$0x3FFD];
	_ =	sdelay $0x3  }
0x98: {  	_ =	strace s5  }
0x99: {  	_ =	strace $0x8FFFFFFF  }
0x9a: {  	s19 =	sld [smem:$0x3FDB];
	_ =	sdelay $0x1  }
0x9b: {  	s6 =	simm.s32 $_scs_section_size  }
0x9c: {  	s7 =	simm.s32 $_size__tile_overlayer_lowered;
	s8 =	simm.s32 $_tile_overlayer_lowered  }
0x9d: {  	s22 =	simm.s32 $0x1BFF;
	s21 =	sshll.u32 s8, $0x1;
	s5 =	sadd.s32 s6, s19  }
0x9e: {  	s9 =	simm.s32 $0x0;
	s20 =	sshll.u32 s7, $0x1;
	s7 =	sadd.s32 s21, s5  }
0x9f: {  	[timem:s9], [sflag:s22] =	dma.local [hbm:s7], s20  }
0xa0: {  	_ =	swait.ge [sflag:s22], s20  }
0xa1: {  	s6 =	ssub.s32 $0x0, s20;
	[sflag:s22] =	ssyncset.done $0x0  }
0xa2: {  	[sflag:s22] =	ssyncadd.s32 s6;
	_ =	sdelay $0x1  }
0xa3: {  	s23 =	simm.s32 $0x1B8B  }
0xa4: {  	_ =	swait.ge [sflag:s23], $0x1  }
0xa5: {  	[sflag:s23] =	ssyncset.done $0x0  }
0xa6: {  	s25 =	simm.s32 $0x1B8E;
	s24 =	sld [smem:$0x3FFE];
	[sflag:s23] =	ssyncadd.s32 $0xFFFFFFFF  }
0xa7: {  	s26 =	simm.s32 $execute0_lowered;
	[smem:$0x3FD2] =	sst s25  }
0xa8: {  	s7 =	sshll.u32 s26, $0x1;
	_ =	strace $0x80000046;
	[dreg:$0x1] =	wrdreg $0xFFFFFFFF  }
0xa9: {  	s28 =	simm.s32 $_size_execute0_lowered;
	s5 =	sadd.s32 s5, s7;
	[dreg:$0x0] =	wrdreg $0x0  }
0xaa: {  	s7 =	sshll.u32 s28, $0x1;
	[dreg:$0x2] =	wrdreg s5  }
0xab: {  	[dreg:$0x3] =	wrdreg s7  }
0xac: {  	[dreg:$0x4] =	wrdreg $0xC0  }
0xad: {  	_ =	task [dreg:s9], $0x5FFFF  }
0xae: {  	[dreg:$0x1] =	wrdreg $0xFFFFFFFF  }
0xaf: {  	[dreg:$0x0] =	wrdreg $0x60  }
0xb0: {  	[dreg:$0x2] =	wrdreg s2  }
0xb1: {  	[dreg:$0x3] =	wrdreg s18  }
0xb2: {  	[dreg:$0x4] =	wrdreg s4  }
0xb3: {  	[dreg:$0x5] =	wrdreg s24  }
0xb4: {  	[dreg:$0x6] =	wrdreg $0x8D800  }
0xb5: {  	[dreg:$0x7] =	wrdreg $0x8DC00  }
0xb6: {  	[dreg:$0x8] =	wrdreg $0x9  }
0xb7: {  	_ =	task.clear_ibuf [dreg:s9], $0x9FFFF;
	_ =	strace $0x90000046  }
0xb8: {  	s29 =	simm.s32 $0x9;
	_ =	strace $0x80000048  }
0xb9: {  	_ =	swait.ge [sflag:s29], $0x1  }
0xba: {  	[sflag:s29] =	ssyncadd.s32 $0xFFFFFFFF  }
0xbb: {  	_ =	strace $0x90000048  }
0xbc: {  	_ =	sfence  }
0xbd: {  	s30 =	sld [smem:$0x0];
	_ =	sdelay $0x2  }
0xbe: {  	s31 =	sshll.u32 s1, $0xD;
	s1 =	sshrl.u32 s1, $0x2  }
0xbf: {  	s3 =	sand.u32 $0x4000, s31;
	s1 =	sadd.s32 s1, s30  }
0xc0: {  	s0 =	sor.u32 s3, s0;
	s1 =	sshll.u32 s1, $0x11  }
0xc1: {  	s0 =	sor.u32 s1, s0  }
0xc2: {  	s0 =	sadd.s32 $0x8F2B, s0  }
0xc3: {  	[sflag:s0] =	ssyncadd.remote.s32 $0x1  }
0xc4: {  	_ =	sfence.sel $0xFFFF  }
0xc5: {  	[dreg:$0x0] =	wrdreg $0xFFFFFFFF;
	(pc) =	sbr.abs _section_cstart, $3  }
0xc6: {  	[dreg:$0x1] =	wrdreg $0xFFFFFFFF  }
0xc7: {  	_ =	task.clear_ibuf [dreg:s9], $0x2FFFF;
	_ =	strace $0x9FFFFFFF  }
0xc8: {  	(tm) =	ssettm $0x7FFFFFFF  }
0xc9: {  	_ =	shalt  }
tec
execute0_lowered:
.L_overlay_start_1:
0x0: {  	(tag) =	ssettag $0x1  }
0x1: {  	s9 =	rddreg [dreg:$0x0]  }
0x2: {  	s0 =	rddreg [dreg:$0x1]  }
0x3: {  	s2 =	rddreg [dreg:$0x2]  }
0x4: {  	s1 =	rddreg [dreg:$0x3]  }
0x5: {  	s10 =	rddreg [dreg:$0x4]  }
0x6: {  	s11 =	rddreg [dreg:$0x5];
	s5 =	simm.s32 $0x0;
	s3 =	srdreg.scid  }
0x7: {  	s7 =	stileid.u32;
	s13 =	simm.s32 $0x5;
	s14 =	simm.s32 $0x80  }
0x8: {  	[smem:$0x7FF] =	sst s5;
	s3 =	sand.u32 $0x1, s3;
	s6 =	sshll.u32 s7, $0x8  }
0x9: {  	s4 =	sshll.u32 s3, $0x4;
	s8 =	ssub.s32 $0x2, s3;
	s3 =	sshll.u32 s3, $0x7  }
0xa: {  	_ =	strace $0x80000047;
	s1 =	sadd.s32 s4, s1;
	s6 =	sor.u32 s3, s6  }
0xb: {  	s22 =	sshrl.u32 s8, $0x1;
	s24 =	sshrl.u32 s6, $0x3;
	s29 =	sadd.s32 $0xC00, s1  }
0xc: {  	s25 =	sshll.u32 s6, $0x6;
	s30 =	sadd.s32 $0xE00, s1;
	[dreg:$0xa] =	wrdreg s29  }
.Ltmp0:
0xd: {  	v0 =	vlaneseq.u32;
	s0 =	sadd.s32 s0, s24;
	[dreg:$0xb] =	wrdreg s30;
	(pc) =	sbr.rel .LBB2_1-.Ltmp0, $4  }
0xe: {  	v2 =	vshrl.u32 v0, $0x3;
	v1 =	vand.u32 $0x7, v0;
	s23 =	ssub.s32 s8, s22;
	s26 =	sadd.s32 s9, s25;
	[dreg:$0x7] =	wrdreg s0  }
0xf: {  	s28 =	simm.s32 $0x8580;
	v0 =	vor.u32 $0x8, v0;
	[tilespmem:$0x1FFD0] =	vst v1;
	v63 =	vmul.u32 $0x8, v2;
	s31 =	smax.u32 s23, $0x1;
	[dreg:$0x8] =	wrdreg s26  }
0x10: {  	p0 =	sne.s32 s7, $0x0;
	[tilespmem:$0x1FFF0] =	vst v0;
	s0 =	sadd.s32 $0x400, s26;
	[dreg:$0xc] =	wrdreg s31  }
0x11: {  	vm0 =	vmmov $0xffff;
	s3 =	simm.s32 $0x0;
	[tilespmem:$0x1FFE0] =	vst v63;
	s9 =	sadd.s32 $0x100, s2;
	[dreg:$0x9] =	wrdreg s0  }
.LBB2_8:
0x12: {  	s10 =	rddreg [dreg:$0x4]  }
0x13: {  	s14 =	simm.s32 $0x80;
	s0 =	simm.s32 $0x8080;
	s13 =	simm.s32 $0x5  }
0x14: {  	[spmem:s10] =	stream.indirect.scatter.add.f32 [tilespmem:s0], [sflag:$0x5], $0x1, s5, s14, $0xb8;
	[tilespmem:$0x8E00] =	vst v63  }
0x15: {  	_ =	swait.ge [sflag:s13], $0x80  }
0x16: {  	[sflag:s13] =	ssyncset.done $0x0  }
0x17: {  	[sflag:s13] =	ssyncadd.s32 $0xFFFFFF80  }
0x18: {  	s29 =	simm.s32 $0x8100;
	s11 =	rddreg [dreg:$0x5]  }
0x19: {  	[spmem:s11] =	stream.indirect.scatter.add.f32 [tilespmem:s29], [sflag:$0x5], $0x1, s5, s14, $0xb8;
	[tilespmem:$0x8E00] =	vst v63  }
0x1a: {  	_ =	swait.ge [sflag:s13], $0x80  }
0x1b: {  	[sflag:s13] =	ssyncset.done $0x0  }
0x1c: {  	s1 =	simm.s32 @!p0 $0x1;
	[sflag:s13] =	ssyncadd.s32 $0xFFFFFF80  }
0x1d: {  	s3 =	simm.s32 @!p0 $0x20;
	s4 =	simm.s32 @!p0 $0x10;
	[bflag:$0x0] =	sbarrier.arrive $0xFFFF  }
0x1e: {  	s7 =	simm.s32 @!p0 $0x1C05;
	s0 =	sshrl.u32 @!p0 s10, $0x3;
	s8 =	rddreg [dreg:$0xa]  }
0x1f: {  	[hbm:s8@s3], [sflag:s7] =	dma.strided @!p0 [spmem:s0@s4], $0x80, s1, $0x10   }
0x20: {  	s0 =	simm.s32 @!p0 $0x5  }
0x21: {  	_ =	swait.ge @!p0 [sflag:s0], $0x80  }
0x22: {  	[sflag:s0] =	ssyncset.done @!p0 $0x0  }
0x23: {  	s8 =	sshrl.u32 @!p0 s11, $0x3;
	s12 =	rddreg [dreg:$0xb];
	[sflag:s0] =	ssyncadd.s32 @!p0 $0xFFFFFF80  }
0x24: {  	[hbm:s12@s3], [sflag:s7] =	dma.strided @!p0 [spmem:s8@s4], $0x80, s1, $0x10   }
0x25: {  	_ =	swait.ge @!p0 [sflag:s0], $0x80  }
0x26: {  	s30 =	rddreg [dreg:$0xd]  }
0x27: {  	s31 =	rddreg [dreg:$0xc];
	s3 =	sadd.s32 $0x1, s30  }
0x28: {  	p1 =	sne.s32 s3, s31  }
.Ltmp1:
0x29: {  	_ = 	snop;
	(pc) =	sbr.rel @!p1 .LBB2_9-.Ltmp1, $3  }
0x2a: {  	_ =	sdelay $0x1  }
0x2b: {  	[sflag:s0] =	ssyncset.done @!p0 $0x0  }
0x2c: {  	[sflag:s0] =	ssyncadd.s32 @!p0 $0xFFFFFF80  }
.LBB2_1:
0x2d: {  	[dreg:$0xd] =	wrdreg s3  }
0x2e: {  	s0 =	rddreg [dreg:$0x7]  }
0x2f: {  	[tilespmem:s5], [sflag:$0x5] =	stream.linear.gather [hbm4b:s0+s5], $0x80, $0x38;
	[tilespmem:$0x8E00] =	vst v63  }
0x30: {  	_ =	swait.ge [sflag:s13], $0x80  }
0x31: {  	[sflag:s13] =	ssyncset.done $0x0  }
0x32: {  	s20 =	rddreg [dreg:$0x8];
	[sflag:s13] =	ssyncadd.s32 $0xFFFFFF80  }
0x33: {  	[tilespmem:s14], [sflag:$0x1] =	stream.linear.gather [hbm4b:s20+s5], $0x2000, $0x38;
	[tilespmem:$0x8E00] =	vst v63  }
0x34: {  	v6 =	vld [tilespmem:$0x0];
	_ =	sdelay $0x2  }
0x35: {  	v0 =	vld [tilespmem:$0x1FFD0];
	_ =	sdelay $0x1  }
0x36: {  	v1 =	vld [tilespmem:$0x1FFE0];
	v7 =	vshll.u32 v6, $0x2  }
0x37: {  	v6 =	vand.u32 $0x7, v6;
	v7 =	vand.u32 $0xFFFFFFE0, v7  }
0x38: {  	v2 =	vld [tilespmem:$0x1FFF0];
	v6 =	vor.u32 v6, v7  }
0x39: {  	v7 =	vperm.xlane v6, v0;
	_ =	sdelay $0x1  }
0x3a: {  	v7 =	vadd.s32 v1, v7;
	_ =	sdelay $0x1  }
0x3b: {  	v6 =	vperm.xlane v6, v2;
	_ =	sdelay $0x1  }
0x3c: {  	s21 =	simm.s32 $0x4080;
	v6 =	vadd.s32 v1, v6  }
0x3d: {  	[tilespmem:s21], [sflag:$0x3] =	stream.indirect_vreg.gather [hbm4b:s2+s5], $0x80, v7, vm0, $0xb8;
	[tilespmem:$0x8E00] =	vst v63  }
0x3e: {  	s22 =	simm.s32 $0x4880  }
0x3f: {  	[tilespmem:s22], [sflag:$0x3] =	stream.indirect_vreg.gather [hbm4b:s9+s5], $0x80, v7, vm0, $0xb8;
	[tilespmem:$0x8E00] =	vst v63  }
0x40: {  	s23 =	simm.s32 $0x5080  }
0x41: {  	[tilespmem:s23], [sflag:$0x3] =	stream.indirect_vreg.gather [hbm4b:s2+s5], $0x80, v6, vm0, $0xb8;
	[tilespmem:$0x8E00] =	vst v63  }
0x42: {  	s24 =	simm.s32 $0x5880  }
0x43: {  	[tilespmem:s24], [sflag:$0x3] =	stream.indirect_vreg.gather [hbm4b:s9+s5], $0x80, v6, vm0, $0xb8;
	[tilespmem:$0x8E00] =	vst v63  }
0x44: {  	s1 =	simm.s32 $0x2080;
	s25 =	rddreg [dreg:$0x9]  }
0x45: {  	[tilespmem:s1], [sflag:$0x2] =	stream.linear.gather [hbm4b:s25+s5], $0x2000, $0x38;
	[tilespmem:$0x8E00] =	vst v63  }
0x46: {  	v6 =	vld [tilespmem:$0x10];
	_ =	sdelay $0x4  }
0x47: {  	v61 =	vshll.u32 v6, $0x2  }
0x48: {  	v6 =	vand.u32 $0x7, v6;
	v7 =	vand.u32 $0xFFFFFFE0, v61  }
0x49: {  	v6 =	vor.u32 v6, v7  }
0x4a: {  	v7 =	vperm.xlane v6, v0;
	_ =	sdelay $0x1  }
0x4b: {  	v7 =	vadd.s32 v1, v7;
	_ =	sdelay $0x1  }
0x4c: {  	v6 =	vperm.xlane v6, v2;
	_ =	sdelay $0x1  }
0x4d: {  	s26 =	simm.s32 $0x6080;
	v6 =	vadd.s32 v1, v6  }
0x4e: {  	[tilespmem:s26], [sflag:$0x4] =	stream.indirect_vreg.gather [hbm4b:s2+s5], $0x80, v7, vm0, $0xb8;
	[tilespmem:$0x8E00] =	vst v63  }
0x4f: {  	s29 =	simm.s32 $0x6880  }
0x50: {  	[tilespmem:s29], [sflag:$0x4] =	stream.indirect_vreg.gather [hbm4b:s9+s5], $0x80, v7, vm0, $0xb8;
	[tilespmem:$0x8E00] =	vst v63  }
0x51: {  	s30 =	simm.s32 $0x7080  }
0x52: {  	[tilespmem:s30], [sflag:$0x4] =	stream.indirect_vreg.gather [hbm4b:s2+s5], $0x80, v6, vm0, $0xb8;
	[tilespmem:$0x8E00] =	vst v63  }
0x53: {  	s31 =	simm.s32 $0x7880  }
0x54: {  	v62 =	vimm.f32 $0.0e+00;
	[tilespmem:s31], [sflag:$0x4] =	stream.indirect_vreg.gather [hbm4b:s9+s5], $0x80, v6, vm0, $0xb8;
	[tilespmem:$0x8E00] =	vst v63  }
0x55: {  	[tilespmem:$0x8180] =	vst v62  }
0x56: {  	[tilespmem:$0x8190] =	vst v62  }
0x57: {  	[tilespmem:$0x81A0] =	vst v62  }
0x58: {  	[tilespmem:$0x81B0] =	vst v62  }
0x59: {  	[tilespmem:$0x81C0] =	vst v62  }
0x5a: {  	[tilespmem:$0x81D0] =	vst v62  }
0x5b: {  	[tilespmem:$0x81E0] =	vst v62  }
0x5c: {  	[tilespmem:$0x81F0] =	vst v62  }
0x5d: {  	[tilespmem:$0x8200] =	vst v62  }
0x5e: {  	[tilespmem:$0x8210] =	vst v62  }
0x5f: {  	[tilespmem:$0x8220] =	vst v62  }
0x60: {  	[tilespmem:$0x8230] =	vst v62  }
0x61: {  	[tilespmem:$0x8240] =	vst v62  }
0x62: {  	[tilespmem:$0x8250] =	vst v62  }
0x63: {  	[tilespmem:$0x8260] =	vst v62  }
0x64: {  	[tilespmem:$0x8270] =	vst v62  }
0x65: {  	[tilespmem:$0x8280] =	vst v62  }
0x66: {  	[tilespmem:$0x8290] =	vst v62  }
0x67: {  	[tilespmem:$0x82A0] =	vst v62  }
0x68: {  	[tilespmem:$0x82B0] =	vst v62  }
0x69: {  	[tilespmem:$0x82C0] =	vst v62  }
0x6a: {  	[tilespmem:$0x82D0] =	vst v62  }
0x6b: {  	[tilespmem:$0x82E0] =	vst v62  }
0x6c: {  	[tilespmem:$0x82F0] =	vst v62  }
0x6d: {  	[tilespmem:$0x8300] =	vst v62  }
0x6e: {  	[tilespmem:$0x8310] =	vst v62  }
0x6f: {  	[tilespmem:$0x8320] =	vst v62  }
0x70: {  	[tilespmem:$0x8330] =	vst v62  }
0x71: {  	[tilespmem:$0x8340] =	vst v62  }
0x72: {  	[tilespmem:$0x8350] =	vst v62  }
0x73: {  	[tilespmem:$0x8360] =	vst v62  }
0x74: {  	[tilespmem:$0x8370] =	vst v62  }
0x75: {  	[tilespmem:$0x8380] =	vst v62  }
0x76: {  	[tilespmem:$0x8390] =	vst v62  }
0x77: {  	[tilespmem:$0x83A0] =	vst v62  }
0x78: {  	[tilespmem:$0x83B0] =	vst v62  }
0x79: {  	[tilespmem:$0x83C0] =	vst v62  }
0x7a: {  	[tilespmem:$0x83D0] =	vst v62  }
0x7b: {  	[tilespmem:$0x83E0] =	vst v62  }
0x7c: {  	[tilespmem:$0x83F0] =	vst v62  }
0x7d: {  	[tilespmem:$0x8400] =	vst v62  }
0x7e: {  	[tilespmem:$0x8410] =	vst v62  }
0x7f: {  	[tilespmem:$0x8420] =	vst v62  }
0x80: {  	[tilespmem:$0x8430] =	vst v62  }
0x81: {  	[tilespmem:$0x8440] =	vst v62  }
0x82: {  	[tilespmem:$0x8450] =	vst v62  }
0x83: {  	[tilespmem:$0x8460] =	vst v62  }
0x84: {  	[tilespmem:$0x8470] =	vst v62  }
0x85: {  	[tilespmem:$0x8480] =	vst v62  }
0x86: {  	[tilespmem:$0x8490] =	vst v62  }
0x87: {  	[tilespmem:$0x84A0] =	vst v62  }
0x88: {  	[tilespmem:$0x84B0] =	vst v62  }
0x89: {  	[tilespmem:$0x84C0] =	vst v62  }
0x8a: {  	[tilespmem:$0x84D0] =	vst v62  }
0x8b: {  	[tilespmem:$0x84E0] =	vst v62  }
0x8c: {  	[tilespmem:$0x84F0] =	vst v62  }
0x8d: {  	[tilespmem:$0x8500] =	vst v62  }
0x8e: {  	[tilespmem:$0x8510] =	vst v62  }
0x8f: {  	[tilespmem:$0x8520] =	vst v62  }
0x90: {  	[tilespmem:$0x8530] =	vst v62  }
0x91: {  	[tilespmem:$0x8540] =	vst v62  }
0x92: {  	[tilespmem:$0x8550] =	vst v62  }
0x93: {  	[tilespmem:$0x8560] =	vst v62  }
0x94: {  	v63 =	vimm.f32 $1.000000000e+00;
	[tilespmem:$0x8570] =	vst v62  }
0x95: {  	[tilespmem:$0x8100] =	vst v63  }
0x96: {  	[tilespmem:$0x8110] =	vst v63  }
0x97: {  	[tilespmem:$0x8120] =	vst v63  }
0x98: {  	[tilespmem:$0x8130] =	vst v63  }
0x99: {  	[tilespmem:$0x8140] =	vst v63  }
0x9a: {  	[tilespmem:$0x8150] =	vst v63  }
0x9b: {  	[tilespmem:$0x8160] =	vst v63  }
0x9c: {  	s0 =	simm.s32 @!p0 $0x8180;
	s1 =	simm.s32 @!p0 $0x5;
	[tilespmem:$0x8170] =	vst v63  }
0x9d: {  	[spmem:s10] =	stream.linear.scatter @!p0 [tilespmem:s0], [sflag:$0x5], $0x400, $0x38;
	[tilespmem:$0x8E00] =	vst v63  }
0x9e: {  	_ =	swait.ge @!p0 [sflag:s1], $0x400  }
0x9f: {  	[sflag:s1] =	ssyncset.done @!p0 $0x0  }
0xa0: {  	[sflag:s1] =	ssyncadd.s32 @!p0 $0xFFFFFC00  }
0xa1: {  	[spmem:s11] =	stream.linear.scatter @!p0 [tilespmem:s0], [sflag:$0x5], $0x400, $0x38;
	[tilespmem:$0x8E00] =	vst v63  }
0xa2: {  	_ =	swait.ge @!p0 [sflag:s1], $0x400  }
0xa3: {  	[sflag:s1] =	ssyncset.done @!p0 $0x0  }
0xa4: {  	[sflag:s1] =	ssyncadd.s32 @!p0 $0xFFFFFC00  }
0xa5: {  	s17 =	simm.s32 $0x0;
	[bflag:$0x0] =	sbarrier.arrive $0xFFFF  }
.LBB2_2:
0xa6: {  	s0 =	simm.s32 $0x1  }
0xa7: {  	_ =	swait.ge [sflag:s0], $0x2000  }
0xa8: {  	[sflag:s0] =	ssyncset.done $0x0  }
0xa9: {  	s3 =	simm.s32 $0x3;
	[sflag:s0] =	ssyncadd.s32 $0xFFFFE000  }
0xaa: {  	s18 =	simm.s32 $0x0;
	s1 =	simm.s32 $0x0;
	_ =	swait.ge [sflag:s3], $0x2000  }
0xab: {  	s12 =	sand.u32 $0x1000, s18;
	s1 =	sand.u32 $0x300, s1;
	[sflag:s3] =	ssyncset.done $0x0  }
0xac: {  	s1 =	sor.u32 s1, s12;
	[sflag:s3] =	ssyncadd.s32 $0xFFFFE000  }
0xad: {  	v6 =	vld [tilespmem:s1+$0x8C0]  }
0xae: {  	v7 =	vld [tilespmem:s1+$0x48C0]  }
0xaf: {  	v8 =	vld [tilespmem:s1+$0x8D0]  }
0xb0: {  	v9 =	vld [tilespmem:s1+$0x48D0]  }
0xb1: {  	v10 =	vld [tilespmem:s1+$0x8E0]  }
0xb2: {  	v11 =	vld [tilespmem:s1+$0x48E0]  }
0xb3: {  	v12 =	vld [tilespmem:s1+$0x8F0]  }
0xb4: {  	v13 =	vld [tilespmem:s1+$0x48F0]  }
0xb5: {  	v14 =	vld [tilespmem:s1+$0x880]  }
0xb6: {  	v15 =	vld [tilespmem:s1+$0x4880]  }
0xb7: {  	v16 =	vld [tilespmem:s1+$0x890]  }
0xb8: {  	v17 =	vld [tilespmem:s1+$0x4890]  }
0xb9: {  	v18 =	vld [tilespmem:s1+$0x8A0]  }
0xba: {  	v19 =	vld [tilespmem:s1+$0x48A0]  }
0xbb: {  	v20 =	vld [tilespmem:s1+$0x8B0]  }
0xbc: {  	v21 =	vld [tilespmem:s1+$0x48B0]  }
0xbd: {  	v22 =	vld [tilespmem:s1+$0x4C0]  }
0xbe: {  	v23 =	vld [tilespmem:s1+$0x44C0]  }
0xbf: {  	v24 =	vld [tilespmem:s1+$0x4D0]  }
0xc0: {  	v25 =	vld [tilespmem:s1+$0x44D0]  }
0xc1: {  	v26 =	vld [tilespmem:s1+$0x4E0]  }
0xc2: {  	v27 =	vld [tilespmem:s1+$0x44E0]  }
0xc3: {  	v28 =	vld [tilespmem:s1+$0x4F0]  }
0xc4: {  	v29 =	vld [tilespmem:s1+$0x44F0]  }
0xc5: {  	v30 =	vld [tilespmem:s1+$0x480]  }
0xc6: {  	v31 =	vld [tilespmem:s1+$0x4480]  }
0xc7: {  	v32 =	vld [tilespmem:s1+$0x490]  }
0xc8: {  	v33 =	vld [tilespmem:s1+$0x4490]  }
0xc9: {  	v34 =	vld [tilespmem:s1+$0x4A0]  }
0xca: {  	v35 =	vld [tilespmem:s1+$0x44A0]  }
0xcb: {  	v36 =	vld [tilespmem:s1+$0x4B0]  }
0xcc: {  	v37 =	vld [tilespmem:s1+$0x44B0]  }
0xcd: {  	v38 =	vld [tilespmem:s1+$0x80]  }
0xce: {  	v39 =	vld [tilespmem:s1+$0x4080]  }
0xcf: {  	v40 =	vld [tilespmem:s1+$0x90]  }
0xd0: {  	v41 =	vld [tilespmem:s1+$0x4090]  }
0xd1: {  	v42 =	vld [tilespmem:s1+$0xA0]  }
0xd2: {  	v43 =	vld [tilespmem:s1+$0x40A0]  }
0xd3: {  	v44 =	vld [tilespmem:s1+$0xB0]  }
0xd4: {  	v45 =	vld [tilespmem:s1+$0x40B0]  }
0xd5: {  	v46 =	vld [tilespmem:s1+$0xC0]  }
0xd6: {  	v47 =	vld [tilespmem:s1+$0x40C0]  }
0xd7: {  	v48 =	vld [tilespmem:s1+$0xD0]  }
0xd8: {  	v49 =	vld [tilespmem:s1+$0x40D0]  }
0xd9: {  	s13 =	sand.u32 $0x3, s18;
	v50 =	vld [tilespmem:s1+$0xE0]  }
0xda: {  	s3 =	sshll.u32 s13, $0x8;
	v51 =	vld [tilespmem:s1+$0x40E0]  }
0xdb: {  	v52 =	vld [tilespmem:s1+$0xF0];
	s3 =	sadd.s32 $0x0, s3  }
0xdc: {  	v53 =	vld [tilespmem:s1+$0x40F0];
	s14 =	sor.u32 $0xC40, s3  }
0xdd: {  	v54 =	vld [tilespmem:s14+$0x80]  }
0xde: {  	s15 =	sor.u32 $0xC50, s3;
	v55 =	vld [tilespmem:s14+$0x4080]  }
0xdf: {  	v56 =	vld [tilespmem:s15+$0x80]  }
0xe0: {  	s16 =	sor.u32 $0xC60, s3;
	v57 =	vld [tilespmem:s15+$0x4080]  }
0xe1: {  	v58 =	vld [tilespmem:s16+$0x80]  }
0xe2: {  	s19 =	sor.u32 $0xC70, s3;
	v59 =	vld [tilespmem:s16+$0x4080]  }
0xe3: {  	v60 =	vld [tilespmem:s19+$0x80]  }
0xe4: {  	s4 =	sor.u32 $0xC00, s3;
	v61 =	vld [tilespmem:s19+$0x4080]  }
0xe5: {  	v62 =	vld [tilespmem:s4+$0x80]  }
0xe6: {  	s20 =	sor.u32 $0xC10, s3;
	v63 =	vld [tilespmem:s4+$0x4080]  }
0xe7: {  	v5 =	vld [tilespmem:s20+$0x80]  }
0xe8: {  	s21 =	sor.u32 $0xC20, s3;
	v0 =	vld [tilespmem:s20+$0x4080]  }
0xe9: {  	v6 =	vsub.f32 v6, v7;
	v7 =	vsub.f32 v8, v9;
	v8 =	vld [tilespmem:s21+$0x80]  }
0xea: {  	s3 =	sor.u32 $0xC30, s3;
	s19 =	simm.s32 $0x80;
	v9 =	vsub.f32 v10, v11;
	v11 =	vld [tilespmem:s21+$0x4080]  }
0xeb: {  	s22 =	sand.u32 $0x380, s19;
	v10 =	vsub.f32 v12, v13;
	v12 =	vsub.f32 v14, v15;
	v14 =	vld [tilespmem:s3+$0x80]  }
0xec: {  	s1 =	sor.u32 s12, s22;
	v13 =	vsub.f32 v16, v17;
	v17 =	vld [tilespmem:s3+$0x4080]  }
0xed: {  	v15 =	vsub.f32 v18, v19;
	v16 =	vsub.f32 v20, v21;
	v20 =	vld [tilespmem:s1+$0x80]  }
0xee: {  	v18 =	vsub.f32 v22, v23;
	v19 =	vsub.f32 v24, v25;
	v23 =	vld [tilespmem:s1+$0x4080]  }
0xef: {  	v21 =	vsub.f32 v26, v27;
	v22 =	vsub.f32 v28, v29;
	v26 =	vld [tilespmem:s1+$0x90]  }
0xf0: {  	v1 =	vsub.f32 v30, v31;
	v25 =	vsub.f32 v32, v33;
	v29 =	vld [tilespmem:s1+$0x4090]  }
0xf1: {  	v27 =	vsub.f32 v34, v35;
	v28 =	vsub.f32 v36, v37;
	v32 =	vld [tilespmem:s1+$0xA0]  }
0xf2: {  	v2 =	vsub.f32 v38, v39;
	v3 =	vsub.f32 v40, v41;
	v35 =	vld [tilespmem:s1+$0x40A0]  }
0xf3: {  	v33 =	vsub.f32 v42, v43;
	v34 =	vsub.f32 v44, v45;
	v38 =	vld [tilespmem:s1+$0xB0]  }
0xf4: {  	v36 =	vsub.f32 v46, v47;
	v37 =	vsub.f32 v48, v49;
	v41 =	vld [tilespmem:s1+$0x40B0]  }
0xf5: {  	v39 =	vsub.f32 v50, v51;
	v43 =	vld [tilespmem:s1+$0xC0];
	v6 =	vmul.f32 v6, v6;
	v7 =	vmul.f32 v7, v7  }
0xf6: {  	v40 =	vsub.f32 v52, v53;
	v45 =	vld [tilespmem:s1+$0x40C0];
	v9 =	vmul.f32 v9, v9;
	v10 =	vmul.f32 v10, v10  }
0xf7: {  	v47 =	vld [tilespmem:s1+$0xD0];
	v42 =	vsub.f32 v54, v55;
	v12 =	vmul.f32 v12, v12;
	v13 =	vmul.f32 v13, v13  }
0xf8: {  	v50 =	vld [tilespmem:s1+$0x890];
	v44 =	vsub.f32 v56, v57;
	v15 =	vmul.f32 v15, v15;
	v24 =	vmul.f32 v1, v1  }
0xf9: {  	v46 =	vsub.f32 v58, v59;
	v54 =	vld [tilespmem:s1+$0x40D0];
	v30 =	vmul.f32 v2, v2;
	v31 =	vmul.f32 v3, v3  }
0xfa: {  	v48 =	vsub.f32 v60, v61;
	v56 =	vld [tilespmem:s1+$0xE0];
	v33 =	vmul.f32 v33, v33;
	v36 =	vmul.f32 v36, v36  }
0xfb: {  	v0 =	vsub.f32 v5, v0;
	v5 =	vld [tilespmem:s1+$0x40E0];
	v34 =	vmul.f32 v34, v34;
	v37 =	vmul.f32 v37, v37  }
0xfc: {  	v55 =	vsub.f32 v62, v63;
	v39 =	vmul.f32 v39, v39;
	v40 =	vmul.f32 v40, v40;
	v57 =	vld [tilespmem:s1+$0x480]  }
0xfd: {  	v25 =	vmul.f32 v25, v25;
	v59 =	vld [tilespmem:s1+$0x490];
	v30 =	vadd.f32 v36, v30;
	v31 =	vadd.f32 v37, v31  }
0xfe: {  	v27 =	vmul.f32 v27, v27;
	v60 =	vld [tilespmem:s1+$0x4490];
	v33 =	vadd.f32 v39, v33;
	v34 =	vadd.f32 v40, v34  }
0xff: {  	v28 =	vmul.f32 v28, v28;
	v61 =	vld [tilespmem:s1+$0x4A0];
	v8 =	vsub.f32 v8, v11;
	v14 =	vsub.f32 v14, v17  }
0x100: {  	v18 =	vmul.f32 v18, v18;
	v63 =	vld [tilespmem:s1+$0x44A0];
	v24 =	vadd.f32 v24, v30;
	v25 =	vadd.f32 v25, v31  }
0x101: {  	v19 =	vmul.f32 v19, v19;
	v58 =	vld [tilespmem:s1+$0x4480];
	v27 =	vadd.f32 v27, v33;
	v28 =	vadd.f32 v28, v34  }
0x102: {  	v21 =	vmul.f32 v21, v21;
	v11 =	vld [tilespmem:s1+$0xF0];
	v52 =	vsub.f32 v47, v54;
	v5 =	vsub.f32 v56, v5  }
0x103: {  	v22 =	vmul.f32 v22, v22;
	v17 =	vld [tilespmem:s1+$0x40F0];
	v30 =	vsub.f32 v59, v60;
	v18 =	vadd.f32 v18, v24  }
0x104: {  	v53 =	vld [tilespmem:s1+$0x4890];
	v16 =	vmul.f32 v16, v16;
	v19 =	vadd.f32 v19, v25;
	v21 =	vadd.f32 v21, v27  }
0x105: {  	v62 =	vmul.f32 v42, v42;
	v40 =	vld [tilespmem:s1+$0x4B0];
	v22 =	vadd.f32 v22, v28;
	v25 =	vsub.f32 v61, v63  }
0x106: {  	v0 =	vmul.f32 v0, v0;
	v42 =	vld [tilespmem:s1+$0x4C0];
	v12 =	vadd.f32 v12, v18;
	v13 =	vadd.f32 v13, v19  }
0x107: {  	s23 =	sand.u32 $0x7, s18;
	v34 =	vmul.f32 v44, v44;
	v44 =	vld [tilespmem:s1+$0x44F0];
	v15 =	vadd.f32 v15, v21;
	v16 =	vadd.f32 v16, v22  }
0x108: {  	s0 =	sshll.u32 s23, $0x7;
	v54 =	vld [tilespmem:s1+$0x8A0];
	v18 =	vmul.f32 v55, v55;
	v11 =	vsub.f32 v11, v17;
	v55 =	vsub.f32 v57, v58  }
0x109: {  	s0 =	sadd.s32 $0x0, s0;
	v8 =	vmul.f32 v8, v8;
	v56 =	vld [tilespmem:s1+$0x48A0];
	v6 =	vadd.f32 v6, v12;
	v7 =	vadd.f32 v7, v13  }
0x10a: {  	s0 =	sadd.s32 $0x80, s0;
	v60 =	vld [tilespmem:s1+$0x48C0];
	v9 =	vadd.f32 v9, v15;
	v10 =	vadd.f32 v10, v16;
	v13 =	vmul.f32 v14, v14  }
0x10b: {  	s24 =	sor.u32 $0xC00, s0;
	v61 =	vld [tilespmem:s1+$0x48D0];
	v6 =	vadd.f32 v18, v6;
	v0 =	vadd.f32 v0, v7;
	v7 =	vmul.f32 v46, v46  }
0x10c: {  	v63 =	vld [tilespmem:s24+$0x80];
	v8 =	vadd.f32 v8, v9;
	v9 =	vadd.f32 v13, v10;
	v10 =	vmul.f32 v48, v48  }
0x10d: {  	v19 =	vld [tilespmem:s1+$0x44B0];
	v6 =	vadd.f32 v62, v6;
	v0 =	vadd.f32 v34, v0  }
0x10e: {  	v12 =	vld [tilespmem:s1+$0x44C0];
	v7 =	vadd.f32 v7, v8;
	v8 =	vadd.f32 v10, v9  }
0x10f: {  	v5 =	vmul.f32 v5, v5;
	v14 =	vld [tilespmem:s1+$0x4D0];
	v18 =	vsub.f32 v26, v29;
	v46 =	vsub.f32 v38, v41  }
0x110: {  	v17 =	vmul.f32 v52, v52;
	v15 =	vld [tilespmem:s1+$0x44D0];
	v0 =	vadd.f32 v0, v6;
	v6 =	vadd.f32 v8, v7  }
0x111: {  	v16 =	vld [tilespmem:s1+$0x44E0];
	v11 =	vmul.f32 v11, v11;
	v10 =	vsub.f32 v20, v23;
	v8 =	vsub.f32 v32, v35  }
0x112: {  	v13 =	vld [tilespmem:s1+$0x4E0];
	v22 =	vmul.f32 v46, v46;
	v0 =	vadd.f32 v6, v0;
	v6 =	vsub.f32 v43, v45  }
0x113: {  	v9 =	vld [tilespmem:s1+$0x4F0];
	v18 =	vmul.f32 v18, v18;
	v12 =	vsub.f32 v42, v12;
	v8 =	vmul.f32 v8, v8  }
0x114: {  	v48 =	vld [tilespmem:s1+$0x4880];
	v10 =	vmul.f32 v10, v10;
	v11 =	vadd.f32 v11, v22;
	v6 =	vmul.f32 v6, v6  }
0x115: {  	v58 =	vmul.f32 v30, v30;
	v7 =	vld [tilespmem:s1+$0x880];
	v5 =	vadd.f32 v5, v8;
	v8 =	vsub.f32 v40, v19  }
0x116: {  	v57 =	vld [tilespmem:s1+$0x8B0];
	v6 =	vadd.f32 v6, v10;
	v10 =	vadd.f32 v17, v18;
	v18 =	vmul.f32 v55, v55  }
0x117: {  	v62 =	vld [tilespmem:s1+$0x48F0];
	v13 =	vsub.f32 v13, v16;
	v16 =	vsub.f32 v50, v53;
	v8 =	vmul.f32 v8, v8  }
0x118: {  	v59 =	vmul.f32 v25, v25;
	v9 =	vsub.f32 v9, v44;
	v17 =	vld [tilespmem:s1+$0x48B0];
	v6 =	vadd.f32 v18, v6  }
0x119: {  	v8 =	vadd.f32 v8, v11;
	v11 =	vmul.f32 v12, v12;
	v12 =	vsub.f32 v14, v15;
	v14 =	vld [tilespmem:s1+$0x8E0]  }
0x11a: {  	v13 =	vmul.f32 v13, v13;
	v7 =	vsub.f32 v7, v48;
	v5 =	vadd.f32 v59, v5;
	v15 =	vld [tilespmem:s1+$0x48E0]  }
0x11b: {  	v19 =	vld [tilespmem:s1+$0x8C0];
	v10 =	vadd.f32 v58, v10;
	v6 =	vadd.f32 v11, v6;
	v11 =	vmul.f32 v12, v12  }
0x11c: {  	v9 =	vmul.f32 v9, v9;
	v7 =	vmul.f32 v7, v7;
	v18 =	vld [tilespmem:s1+$0x8D0];
	v5 =	vadd.f32 v13, v5  }
0x11d: {  	v12 =	vld [tilespmem:s1+$0x8F0];
	v10 =	vadd.f32 v11, v10;
	v11 =	vsub.f32 v54, v56  }
0x11e: {  	s25 =	sor.u32 $0xC10, s0;
	v13 =	vld [tilespmem:s24+$0x4080];
	v8 =	vadd.f32 v9, v8;
	v9 =	vmul.f32 v16, v16;
	v6 =	vadd.f32 v7, v6  }
0x11f: {  	v16 =	vld [tilespmem:s25+$0x80];
	v14 =	vsub.f32 v14, v15;
	v7 =	vmul.f32 v11, v11;
	v11 =	vsub.f32 v57, v17  }
0x120: {  	s26 =	sor.u32 $0xC20, s0;
	v9 =	vadd.f32 v9, v10;
	v10 =	vsub.f32 v19, v60;
	v17 =	vld [tilespmem:s25+$0x4080]  }
0x121: {  	v15 =	vld [tilespmem:s26+$0x4080];
	v5 =	vadd.f32 v7, v5;
	v7 =	vmul.f32 v11, v11;
	v11 =	vsub.f32 v18, v61  }
0x122: {  	s29 =	sor.u32 $0xC30, s0;
	v12 =	vsub.f32 v12, v62;
	v18 =	vld [tilespmem:s26+$0x80];
	v19 =	vmul.f32 v10, v10  }
0x123: {  	v10 =	vld [tilespmem:s29+$0x80];
	v7 =	vadd.f32 v7, v8;
	v8 =	vmul.f32 v11, v11;
	v11 =	vsub.f32 v63, v13  }
0x124: {  	s30 =	sor.u32 $0xC40, s0;
	v14 =	vmul.f32 v14, v14;
	v12 =	vmul.f32 v12, v12;
	v6 =	vadd.f32 v19, v6;
	v13 =	vld [tilespmem:s29+$0x4080]  }
0x125: {  	s7 =	simm.s32 $0x2;
	v16 =	vsub.f32 v16, v17;
	v9 =	vadd.f32 v8, v9;
	v19 =	vmul.f32 v11, v11;
	v11 =	vld [tilespmem:s30+$0x80]  }
0x126: {  	s31 =	simm.s32 $0x0;
	s16 =	simm.s32 $0x0;
	s12 =	sor.u32 $0xC50, s0;
	v8 =	vadd.f32 v14, v5;
	v7 =	vadd.f32 v12, v7;
	v14 =	vld [tilespmem:s30+$0x4080]  }
0x127: {  	s11 =	sor.u32 $0xC60, s0;
	s10 =	sor.u32 $0xC70, s0;
	[tilespmem:s16+$0x8580] =	vst v0;
	s1 =	simm.s32 $0x0;
	v12 =	vld [tilespmem:s12+$0x80];
	v16 =	vmul.f32 v16, v16;
	v15 =	vsub.f32 v18, v15;
	v6 =	vadd.f32 v19, v6  }
.LBB2_3:
0x128: {  	s0 =	sand.u32 $0x7, s7;
	v0 =	vld [tilespmem:s12+$0x4080]  }
0x129: {  	s19 =	sadd.s32 $0x100, s19;
	s0 =	sshll.u32 s0, $0x7;
	v5 =	vadd.f32 v16, v9;
	v9 =	vmul.f32 v15, v15;
	v10 =	vsub.f32 v10, v13;
	v13 =	vld [tilespmem:s11+$0x80]  }
0x12a: {  	s18 =	sadd.s32 $0x400, s18;
	s3 =	sadd.s32 $0xFFFFFF80, s19;
	s4 =	sand.u32 $0x380, s19;
	v15 =	vld [tilespmem:s11+$0x4080]  }
0x12b: {  	s8 =	sadd.s32 s18, s0;
	s11 =	sand.u32 $0x1000, s18;
	s0 =	sand.u32 $0x300, s3;
	v8 =	vadd.f32 v9, v8;
	v9 =	vmul.f32 v10, v10;
	v10 =	vsub.f32 v11, v14;
	v11 =	vld [tilespmem:s10+$0x80]  }
0x12c: {  	s0 =	sor.u32 s0, s11;
	s14 =	sor.u32 s11, s4;
	s20 =	sadd.s32 $0x80, s8;
	v14 =	vld [tilespmem:s10+$0x4080]  }
0x12d: {  	s15 =	sor.u32 $0xC00, s20;
	s13 =	sor.u32 $0xC10, s20;
	s8 =	sor.u32 $0xC20, s20;
	v16 =	vld [tilespmem:s0+$0x8C0];
	v7 =	vadd.f32 v9, v7;
	v9 =	vmul.f32 v10, v10;
	v0 =	vsub.f32 v12, v0  }
0x12e: {  	s4 =	sor.u32 $0xC30, s20;
	s3 =	sor.u32 $0xC40, s20;
	s12 =	sor.u32 $0xC50, s20;
	v10 =	vld [tilespmem:s0+$0x48C0]  }
0x12f: {  	s11 =	sor.u32 $0xC60, s20;
	s10 =	sor.u32 $0xC70, s20;
	v12 =	vld [tilespmem:s0+$0x8D0];
	v6 =	vadd.f32 v9, v6;
	v0 =	vmul.f32 v0, v0;
	v9 =	vsub.f32 v13, v15  }
0x130: {  	v13 =	vld [tilespmem:s0+$0x48D0]  }
0x131: {  	v15 =	vld [tilespmem:s0+$0x8E0];
	v0 =	vadd.f32 v0, v5;
	v5 =	vmul.f32 v9, v9;
	v9 =	vsub.f32 v11, v14  }
0x132: {  	v11 =	vld [tilespmem:s0+$0x48E0]  }
0x133: {  	v14 =	vld [tilespmem:s0+$0x8F0];
	v5 =	vadd.f32 v5, v8;
	v8 =	vmul.f32 v9, v9;
	v0 =	vadd.f32 v0, v6  }
0x134: {  	v6 =	vld [tilespmem:s0+$0x48F0]  }
0x135: {  	v9 =	vld [tilespmem:s0+$0x880];
	v7 =	vadd.f32 v8, v7  }
0x136: {  	v8 =	vld [tilespmem:s0+$0x4880]  }
0x137: {  	v17 =	vld [tilespmem:s0+$0x890];
	v5 =	vadd.f32 v7, v5  }
0x138: {  	v7 =	vld [tilespmem:s0+$0x4890]  }
0x139: {  	v18 =	vld [tilespmem:s0+$0x8A0];
	v0 =	vadd.f32 v5, v0  }
0x13a: {  	v5 =	vld [tilespmem:s0+$0x48A0]  }
0x13b: {  	v19 =	vld [tilespmem:s0+$0x8B0];
	[tilespmem:s16+$0x8600] =	vst v0  }
0x13c: {  	v0 =	vld [tilespmem:s0+$0x48B0]  }
0x13d: {  	v20 =	vld [tilespmem:s0+$0x4C0]  }
0x13e: {  	v21 =	vld [tilespmem:s0+$0x44C0]  }
0x13f: {  	v22 =	vld [tilespmem:s0+$0x4D0]  }
0x140: {  	v23 =	vld [tilespmem:s0+$0x44D0]  }
0x141: {  	v24 =	vld [tilespmem:s0+$0x4E0]  }
0x142: {  	v25 =	vld [tilespmem:s0+$0x44E0]  }
0x143: {  	v26 =	vld [tilespmem:s0+$0x4F0]  }
0x144: {  	v27 =	vld [tilespmem:s0+$0x44F0]  }
0x145: {  	v28 =	vld [tilespmem:s0+$0x480]  }
0x146: {  	v29 =	vld [tilespmem:s0+$0x4480]  }
0x147: {  	v30 =	vld [tilespmem:s0+$0x490]  }
0x148: {  	v31 =	vld [tilespmem:s0+$0x4490]  }
0x149: {  	v32 =	vld [tilespmem:s0+$0x4A0]  }
0x14a: {  	v33 =	vld [tilespmem:s0+$0x44A0]  }
0x14b: {  	v34 =	vld [tilespmem:s0+$0x4B0]  }
0x14c: {  	v35 =	vld [tilespmem:s0+$0x44B0]  }
0x14d: {  	v36 =	vld [tilespmem:s0+$0x80]  }
0x14e: {  	v37 =	vld [tilespmem:s0+$0x4080]  }
0x14f: {  	v38 =	vld [tilespmem:s0+$0x90]  }
0x150: {  	v39 =	vld [tilespmem:s0+$0x4090]  }
0x151: {  	v40 =	vld [tilespmem:s0+$0xA0]  }
0x152: {  	v41 =	vld [tilespmem:s0+$0x40A0]  }
0x153: {  	v42 =	vld [tilespmem:s0+$0xB0]  }
0x154: {  	v43 =	vld [tilespmem:s0+$0x40B0]  }
0x155: {  	v44 =	vld [tilespmem:s0+$0xC0]  }
0x156: {  	v45 =	vld [tilespmem:s0+$0x40C0]  }
0x157: {  	v46 =	vld [tilespmem:s0+$0xD0]  }
0x158: {  	s31 =	sadd.s32 $0x1, s31;
	v47 =	vld [tilespmem:s0+$0x40D0]  }
0x159: {  	s16 =	sand.u32 $0x3, s31;
	v48 =	vld [tilespmem:s0+$0xE0]  }
0x15a: {  	s16 =	sshll.u32 s16, $0x8;
	v49 =	vld [tilespmem:s0+$0x40E0]  }
0x15b: {  	s16 =	sadd.s32 s16, s18;
	v50 =	vld [tilespmem:s0+$0xF0]  }
0x15c: {  	v51 =	vld [tilespmem:s0+$0x40F0];
	s0 =	sor.u32 $0xC40, s16  }
0x15d: {  	v10 =	vsub.f32 v16, v10;
	v12 =	vsub.f32 v12, v13;
	v13 =	vld [tilespmem:s0+$0x80]  }
0x15e: {  	v11 =	vsub.f32 v15, v11;
	v6 =	vsub.f32 v14, v6;
	v14 =	vld [tilespmem:s0+$0x4080];
	s0 =	sor.u32 $0xC50, s16  }
0x15f: {  	v8 =	vsub.f32 v9, v8;
	v7 =	vsub.f32 v17, v7;
	v9 =	vld [tilespmem:s0+$0x80]  }
0x160: {  	v5 =	vsub.f32 v18, v5;
	v0 =	vsub.f32 v19, v0;
	v15 =	vld [tilespmem:s0+$0x4080];
	s0 =	sor.u32 $0xC60, s16  }
0x161: {  	v16 =	vsub.f32 v20, v21;
	v17 =	vsub.f32 v22, v23;
	v18 =	vld [tilespmem:s0+$0x80]  }
0x162: {  	v19 =	vsub.f32 v24, v25;
	v20 =	vsub.f32 v26, v27;
	v21 =	vld [tilespmem:s0+$0x4080];
	s0 =	sor.u32 $0xC70, s16  }
0x163: {  	v22 =	vsub.f32 v28, v29;
	v23 =	vsub.f32 v30, v31;
	v24 =	vld [tilespmem:s0+$0x80]  }
0x164: {  	s20 =	sor.u32 $0xC00, s16;
	v25 =	vsub.f32 v32, v33;
	v26 =	vsub.f32 v34, v35;
	v27 =	vld [tilespmem:s0+$0x4080]  }
0x165: {  	v28 =	vsub.f32 v36, v37;
	v29 =	vsub.f32 v38, v39;
	v30 =	vld [tilespmem:s20+$0x80]  }
0x166: {  	v31 =	vsub.f32 v40, v41;
	v32 =	vsub.f32 v42, v43;
	s0 =	sor.u32 $0xC10, s16;
	v33 =	vld [tilespmem:s20+$0x4080]  }
0x167: {  	s1 =	sadd.s32 $0x2, s1;
	v34 =	vsub.f32 v44, v45;
	v35 =	vsub.f32 v46, v47;
	v36 =	vld [tilespmem:s0+$0x80]  }
0x168: {  	p1 =	slt.u32 s1, $0xE;
	v10 =	vmul.f32 v10, v10;
	v12 =	vmul.f32 v12, v12;
	v37 =	vsub.f32 v48, v49;
	v38 =	vld [tilespmem:s0+$0x4080];
	s0 =	sor.u32 $0xC20, s16  }
0x169: {  	v11 =	vmul.f32 v11, v11;
	v6 =	vmul.f32 v6, v6;
	v39 =	vsub.f32 v50, v51;
	v40 =	vld [tilespmem:s0+$0x80]  }
0x16a: {  	v8 =	vmul.f32 v8, v8;
	v7 =	vmul.f32 v7, v7;
	v13 =	vsub.f32 v13, v14;
	v41 =	vld [tilespmem:s0+$0x4080];
	s0 =	sor.u32 $0xC30, s16  }
0x16b: {  	v5 =	vmul.f32 v5, v5;
	v0 =	vmul.f32 v0, v0;
	v9 =	vsub.f32 v9, v15;
	v14 =	vld [tilespmem:s0+$0x80]  }
0x16c: {  	v15 =	vmul.f32 v16, v16;
	v16 =	vmul.f32 v17, v17;
	v18 =	vsub.f32 v18, v21;
	v17 =	vld [tilespmem:s0+$0x4080]  }
0x16d: {  	v21 =	vmul.f32 v22, v22;
	v22 =	vmul.f32 v23, v23;
	v23 =	vsub.f32 v24, v27;
	v24 =	vld [tilespmem:s14+$0x80]  }
0x16e: {  	v27 =	vmul.f32 v28, v28;
	v28 =	vmul.f32 v29, v29;
	v29 =	vsub.f32 v30, v33;
	v30 =	vld [tilespmem:s14+$0x4080]  }
0x16f: {  	v31 =	vmul.f32 v31, v31;
	v32 =	vmul.f32 v32, v32;
	v33 =	vsub.f32 v36, v38;
	v36 =	vld [tilespmem:s14+$0x90]  }
0x170: {  	v34 =	vmul.f32 v34, v34;
	v35 =	vmul.f32 v35, v35;
	v38 =	vsub.f32 v40, v41;
	v40 =	vld [tilespmem:s14+$0x4090]  }
0x171: {  	v37 =	vmul.f32 v37, v37;
	v39 =	vmul.f32 v39, v39;
	v14 =	vsub.f32 v14, v17;
	v17 =	vld [tilespmem:s14+$0xA0]  }
0x172: {  	v25 =	vmul.f32 v25, v25;
	v27 =	vadd.f32 v34, v27;
	v28 =	vadd.f32 v35, v28;
	v34 =	vld [tilespmem:s14+$0x40A0]  }
0x173: {  	v26 =	vmul.f32 v26, v26;
	v31 =	vadd.f32 v37, v31;
	v32 =	vadd.f32 v39, v32;
	v35 =	vld [tilespmem:s14+$0xB0]  }
0x174: {  	v19 =	vmul.f32 v19, v19;
	v21 =	vadd.f32 v21, v27;
	v22 =	vadd.f32 v22, v28;
	v27 =	vld [tilespmem:s14+$0x40B0]  }
0x175: {  	v20 =	vmul.f32 v20, v20;
	v25 =	vadd.f32 v25, v31;
	v26 =	vadd.f32 v26, v32;
	v28 =	vld [tilespmem:s14+$0xC0]  }
0x176: {  	v13 =	vmul.f32 v13, v13;
	v15 =	vadd.f32 v15, v21;
	v16 =	vadd.f32 v16, v22;
	v21 =	vld [tilespmem:s14+$0x40C0]  }
0x177: {  	v19 =	vadd.f32 v19, v25;
	v9 =	vmul.f32 v9, v9;
	v20 =	vadd.f32 v20, v26;
	v22 =	vld [tilespmem:s14+$0xD0]  }
0x178: {  	v8 =	vadd.f32 v8, v15;
	v7 =	vadd.f32 v7, v16;
	v15 =	vmul.f32 v29, v29;
	v16 =	vld [tilespmem:s14+$0x40D0]  }
0x179: {  	v5 =	vadd.f32 v5, v19;
	v0 =	vadd.f32 v0, v20;
	v19 =	vmul.f32 v33, v33;
	v20 =	vld [tilespmem:s14+$0xE0]  }
0x17a: {  	v8 =	vadd.f32 v10, v8;
	v7 =	vadd.f32 v12, v7;
	v10 =	vmul.f32 v38, v38;
	v12 =	vld [tilespmem:s14+$0x40E0]  }
0x17b: {  	v5 =	vadd.f32 v11, v5;
	v0 =	vadd.f32 v6, v0;
	v6 =	vmul.f32 v14, v14;
	v11 =	vld [tilespmem:s14+$0xF0]  }
0x17c: {  	v14 =	vmul.f32 v18, v18;
	v8 =	vadd.f32 v15, v8;
	v7 =	vadd.f32 v19, v7;
	v15 =	vld [tilespmem:s14+$0x40F0]  }
0x17d: {  	v5 =	vadd.f32 v10, v5;
	v0 =	vadd.f32 v6, v0;
	v6 =	vmul.f32 v23, v23;
	v10 =	vld [tilespmem:s14+$0x480]  }
0x17e: {  	v8 =	vadd.f32 v13, v8;
	v7 =	vadd.f32 v9, v7;
	v9 =	vld [tilespmem:s14+$0x4480]  }
0x17f: {  	v5 =	vadd.f32 v14, v5;
	v0 =	vadd.f32 v6, v0;
	v6 =	vld [tilespmem:s14+$0x490]  }
0x180: {  	v13 =	vsub.f32 v24, v30;
	v14 =	vsub.f32 v36, v40;
	v18 =	vld [tilespmem:s14+$0x4490]  }
0x181: {  	v7 =	vadd.f32 v7, v8;
	v0 =	vadd.f32 v0, v5;
	v5 =	vld [tilespmem:s14+$0x4A0]  }
0x182: {  	v8 =	vmul.f32 v13, v13;
	v13 =	vsub.f32 v17, v34;
	v17 =	vsub.f32 v35, v27;
	v19 =	vld [tilespmem:s14+$0x44A0]  }
0x183: {  	v0 =	vadd.f32 v0, v7;
	v7 =	vmul.f32 v14, v14;
	v14 =	vsub.f32 v28, v21;
	v21 =	vld [tilespmem:s14+$0x4B0]  }
0x184: {  	s16 =	sshra.s32 s18, $0x2;
	v13 =	vmul.f32 v13, v13;
	v16 =	vsub.f32 v22, v16;
	v12 =	vsub.f32 v20, v12;
	v20 =	vld [tilespmem:s14+$0x44B0]  }
0x185: {  	v14 =	vmul.f32 v14, v14;
	v11 =	vsub.f32 v11, v15;
	[tilespmem:s16+$0x8580] =	vst v0;
	v0 =	vmul.f32 v17, v17;
	v15 =	vld [tilespmem:s14+$0x4C0]  }
0x186: {  	v16 =	vmul.f32 v16, v16;
	v12 =	vmul.f32 v12, v12;
	v9 =	vsub.f32 v10, v9;
	v10 =	vld [tilespmem:s14+$0x44C0]  }
0x187: {  	v11 =	vmul.f32 v11, v11;
	v6 =	vsub.f32 v6, v18;
	v5 =	vsub.f32 v5, v19;
	v17 =	vld [tilespmem:s14+$0x4D0]  }
0x188: {  	v8 =	vadd.f32 v14, v8;
	v7 =	vadd.f32 v16, v7;
	v9 =	vmul.f32 v9, v9;
	v14 =	vld [tilespmem:s14+$0x44D0]  }
0x189: {  	v12 =	vadd.f32 v12, v13;
	v6 =	vmul.f32 v6, v6;
	v13 =	vsub.f32 v21, v20;
	v16 =	vld [tilespmem:s14+$0x4E0]  }
0x18a: {  	v0 =	vadd.f32 v11, v0;
	v8 =	vadd.f32 v9, v8;
	v5 =	vmul.f32 v5, v5;
	v9 =	vld [tilespmem:s14+$0x44E0]  }
0x18b: {  	v6 =	vadd.f32 v6, v7;
	v7 =	vmul.f32 v13, v13;
	v10 =	vsub.f32 v15, v10;
	v11 =	vld [tilespmem:s14+$0x4F0]  }
0x18c: {  	v5 =	vadd.f32 v5, v12;
	v12 =	vld [tilespmem:s14+$0x44F0]  }
0x18d: {  	v0 =	vadd.f32 v7, v0;
	v7 =	vmul.f32 v10, v10;
	v10 =	vsub.f32 v17, v14;
	v13 =	vld [tilespmem:s14+$0x880]  }
0x18e: {  	v14 =	vld [tilespmem:s14+$0x4880]  }
0x18f: {  	v7 =	vadd.f32 v7, v8;
	v8 =	vmul.f32 v10, v10;
	v9 =	vsub.f32 v16, v9;
	v10 =	vld [tilespmem:s14+$0x890]  }
0x190: {  	v15 =	vld [tilespmem:s14+$0x4890]  }
0x191: {  	v6 =	vadd.f32 v8, v6;
	v8 =	vmul.f32 v9, v9;
	v9 =	vsub.f32 v11, v12;
	v11 =	vld [tilespmem:s14+$0x8A0]  }
0x192: {  	v12 =	vld [tilespmem:s14+$0x48A0]  }
0x193: {  	v5 =	vadd.f32 v8, v5;
	v8 =	vmul.f32 v9, v9;
	v9 =	vsub.f32 v13, v14;
	v13 =	vld [tilespmem:s14+$0x8B0]  }
0x194: {  	v14 =	vld [tilespmem:s14+$0x48B0]  }
0x195: {  	v0 =	vadd.f32 v8, v0;
	v8 =	vmul.f32 v9, v9;
	v9 =	vsub.f32 v10, v15;
	v10 =	vld [tilespmem:s14+$0x8C0]  }
0x196: {  	v15 =	vld [tilespmem:s14+$0x48C0]  }
0x197: {  	v7 =	vadd.f32 v8, v7;
	v8 =	vmul.f32 v9, v9;
	v9 =	vsub.f32 v11, v12;
	v11 =	vld [tilespmem:s14+$0x8D0]  }
0x198: {  	v12 =	vld [tilespmem:s14+$0x48D0]  }
0x199: {  	v6 =	vadd.f32 v8, v6;
	v8 =	vmul.f32 v9, v9;
	v9 =	vsub.f32 v13, v14;
	v13 =	vld [tilespmem:s14+$0x8E0]  }
0x19a: {  	v14 =	vld [tilespmem:s14+$0x48E0]  }
0x19b: {  	v5 =	vadd.f32 v8, v5;
	v8 =	vmul.f32 v9, v9;
	v9 =	vsub.f32 v10, v15;
	v10 =	vld [tilespmem:s14+$0x8F0]  }
0x19c: {  	v15 =	vld [tilespmem:s14+$0x48F0]  }
0x19d: {  	v0 =	vadd.f32 v8, v0;
	v8 =	vmul.f32 v9, v9;
	v9 =	vsub.f32 v11, v12;
	v11 =	vld [tilespmem:s15+$0x80]  }
0x19e: {  	v12 =	vld [tilespmem:s15+$0x4080]  }
0x19f: {  	v16 =	vadd.f32 v8, v7;
	v7 =	vmul.f32 v9, v9;
	v8 =	vsub.f32 v13, v14;
	v14 =	vld [tilespmem:s13+$0x80]  }
0x1a0: {  	v17 =	vld [tilespmem:s13+$0x4080]  }
0x1a1: {  	v9 =	vadd.f32 v7, v6;
	v6 =	vmul.f32 v8, v8;
	v7 =	vsub.f32 v10, v15;
	v15 =	vld [tilespmem:s8+$0x80]  }
0x1a2: {  	v18 =	vld [tilespmem:s8+$0x4080]  }
.Ltmp2:
0x1a3: {  	v8 =	vadd.f32 v6, v5;
	v5 =	vmul.f32 v7, v7;
	v6 =	vsub.f32 v11, v12;
	v10 =	vld [tilespmem:s4+$0x80];
	(pc) =	sbr.rel @p1 .LBB2_3-.Ltmp2, $4  }
0x1a4: {  	v13 =	vld [tilespmem:s4+$0x4080]  }
0x1a5: {  	v7 =	vadd.f32 v5, v0;
	v0 =	vmul.f32 v6, v6;
	v5 =	vsub.f32 v14, v17;
	v11 =	vld [tilespmem:s3+$0x80]  }
0x1a6: {  	v14 =	vld [tilespmem:s3+$0x4080]  }
0x1a7: {  	s7 =	sadd.s32 $0x2, s7;
	v6 =	vadd.f32 v0, v16;
	v16 =	vmul.f32 v5, v5;
	v15 =	vsub.f32 v15, v18;
	v12 =	vld [tilespmem:s12+$0x80]  }
0x1a8: {  	v0 =	vld [tilespmem:s12+$0x4080]  }
0x1a9: {  	v5 =	vld [tilespmem:s11+$0x80]  }
0x1aa: {  	v17 =	vld [tilespmem:s11+$0x4080]  }
0x1ab: {  	v18 =	vld [tilespmem:s10+$0x80]  }
0x1ac: {  	v19 =	vld [tilespmem:s10+$0x4080];
	_ =	sdelay $0x2  }
0x1ad: {  	v9 =	vadd.f32 v16, v9;
	v10 =	vsub.f32 v10, v13  }
0x1ae: {  	v50 =	vmul.f32 v15, v15;
	v11 =	vsub.f32 v11, v14;
	v0 =	vsub.f32 v12, v0  }
0x1af: {  	v10 =	vmul.f32 v10, v10;
	v5 =	vsub.f32 v5, v17;
	v51 =	vsub.f32 v18, v19  }
0x1b0: {  	v8 =	vadd.f32 v50, v8;
	v11 =	vmul.f32 v11, v11;
	v0 =	vmul.f32 v0, v0  }
0x1b1: {  	v7 =	vadd.f32 v10, v7;
	v5 =	vmul.f32 v5, v5;
	v52 =	vmul.f32 v51, v51  }
0x1b2: {  	v11 =	vadd.f32 v11, v6;
	v0 =	vadd.f32 v0, v9  }
0x1b3: {  	v1 =	vlaneseq.u32;
	v5 =	vadd.f32 v5, v8;
	v7 =	vadd.f32 v52, v7  }
0x1b4: {  	v6 =	vmul.u32 $0x80, v1  }
0x1b5: {  	v0 =	vadd.f32 v0, v11;
	v5 =	vadd.f32 v7, v5;
	_ =	sdelay $0x1  }
0x1b6: {  	v1 =	vor.u32 $0x1, v6;
	v0 =	vadd.f32 v5, v0;
	_ =	sdelay $0x1  }
0x1b7: {  	v2 =	vor.u32 $0x2, v6;
	[tilespmem:s16+$0x8600] =	vst v0  }
0x1b8: {  	v0 =	vld.idx.msk [tilespmem:v6+s28+$0x0], $0xffff  }
0x1b9: {  	v3 =	vor.u32 $0x3, v6  }
0x1ba: {  	v5 =	vld.idx.msk [tilespmem:v1+s28+$0x0], $0xffff  }
0x1bb: {  	v53 =	vor.u32 $0x4, v6  }
0x1bc: {  	v54 =	vld.idx.msk [tilespmem:v2+s28+$0x0], $0xffff  }
0x1bd: {  	v55 =	vor.u32 $0x5, v6;
	v0 =	vadd.f32 $0.0e+00, v0  }
0x1be: {  	v56 =	vld.idx.msk [tilespmem:v3+s28+$0x0], $0xffff  }
0x1bf: {  	v57 =	vor.u32 $0x6, v6;
	v0 =	vadd.f32 v5, v0  }
0x1c0: {  	v5 =	vld.idx.msk [tilespmem:v53+s28+$0x0], $0xffff  }
0x1c1: {  	v58 =	vor.u32 $0x7, v6;
	v0 =	vadd.f32 v54, v0  }
0x1c2: {  	v16 =	vld.idx.msk [tilespmem:v55+s28+$0x0], $0xffff  }
0x1c3: {  	v59 =	vor.u32 $0x8, v6;
	v0 =	vadd.f32 v56, v0  }
0x1c4: {  	v17 =	vld.idx.msk [tilespmem:v57+s28+$0x0], $0xffff  }
0x1c5: {  	v60 =	vor.u32 $0x9, v6;
	v0 =	vadd.f32 v5, v0  }
0x1c6: {  	v5 =	vld.idx.msk [tilespmem:v58+s28+$0x0], $0xffff  }
0x1c7: {  	v61 =	vor.u32 $0xA, v6;
	v0 =	vadd.f32 v16, v0  }
0x1c8: {  	v19 =	vld.idx.msk [tilespmem:v59+s28+$0x0], $0xffff  }
0x1c9: {  	v62 =	vor.u32 $0xB, v6;
	v0 =	vadd.f32 v17, v0  }
0x1ca: {  	v20 =	vld.idx.msk [tilespmem:v60+s28+$0x0], $0xffff  }
0x1cb: {  	v18 =	vor.u32 $0xC, v6;
	v0 =	vadd.f32 v5, v0  }
0x1cc: {  	v5 =	vld.idx.msk [tilespmem:v61+s28+$0x0], $0xffff  }
0x1cd: {  	v0 =	vadd.f32 v19, v0;
	v19 =	vor.u32 $0xD, v6  }
0x1ce: {  	v22 =	vld.idx.msk [tilespmem:v62+s28+$0x0], $0xffff  }
0x1cf: {  	v0 =	vadd.f32 v20, v0;
	v20 =	vor.u32 $0xE, v6  }
0x1d0: {  	v23 =	vld.idx.msk [tilespmem:v18+s28+$0x0], $0xffff  }
0x1d1: {  	v21 =	vor.u32 $0xF, v6;
	v0 =	vadd.f32 v5, v0  }
0x1d2: {  	v5 =	vld.idx.msk [tilespmem:v19+s28+$0x0], $0xffff  }
0x1d3: {  	v0 =	vadd.f32 v22, v0  }
0x1d4: {  	v22 =	vld.idx.msk [tilespmem:v20+s28+$0x0], $0xffff  }
0x1d5: {  	v0 =	vadd.f32 v23, v0  }
0x1d6: {  	v23 =	vld.idx.msk [tilespmem:v21+s28+$0x0], $0xffff  }
0x1d7: {  	v0 =	vadd.f32 v5, v0;
	_ =	sdelay $0x1  }
0x1d8: {  	v0 =	vadd.f32 v22, v0;
	_ =	sdelay $0x1  }
0x1d9: {  	v0 =	vadd.f32 v23, v0;
	_ =	sdelay $0x1  }
0x1da: {  	v5 =	vmax.f32 v0, $1.000000000e-30  }
0x1db: {  	v22 =	vshra.s32 v5, $0x1;
	v5 =	vmul.f32 $5.000000000e-01, v5  }
0x1dc: {  	v22 =	vsub.s32 $0x5F3759DF, v22  }
0x1dd: {  	v23 =	vmul.f32 v22, v5;
	_ =	sdelay $0x1  }
0x1de: {  	v23 =	vmul.f32 v22, v23;
	_ =	sdelay $0x1  }
0x1df: {  	v23 =	vsub.f32 $1.500000000e+00, v23;
	_ =	sdelay $0x1  }
0x1e0: {  	v22 =	vmul.f32 v22, v23;
	_ =	sdelay $0x1  }
0x1e1: {  	v23 =	vmul.f32 v22, v5;
	_ =	sdelay $0x1  }
0x1e2: {  	v23 =	vmul.f32 v23, v22;
	_ =	sdelay $0x1  }
0x1e3: {  	v23 =	vsub.f32 $1.500000000e+00, v23;
	_ =	sdelay $0x1  }
0x1e4: {  	v22 =	vmul.f32 v23, v22;
	_ =	sdelay $0x1  }
0x1e5: {  	v5 =	vmul.f32 v22, v5;
	_ =	sdelay $0x1  }
0x1e6: {  	v5 =	vmul.f32 v5, v22;
	_ =	sdelay $0x1  }
0x1e7: {  	v5 =	vsub.f32 $1.500000000e+00, v5;
	_ =	sdelay $0x1  }
0x1e8: {  	s18 =	sshll.u32 s17, $0x5;
	p1 =	seq.s32 s17, $0x3;
	v5 =	vmul.f32 v5, v22  }
0x1e9: {  	s0 =	sadd.s32 @!p1 $0x20, s18  }
0x1ea: {  	s0 =	sadd.s32 @!p1 s6, s0;
	v0 =	vmul.f32 v5, v0  }
0x1eb: {  	s1 =	rddreg [dreg:$0x0];
	s19 =	sand.u32 $0x3FFFFFE0, s18;
	s0 =	sshll.u32 @!p1 s0, $0x6  }
0x1ec: {  	s3 =	simm.s32 @!p1 $0x80;
	s0 =	sadd.s32 @!p1 s1, s0;
	s1 =	simm.s32 @!p1 $0x0;
	[tilespmem:s19+$0x8080] =	vst v0  }
0x1ed: {  	[tilespmem:s3], [sflag:$0x1] =	stream.linear.gather @!p1 [hbm4b:s0+s1], $0x2000, $0x38;
	[tilespmem:$0x8E00] =	vst v63  }
0x1ee: {  	v0 =	vld @!p1 [tilespmem:s18+$0x20];
	_ =	sdelay $0x4  }
0x1ef: {  	v5 =	vshll.u32 @!p1 v0, $0x2  }
0x1f0: {  	v22 =	vlaneseq.u32 @!p1;
	v0 =	vand.u32 @!p1 $0x7, v0;
	v5 =	vand.u32 @!p1 $0xFFFFFFE0, v5  }
0x1f1: {  	[tilespmem:$0x1FF20] =	vst v1;
	v23 =	vshrl.u32 @!p1 v22, $0x3;
	v0 =	vor.u32 @!p1 v0, v5;
	v5 =	vand.u32 @!p1 $0x7, v22  }
0x1f2: {  	[tilespmem:$0x1FF30] =	vst v2;
	v23 =	vmul.u32 @!p1 $0x8, v23;
	v5 =	vperm.xlane @!p1 v0, v5  }
0x1f3: {  	[tilespmem:$0x1FF40] =	vst v3  }
0x1f4: {  	[tilespmem:$0x1FF50] =	vst v53;
	v5 =	vadd.s32 @!p1 v23, v5  }
0x1f5: {  	[tilespmem:$0x1FF60] =	vst v55;
	v22 =	vor.u32 @!p1 $0x8, v22  }
0x1f6: {  	[tilespmem:$0x1FF70] =	vst v57;
	v0 =	vperm.xlane @!p1 v0, v22  }
0x1f7: {  	[tilespmem:$0x1FF80] =	vst v58  }
0x1f8: {  	vm1 =	vmmov @!p1 $0xffff;
	[tilespmem:$0x1FF90] =	vst v59;
	s0 =	simm.s32 @!p1 $0x4080;
	v0 =	vadd.s32 @!p1 v23, v0  }
0x1f9: {  	[tilespmem:s0], [sflag:$0x3] =	stream.indirect_vreg.gather @!p1 [hbm4b:s2+s1], $0x80, v5, vm1, $0xb8;
	[tilespmem:$0x8E00] =	vst v63  }
0x1fa: {  	[tilespmem:$0x1FFA0] =	vst v60;
	s0 =	simm.s32 @!p1 $0x4880  }
0x1fb: {  	[tilespmem:s0], [sflag:$0x3] =	stream.indirect_vreg.gather @!p1 [hbm4b:s9+s1], $0x80, v5, vm1, $0xb8;
	[tilespmem:$0x8E00] =	vst v63  }
0x1fc: {  	[tilespmem:$0x1FFB0] =	vst v61;
	s0 =	simm.s32 @!p1 $0x5080  }
0x1fd: {  	[tilespmem:s0], [sflag:$0x3] =	stream.indirect_vreg.gather @!p1 [hbm4b:s2+s1], $0x80, v0, vm1, $0xb8;
	[tilespmem:$0x8E00] =	vst v63  }
0x1fe: {  	s8 =	simm.s32 $0x2;
	[tilespmem:$0x1FFC0] =	vst v62;
	s0 =	simm.s32 @!p1 $0x5880  }
0x1ff: {  	[tilespmem:s0], [sflag:$0x3] =	stream.indirect_vreg.gather @!p1 [hbm4b:s9+s1], $0x80, v0, vm1, $0xb8;
	[tilespmem:$0x8E00] =	vst v63  }
0x200: {  	_ =	swait.ge [sflag:s8], $0x2000  }
0x201: {  	[sflag:s8] =	ssyncset.done $0x0  }
0x202: {  	s10 =	simm.s32 $0x4;
	[sflag:s8] =	ssyncadd.s32 $0xFFFFE000  }
0x203: {  	s31 =	simm.s32 $0x0;
	s11 =	simm.s32 $0x0;
	_ =	swait.ge [sflag:s10], $0x2000  }
0x204: {  	s12 =	sor.u32 s11, s31;
	[sflag:s10] =	ssyncset.done $0x0  }
0x205: {  	s13 =	sor.u32 $0x2C40, s12;
	[sflag:s10] =	ssyncadd.s32 $0xFFFFE000  }
0x206: {  	v0 =	vld [tilespmem:s13+$0x80]  }
0x207: {  	s14 =	sor.u32 $0x2C50, s12;
	v5 =	vld [tilespmem:s13+$0x4080]  }
0x208: {  	v22 =	vld [tilespmem:s14+$0x80]  }
0x209: {  	s15 =	sor.u32 $0x2C60, s12;
	v23 =	vld [tilespmem:s14+$0x4080]  }
0x20a: {  	v24 =	vld [tilespmem:s15+$0x80]  }
0x20b: {  	s16 =	sor.u32 $0x2C70, s12;
	v25 =	vld [tilespmem:s15+$0x4080]  }
0x20c: {  	v26 =	vld [tilespmem:s16+$0x80]  }
0x20d: {  	s4 =	sor.u32 $0x2C00, s12;
	v27 =	vld [tilespmem:s16+$0x4080]  }
0x20e: {  	v28 =	vld [tilespmem:s4+$0x80]  }
0x20f: {  	s20 =	sor.u32 $0x2C10, s12;
	v29 =	vld [tilespmem:s4+$0x4080]  }
0x210: {  	v30 =	vld [tilespmem:s20+$0x80]  }
0x211: {  	s21 =	sor.u32 $0x2C20, s12;
	v31 =	vld [tilespmem:s20+$0x4080]  }
0x212: {  	v32 =	vld [tilespmem:s21+$0x80]  }
0x213: {  	s22 =	sor.u32 $0x2C30, s12;
	v33 =	vld [tilespmem:s21+$0x4080]  }
0x214: {  	s23 =	sand.u32 $0x1000, s31;
	s1 =	sand.u32 $0x300, s11;
	v34 =	vld [tilespmem:s22+$0x80]  }
0x215: {  	s1 =	sor.u32 s1, s23;
	v35 =	vld [tilespmem:s22+$0x4080]  }
0x216: {  	v36 =	vld [tilespmem:s1+$0x28C0]  }
0x217: {  	v37 =	vld [tilespmem:s1+$0x68C0]  }
0x218: {  	v38 =	vld [tilespmem:s1+$0x28D0]  }
0x219: {  	v39 =	vld [tilespmem:s1+$0x68D0]  }
0x21a: {  	v40 =	vld [tilespmem:s1+$0x28E0]  }
0x21b: {  	v41 =	vld [tilespmem:s1+$0x68E0]  }
0x21c: {  	v42 =	vld [tilespmem:s1+$0x28F0]  }
0x21d: {  	v43 =	vld [tilespmem:s1+$0x68F0]  }
0x21e: {  	v44 =	vld [tilespmem:s1+$0x2880]  }
0x21f: {  	v45 =	vld [tilespmem:s1+$0x6880]  }
0x220: {  	v46 =	vld [tilespmem:s1+$0x2890]  }
0x221: {  	v47 =	vld [tilespmem:s1+$0x6890]  }
0x222: {  	v48 =	vld [tilespmem:s1+$0x28A0]  }
0x223: {  	v49 =	vld [tilespmem:s1+$0x68A0]  }
0x224: {  	v50 =	vld [tilespmem:s1+$0x28B0]  }
0x225: {  	v51 =	vld [tilespmem:s1+$0x68B0]  }
0x226: {  	v52 =	vld [tilespmem:s1+$0x2080]  }
0x227: {  	v53 =	vld [tilespmem:s1+$0x6080]  }
0x228: {  	v54 =	vld [tilespmem:s1+$0x2090]  }
0x229: {  	v55 =	vld [tilespmem:s1+$0x6090]  }
0x22a: {  	v56 =	vld [tilespmem:s1+$0x20A0]  }
0x22b: {  	v57 =	vld [tilespmem:s1+$0x60A0]  }
0x22c: {  	v58 =	vld [tilespmem:s1+$0x20B0]  }
0x22d: {  	v59 =	vld [tilespmem:s1+$0x60B0]  }
0x22e: {  	v60 =	vld [tilespmem:s1+$0x20C0]  }
0x22f: {  	v61 =	vld [tilespmem:s1+$0x60C0]  }
0x230: {  	v62 =	vld [tilespmem:s1+$0x20D0]  }
0x231: {  	v63 =	vld [tilespmem:s1+$0x60D0]  }
0x232: {  	s24 =	sand.u32 $0xFFFFF000, s31;
	v4 =	vld [tilespmem:s1+$0x20E0]  }
0x233: {  	s3 =	sadd.s32 $0x80, s24;
	v1 =	vld [tilespmem:s1+$0x60E0]  }
0x234: {  	s25 =	sadd.s32 $0xFFFFFF80, s3;
	v3 =	vld [tilespmem:s1+$0x20F0]  }
0x235: {  	s26 =	sor.u32 $0x2440, s25;
	v2 =	vld [tilespmem:s1+$0x60F0]  }
0x236: {  	v7 =	vld [tilespmem:s26+$0x80]  }
0x237: {  	s7 =	sor.u32 $0x2450, s25;
	v8 =	vld [tilespmem:s26+$0x4080]  }
0x238: {  	v9 =	vld [tilespmem:s7+$0x80]  }
0x239: {  	s29 =	sor.u32 $0x2460, s25;
	v10 =	vld [tilespmem:s7+$0x4080]  }
0x23a: {  	v11 =	vld [tilespmem:s29+$0x80]  }
0x23b: {  	s30 =	sor.u32 $0x2470, s25;
	v12 =	vld [tilespmem:s29+$0x4080]  }
0x23c: {  	v13 =	vld [tilespmem:s30+$0x80]  }
0x23d: {  	s8 =	sor.u32 $0x2400, s25;
	v14 =	vld [tilespmem:s30+$0x4080]  }
0x23e: {  	v15 =	vld [tilespmem:s8+$0x80]  }
0x23f: {  	s10 =	sor.u32 $0x2410, s25;
	v16 =	vld [tilespmem:s8+$0x4080]  }
0x240: {  	v17 =	vld [tilespmem:s10+$0x80]  }
0x241: {  	s8 =	sor.u32 $0x2420, s25;
	v0 =	vsub.f32 v0, v5;
	v5 =	vsub.f32 v22, v23;
	v22 =	vld [tilespmem:s10+$0x4080]  }
0x242: {  	v23 =	vsub.f32 v24, v25;
	v25 =	vld [tilespmem:s8+$0x80]  }
0x243: {  	s11 =	simm.s32 $0x80;
	s4 =	sor.u32 $0x2430, s25;
	v24 =	vsub.f32 v26, v27;
	v26 =	vsub.f32 v28, v29;
	v28 =	vld [tilespmem:s8+$0x4080]  }
0x244: {  	s12 =	sand.u32 $0x380, s11;
	v27 =	vsub.f32 v30, v31;
	v31 =	vld [tilespmem:s4+$0x80]  }
0x245: {  	s0 =	sor.u32 s23, s12;
	v30 =	vsub.f32 v34, v35;
	v34 =	vld [tilespmem:s4+$0x4080]  }
0x246: {  	v29 =	vsub.f32 v32, v33;
	v32 =	vsub.f32 v36, v37;
	v37 =	vld [tilespmem:s0+$0x2080]  }
0x247: {  	v35 =	vsub.f32 v40, v41;
	v40 =	vld [tilespmem:s0+$0x6080]  }
0x248: {  	v36 =	vsub.f32 v42, v43;
	v43 =	vld [tilespmem:s0+$0x2090]  }
0x249: {  	v33 =	vsub.f32 v38, v39;
	v39 =	vsub.f32 v46, v47;
	v46 =	vld [tilespmem:s0+$0x6090]  }
0x24a: {  	v41 =	vsub.f32 v48, v49;
	v49 =	vld [tilespmem:s0+$0x20A0]  }
0x24b: {  	v38 =	vsub.f32 v44, v45;
	v44 =	vsub.f32 v52, v53;
	v52 =	vld [tilespmem:s0+$0x60A0]  }
0x24c: {  	v42 =	vsub.f32 v50, v51;
	v2 =	vsub.f32 v3, v2;
	v3 =	vld [tilespmem:s0+$0x20B0]  }
0x24d: {  	v1 =	vsub.f32 v4, v1;
	v4 =	vsub.f32 v7, v8;
	v8 =	vld [tilespmem:s0+$0x60B0]  }
0x24e: {  	v47 =	vsub.f32 v56, v57;
	v56 =	vsub.f32 v11, v12;
	v11 =	vld [tilespmem:s0+$0x20C0]  }
0x24f: {  	s14 =	sor.u32 $0x2410, s3;
	v50 =	vsub.f32 v60, v61;
	v60 =	vsub.f32 v15, v16;
	v15 =	vld [tilespmem:s0+$0x60C0]  }
0x250: {  	v48 =	vsub.f32 v58, v59;
	v51 =	vld [tilespmem:s14+$0x80]  }
0x251: {  	v45 =	vsub.f32 v54, v55;
	v54 =	vld [tilespmem:s14+$0x4080]  }
0x252: {  	v57 =	vsub.f32 v13, v14;
	v61 =	vmul.f32 v48, v48;
	v48 =	vld [tilespmem:s0+$0x60E0]  }
0x253: {  	s15 =	sor.u32 $0x2420, s3;
	v63 =	vsub.f32 v62, v63;
	v58 =	vmul.f32 v44, v44;
	v62 =	vmul.f32 v50, v50;
	v50 =	vld [tilespmem:s0+$0x60F0]  }
0x254: {  	s16 =	sor.u32 $0x2430, s3;
	v7 =	vsub.f32 v9, v10;
	v59 =	vmul.f32 v45, v45;
	v10 =	vmul.f32 v57, v57;
	v57 =	vld [tilespmem:s15+$0x80]  }
0x255: {  	s20 =	sor.u32 $0x2440, s3;
	v16 =	vmul.f32 v47, v47;
	v14 =	vmul.f32 v60, v60;
	v60 =	vld [tilespmem:s16+$0x80]  }
0x256: {  	v63 =	vmul.f32 v63, v63;
	v53 =	vmul.f32 v38, v38;
	v38 =	vld [tilespmem:s20+$0x4080]  }
0x257: {  	v1 =	vmul.f32 v1, v1;
	v55 =	vmul.f32 v41, v41;
	v41 =	vld [tilespmem:s0+$0x2880]  }
0x258: {  	v2 =	vmul.f32 v2, v2;
	v4 =	vmul.f32 v4, v4;
	v45 =	vld [tilespmem:s0+$0x68A0]  }
0x259: {  	v7 =	vmul.f32 v7, v7;
	v12 =	vadd.f32 v62, v58;
	v13 =	vadd.f32 v63, v59;
	v63 =	vld [tilespmem:s16+$0x4080]  }
0x25a: {  	v1 =	vadd.f32 v1, v16;
	v2 =	vadd.f32 v2, v61;
	v62 =	vmul.f32 v36, v36;
	v36 =	vld [tilespmem:s20+$0x80]  }
0x25b: {  	v9 =	vmul.f32 v56, v56;
	v17 =	vsub.f32 v17, v22;
	v22 =	vld [tilespmem:s0+$0x20D0];
	v25 =	vsub.f32 v25, v28  }
0x25c: {  	v56 =	vmul.f32 v42, v42;
	v28 =	vld [tilespmem:s0+$0x60D0];
	v31 =	vsub.f32 v31, v34;
	v12 =	vadd.f32 v14, v12  }
0x25d: {  	v34 =	vld [tilespmem:s0+$0x20E0];
	v3 =	vsub.f32 v3, v8;
	v16 =	vmul.f32 v17, v17;
	v25 =	vmul.f32 v25, v25  }
0x25e: {  	v8 =	vld [tilespmem:s0+$0x6880];
	v42 =	vsub.f32 v11, v15;
	v31 =	vmul.f32 v31, v31;
	v4 =	vadd.f32 v4, v12  }
0x25f: {  	s13 =	sor.u32 $0x2400, s3;
	v26 =	vmul.f32 v26, v26;
	v17 =	vld [tilespmem:s0+$0x20F0];
	v13 =	vadd.f32 v16, v13;
	v1 =	vadd.f32 v25, v1  }
0x260: {  	v27 =	vmul.f32 v27, v27;
	v16 =	vld [tilespmem:s13+$0x80];
	v2 =	vadd.f32 v31, v2;
	v47 =	vsub.f32 v36, v38  }
0x261: {  	v29 =	vmul.f32 v29, v29;
	v25 =	vld [tilespmem:s13+$0x4080];
	v4 =	vadd.f32 v53, v4;
	v44 =	vsub.f32 v22, v28  }
0x262: {  	s1 =	sor.u32 s31, s11;
	v58 =	vmul.f32 v32, v32;
	v28 =	vld [tilespmem:s0+$0x6890];
	v7 =	vadd.f32 v7, v13;
	v1 =	vadd.f32 v9, v1  }
0x263: {  	s26 =	sor.u32 $0x2C30, s1;
	v31 =	vmul.f32 v39, v39;
	v2 =	vadd.f32 v10, v2;
	v9 =	vsub.f32 v51, v54;
	v51 =	vld [tilespmem:s0+$0x28F0]  }
0x264: {  	v0 =	vmul.f32 v0, v0;
	v10 =	vsub.f32 v60, v63;
	v60 =	vld [tilespmem:s26+$0x80];
	v4 =	vadd.f32 v58, v4  }
0x265: {  	v59 =	vmul.f32 v33, v33;
	v14 =	vsub.f32 v17, v50;
	v17 =	vld [tilespmem:s0+$0x28A0];
	v7 =	vadd.f32 v31, v7  }
0x266: {  	s21 =	sor.u32 $0x2450, s3;
	s22 =	sor.u32 $0x2460, s3;
	s3 =	sor.u32 $0x2470, s3;
	v61 =	vmul.f32 v35, v35;
	v31 =	vld [tilespmem:s15+$0x4080];
	v1 =	vadd.f32 v55, v1;
	v2 =	vadd.f32 v56, v2  }
0x267: {  	v4 =	vadd.f32 v26, v4;
	v26 =	vmul.f32 v30, v30;
	v30 =	vld [tilespmem:s3+$0x4080];
	v7 =	vadd.f32 v59, v7  }
0x268: {  	v3 =	vmul.f32 v3, v3;
	v22 =	vsub.f32 v34, v48;
	v1 =	vadd.f32 v61, v1;
	v61 =	vld [tilespmem:s26+$0x4080]  }
0x269: {  	v14 =	vmul.f32 v14, v14;
	v2 =	vadd.f32 v62, v2;
	v7 =	vadd.f32 v27, v7;
	v27 =	vld [tilespmem:s21+$0x80]  }
0x26a: {  	v5 =	vmul.f32 v5, v5;
	v16 =	vsub.f32 v16, v25;
	v1 =	vadd.f32 v29, v1;
	v29 =	vld [tilespmem:s21+$0x4080]  }
0x26b: {  	s24 =	sor.u32 $0x2C10, s1;
	v10 =	vmul.f32 v10, v10;
	v3 =	vadd.f32 v14, v3;
	v2 =	vadd.f32 v26, v2;
	v26 =	vld [tilespmem:s22+$0x80]  }
0x26c: {  	v23 =	vmul.f32 v23, v23;
	v0 =	vadd.f32 v0, v4;
	v12 =	vsub.f32 v17, v45;
	v17 =	vld [tilespmem:s24+$0x80]  }
0x26d: {  	v24 =	vmul.f32 v24, v24;
	v25 =	vsub.f32 v57, v31;
	v31 =	vld [tilespmem:s0+$0x28B0];
	v3 =	vadd.f32 v10, v3  }
0x26e: {  	v4 =	vadd.f32 v5, v7;
	v5 =	vld [tilespmem:s22+$0x4080];
	v1 =	vadd.f32 v23, v1  }
0x26f: {  	v15 =	vmul.f32 v44, v44;
	v2 =	vadd.f32 v24, v2;
	v7 =	vld [tilespmem:s3+$0x80];
	v23 =	vsub.f32 v37, v40  }
0x270: {  	v22 =	vmul.f32 v22, v22;
	v24 =	vsub.f32 v43, v46;
	v43 =	vld [tilespmem:s0+$0x2890];
	v32 =	vsub.f32 v60, v61  }
0x271: {  	v9 =	vmul.f32 v9, v9;
	v46 =	vld [tilespmem:s0+$0x68C0];
	v0 =	vadd.f32 v4, v0;
	v1 =	vadd.f32 v2, v1  }
0x272: {  	v4 =	vsub.f32 v49, v52;
	v23 =	vmul.f32 v23, v23;
	v24 =	vmul.f32 v24, v24;
	v49 =	vld [tilespmem:s0+$0x68E0]  }
0x273: {  	s23 =	sor.u32 $0x2C00, s1;
	v2 =	vsub.f32 v41, v8;
	v8 =	vld [tilespmem:s0+$0x68F0];
	v0 =	vadd.f32 v1, v0;
	v1 =	vmul.f32 v42, v42  }
0x274: {  	v52 =	vld [tilespmem:s23+$0x80];
	v48 =	vsub.f32 v27, v29;
	v4 =	vmul.f32 v4, v4;
	v15 =	vadd.f32 v15, v24  }
0x275: {  	v16 =	vmul.f32 v16, v16;
	v24 =	vld [tilespmem:s0+$0x28C0];
	v7 =	vsub.f32 v7, v30;
	v1 =	vadd.f32 v1, v23  }
0x276: {  	v14 =	vmul.f32 v47, v47;
	v5 =	vsub.f32 v26, v5;
	v23 =	vld [tilespmem:s0+$0x68B0];
	v4 =	vadd.f32 v22, v4  }
0x277: {  	v22 =	vld [tilespmem:s0+$0x28D0];
	v7 =	vmul.f32 v7, v7;
	v1 =	vadd.f32 v16, v1;
	v16 =	vmul.f32 v25, v25  }
0x278: {  	v50 =	vmul.f32 v48, v48;
	v11 =	vsub.f32 v43, v28;
	v9 =	vadd.f32 v9, v15;
	v25 =	vld [tilespmem:s0+$0x68D0]  }
0x279: {  	v27 =	vld [tilespmem:s0+$0x28E0];
	v5 =	vmul.f32 v5, v5;
	v3 =	vadd.f32 v7, v3;
	v4 =	vadd.f32 v16, v4  }
0x27a: {  	v2 =	vmul.f32 v2, v2;
	v7 =	vld [tilespmem:s24+$0x4080];
	v56 =	vsub.f32 v24, v46;
	v1 =	vadd.f32 v14, v1  }
0x27b: {  	s25 =	sor.u32 $0x2C20, s1;
	v54 =	vmul.f32 v12, v12;
	v9 =	vadd.f32 v50, v9;
	v16 =	vld [tilespmem:s23+$0x4080];
	v4 =	vadd.f32 v5, v4  }
0x27c: {  	v58 =	vld [tilespmem:s25+$0x4080];
	v53 =	vsub.f32 v31, v23;
	v59 =	vmul.f32 v56, v56;
	v1 =	vadd.f32 v2, v1  }
0x27d: {  	v57 =	vld [tilespmem:s25+$0x80];
	v5 =	vmul.f32 v11, v11;
	v2 =	vadd.f32 v54, v4;
	v4 =	vsub.f32 v22, v25  }
0x27e: {  	v8 =	vsub.f32 v51, v8;
	v10 =	vsub.f32 v27, v49;
	v55 =	vmul.f32 v53, v53  }
0x27f: {  	s29 =	sor.u32 $0x2C40, s1;
	v5 =	vadd.f32 v5, v9;
	v1 =	vadd.f32 v59, v1;
	v4 =	vmul.f32 v4, v4  }
0x280: {  	v26 =	vld [tilespmem:s29+$0x80];
	v62 =	vmul.f32 v10, v10;
	v7 =	vsub.f32 v17, v7;
	v14 =	vsub.f32 v52, v16  }
0x281: {  	s30 =	sor.u32 $0x2C50, s1;
	v28 =	vld [tilespmem:s29+$0x4080];
	v3 =	vadd.f32 v55, v3;
	v4 =	vadd.f32 v4, v5;
	v5 =	vmul.f32 v8, v8  }
0x282: {  	v30 =	vld [tilespmem:s30+$0x4080];
	v63 =	vmul.f32 v7, v7;
	v7 =	vsub.f32 v57, v58;
	v8 =	vmul.f32 v14, v14  }
0x283: {  	s11 =	sor.u32 $0x2C60, s1;
	s16 =	simm.s32 $0x0;
	v27 =	vld [tilespmem:s30+$0x80];
	v22 =	vadd.f32 v62, v2;
	v23 =	vadd.f32 v5, v3  }
0x284: {  	s7 =	simm.s32 $0x180;
	s10 =	sor.u32 $0x2C70, s1;
	s1 =	simm.s32 $0x0;
	v29 =	vld [tilespmem:s11+$0x80];
	[tilespmem:s16+$0x8580] =	vst v0;
	v31 =	vmul.f32 v7, v7;
	v24 =	vadd.f32 v8, v1;
	v25 =	vadd.f32 v63, v4  }
.LBB2_5:
0x285: {  	s14 =	sadd.s32 $0xFFFFFF80, s7;
	s0 =	sand.u32 $0x380, s7;
	v0 =	vld [tilespmem:s11+$0x4080];
	s31 =	sadd.s32 $0x400, s31  }
0x286: {  	s20 =	sor.u32 s14, s31;
	s21 =	sor.u32 s31, s7;
	v1 =	vadd.f32 v31, v22;
	v2 =	vmul.f32 v32, v32;
	v3 =	vsub.f32 v26, v28;
	v4 =	vld [tilespmem:s10+$0x80]  }
0x287: {  	s11 =	sor.u32 $0x2C40, s20;
	s15 =	sor.u32 $0x2C00, s21;
	s4 =	sor.u32 $0x2C10, s21;
	v5 =	vld [tilespmem:s10+$0x4080]  }
0x288: {  	s3 =	sor.u32 $0x2C20, s21;
	s8 =	sor.u32 $0x2C30, s21;
	s12 =	sor.u32 $0x2C40, s21;
	v22 =	vld [tilespmem:s11+$0x80];
	v2 =	vadd.f32 v2, v23;
	v3 =	vmul.f32 v3, v3;
	v7 =	vsub.f32 v27, v30  }
0x289: {  	s22 =	sor.u32 $0x2C50, s20;
	s13 =	sor.u32 $0x2C50, s21;
	v23 =	vld [tilespmem:s11+$0x4080];
	s11 =	sor.u32 $0x2C60, s21  }
0x28a: {  	s10 =	sor.u32 $0x2C70, s21;
	v8 =	vld [tilespmem:s22+$0x80];
	v3 =	vadd.f32 v3, v24;
	v7 =	vmul.f32 v7, v7;
	v0 =	vsub.f32 v29, v0  }
0x28b: {  	s21 =	sor.u32 $0x2C60, s20;
	v9 =	vld [tilespmem:s22+$0x4080]  }
0x28c: {  	v10 =	vld [tilespmem:s21+$0x80];
	v7 =	vadd.f32 v7, v25;
	v0 =	vmul.f32 v0, v0;
	v4 =	vsub.f32 v4, v5  }
0x28d: {  	v5 =	vld [tilespmem:s21+$0x4080];
	s21 =	sor.u32 $0x2C70, s20  }
0x28e: {  	v11 =	vld [tilespmem:s21+$0x80];
	v0 =	vadd.f32 v0, v1;
	v1 =	vmul.f32 v4, v4;
	v3 =	vadd.f32 v7, v3  }
0x28f: {  	s22 =	sor.u32 $0x2C00, s20;
	v4 =	vld [tilespmem:s21+$0x4080]  }
0x290: {  	v7 =	vld [tilespmem:s22+$0x80];
	v1 =	vadd.f32 v1, v2  }
0x291: {  	s21 =	sor.u32 $0x2C10, s20;
	v2 =	vld [tilespmem:s22+$0x4080]  }
0x292: {  	v12 =	vld [tilespmem:s21+$0x80];
	v0 =	vadd.f32 v1, v0  }
0x293: {  	v1 =	vld [tilespmem:s21+$0x4080];
	s21 =	sor.u32 $0x2C20, s20  }
0x294: {  	v13 =	vld [tilespmem:s21+$0x80];
	v0 =	vadd.f32 v0, v3  }
0x295: {  	s20 =	sor.u32 $0x2C30, s20;
	v3 =	vld [tilespmem:s21+$0x4080]  }
0x296: {  	s14 =	sand.u32 $0x300, s14;
	s21 =	sand.u32 $0x1000, s31;
	v14 =	vld [tilespmem:s20+$0x80];
	[tilespmem:s16+$0x8600] =	vst v0  }
0x297: {  	s16 =	sor.u32 s14, s21;
	s14 =	sor.u32 s21, s0;
	v0 =	vld [tilespmem:s20+$0x4080]  }
0x298: {  	v15 =	vld [tilespmem:s16+$0x28C0]  }
0x299: {  	v16 =	vld [tilespmem:s16+$0x68C0]  }
0x29a: {  	v17 =	vld [tilespmem:s16+$0x28D0]  }
0x29b: {  	v26 =	vld [tilespmem:s16+$0x68D0]  }
0x29c: {  	v27 =	vld [tilespmem:s16+$0x28E0]  }
0x29d: {  	v28 =	vld [tilespmem:s16+$0x68E0]  }
0x29e: {  	v29 =	vld [tilespmem:s16+$0x28F0]  }
0x29f: {  	v30 =	vld [tilespmem:s16+$0x68F0]  }
0x2a0: {  	v31 =	vld [tilespmem:s16+$0x2880]  }
0x2a1: {  	v32 =	vld [tilespmem:s16+$0x6880]  }
0x2a2: {  	v33 =	vld [tilespmem:s16+$0x2890]  }
0x2a3: {  	v34 =	vld [tilespmem:s16+$0x6890]  }
0x2a4: {  	v35 =	vld [tilespmem:s16+$0x28A0]  }
0x2a5: {  	v36 =	vld [tilespmem:s16+$0x68A0]  }
0x2a6: {  	v37 =	vld [tilespmem:s16+$0x28B0]  }
0x2a7: {  	v38 =	vld [tilespmem:s16+$0x68B0]  }
0x2a8: {  	v39 =	vld [tilespmem:s16+$0x2080]  }
0x2a9: {  	v40 =	vld [tilespmem:s16+$0x6080]  }
0x2aa: {  	v41 =	vld [tilespmem:s16+$0x2090]  }
0x2ab: {  	v42 =	vld [tilespmem:s16+$0x6090]  }
0x2ac: {  	v43 =	vld [tilespmem:s16+$0x20A0]  }
0x2ad: {  	v44 =	vld [tilespmem:s16+$0x60A0]  }
0x2ae: {  	v45 =	vld [tilespmem:s16+$0x20B0]  }
0x2af: {  	v46 =	vld [tilespmem:s16+$0x60B0]  }
0x2b0: {  	v47 =	vld [tilespmem:s16+$0x20C0]  }
0x2b1: {  	v48 =	vld [tilespmem:s16+$0x60C0]  }
0x2b2: {  	v49 =	vld [tilespmem:s16+$0x20D0]  }
0x2b3: {  	v50 =	vld [tilespmem:s16+$0x60D0]  }
0x2b4: {  	s0 =	sand.u32 $0xFFFFF000, s31;
	v51 =	vld [tilespmem:s16+$0x20E0]  }
0x2b5: {  	s20 =	sadd.s32 s0, s7;
	v52 =	vld [tilespmem:s16+$0x60E0]  }
0x2b6: {  	s26 =	sadd.s32 $0xFFFFFF80, s20;
	s25 =	sor.u32 $0x2400, s20;
	s0 =	sor.u32 $0x2410, s20;
	v53 =	vld [tilespmem:s16+$0x20F0]  }
0x2b7: {  	s24 =	sor.u32 $0x2430, s20;
	s29 =	sor.u32 $0x2440, s26;
	v54 =	vld [tilespmem:s16+$0x60F0];
	s16 =	sor.u32 $0x2420, s20  }
0x2b8: {  	v56 =	vsub.f32 v22, v23;
	v8 =	vsub.f32 v8, v9;
	s23 =	sor.u32 $0x2440, s20;
	s22 =	sor.u32 $0x2450, s20;
	s21 =	sor.u32 $0x2460, s20;
	v55 =	vld [tilespmem:s29+$0x80]  }
0x2b9: {  	v23 =	vsub.f32 v10, v5;
	v22 =	vsub.f32 v11, v4;
	s20 =	sor.u32 $0x2470, s20;
	v9 =	vld [tilespmem:s29+$0x4080];
	s29 =	sor.u32 $0x2450, s26  }
0x2ba: {  	v2 =	vsub.f32 v7, v2;
	v1 =	vsub.f32 v12, v1;
	v4 =	vld [tilespmem:s29+$0x80]  }
0x2bb: {  	v25 =	vsub.f32 v13, v3;
	v24 =	vsub.f32 v14, v0;
	v5 =	vld [tilespmem:s29+$0x4080];
	s29 =	sor.u32 $0x2460, s26  }
0x2bc: {  	v3 =	vsub.f32 v15, v16;
	v7 =	vsub.f32 v17, v26;
	v0 =	vld [tilespmem:s29+$0x80]  }
0x2bd: {  	v11 =	vsub.f32 v27, v28;
	v12 =	vsub.f32 v29, v30;
	v10 =	vld [tilespmem:s29+$0x4080];
	s29 =	sor.u32 $0x2470, s26  }
0x2be: {  	v14 =	vsub.f32 v31, v32;
	v15 =	vsub.f32 v33, v34;
	v13 =	vld [tilespmem:s29+$0x80]  }
0x2bf: {  	s30 =	sor.u32 $0x2400, s26;
	v17 =	vsub.f32 v35, v36;
	v26 =	vsub.f32 v37, v38;
	v16 =	vld [tilespmem:s29+$0x4080]  }
0x2c0: {  	v27 =	vsub.f32 v39, v40;
	v28 =	vsub.f32 v41, v42;
	v29 =	vld [tilespmem:s30+$0x80]  }
0x2c1: {  	v30 =	vsub.f32 v43, v44;
	v31 =	vsub.f32 v45, v46;
	s29 =	sor.u32 $0x2410, s26;
	v32 =	vld [tilespmem:s30+$0x4080]  }
0x2c2: {  	s1 =	sadd.s32 $0x2, s1;
	v33 =	vsub.f32 v47, v48;
	v34 =	vsub.f32 v49, v50;
	v35 =	vld [tilespmem:s29+$0x80]  }
0x2c3: {  	p2 =	slt.u32 s1, $0xE;
	v8 =	vmul.f32 v8, v8;
	v38 =	vmul.f32 v56, v56;
	v36 =	vsub.f32 v51, v52;
	v37 =	vld [tilespmem:s29+$0x4080];
	s29 =	sor.u32 $0x2420, s26  }
0x2c4: {  	v2 =	vmul.f32 v2, v2;
	v1 =	vmul.f32 v1, v1;
	v39 =	vsub.f32 v53, v54;
	v40 =	vld [tilespmem:s29+$0x80]  }
0x2c5: {  	v3 =	vmul.f32 v3, v3;
	v7 =	vmul.f32 v7, v7;
	v9 =	vsub.f32 v55, v9;
	s26 =	sor.u32 $0x2430, s26;
	v41 =	vld [tilespmem:s29+$0x4080]  }
0x2c6: {  	v4 =	vsub.f32 v4, v5;
	v5 =	vmul.f32 v14, v14;
	v14 =	vmul.f32 v15, v15;
	v42 =	vld [tilespmem:s26+$0x80]  }
0x2c7: {  	v15 =	vmul.f32 v27, v27;
	v27 =	vmul.f32 v28, v28;
	v0 =	vsub.f32 v0, v10;
	v28 =	vld [tilespmem:s26+$0x4080]  }
0x2c8: {  	v10 =	vmul.f32 v30, v30;
	v30 =	vmul.f32 v31, v31;
	v13 =	vsub.f32 v13, v16;
	v16 =	vld [tilespmem:s14+$0x2080]  }
0x2c9: {  	v31 =	vmul.f32 v33, v33;
	v33 =	vmul.f32 v34, v34;
	v29 =	vsub.f32 v29, v32;
	v32 =	vld [tilespmem:s14+$0x6080]  }
0x2ca: {  	v34 =	vmul.f32 v36, v36;
	v36 =	vmul.f32 v39, v39;
	v35 =	vsub.f32 v35, v37;
	v37 =	vld [tilespmem:s14+$0x2090]  }
0x2cb: {  	v9 =	vmul.f32 v9, v9;
	v4 =	vmul.f32 v4, v4;
	v39 =	vsub.f32 v40, v41;
	v40 =	vld [tilespmem:s14+$0x6090]  }
0x2cc: {  	v29 =	vmul.f32 v29, v29;
	v35 =	vmul.f32 v35, v35;
	v28 =	vsub.f32 v42, v28;
	v41 =	vld [tilespmem:s14+$0x20A0]  }
0x2cd: {  	v15 =	vadd.f32 v31, v15;
	v27 =	vadd.f32 v33, v27;
	v31 =	vmul.f32 v39, v39;
	v33 =	vld [tilespmem:s14+$0x60A0]  }
0x2ce: {  	v10 =	vadd.f32 v34, v10;
	v30 =	vadd.f32 v36, v30;
	v28 =	vmul.f32 v28, v28;
	v34 =	vld [tilespmem:s14+$0x20B0]  }
0x2cf: {  	v0 =	vmul.f32 v0, v0;
	v15 =	vadd.f32 v29, v15;
	v27 =	vadd.f32 v35, v27;
	v29 =	vld [tilespmem:s14+$0x60B0]  }
0x2d0: {  	v13 =	vmul.f32 v13, v13;
	v10 =	vadd.f32 v31, v10;
	v28 =	vadd.f32 v28, v30;
	v30 =	vld [tilespmem:s14+$0x20C0]  }
0x2d1: {  	v9 =	vadd.f32 v9, v15;
	v15 =	vmul.f32 v17, v17;
	v4 =	vadd.f32 v4, v27;
	v17 =	vld [tilespmem:s14+$0x60C0]  }
0x2d2: {  	v0 =	vadd.f32 v0, v10;
	v10 =	vadd.f32 v13, v28;
	v13 =	vmul.f32 v26, v26;
	v26 =	vld [tilespmem:s14+$0x20D0]  }
0x2d3: {  	v5 =	vadd.f32 v5, v9;
	v9 =	vmul.f32 v11, v11;
	v4 =	vadd.f32 v14, v4;
	v11 =	vld [tilespmem:s14+$0x60D0]  }
0x2d4: {  	v12 =	vmul.f32 v12, v12;
	v0 =	vadd.f32 v15, v0;
	v10 =	vadd.f32 v13, v10;
	v13 =	vld [tilespmem:s14+$0x20E0]  }
0x2d5: {  	v3 =	vadd.f32 v3, v5;
	v5 =	vmul.f32 v25, v25;
	v4 =	vadd.f32 v7, v4;
	v7 =	vld [tilespmem:s14+$0x60E0]  }
0x2d6: {  	v0 =	vadd.f32 v9, v0;
	v9 =	vadd.f32 v12, v10;
	v10 =	vmul.f32 v24, v24;
	v12 =	vld [tilespmem:s14+$0x20F0]  }
0x2d7: {  	v2 =	vadd.f32 v2, v3;
	v3 =	vmul.f32 v23, v23;
	v1 =	vadd.f32 v1, v4;
	v4 =	vld [tilespmem:s14+$0x60F0]  }
0x2d8: {  	v0 =	vadd.f32 v5, v0;
	v5 =	vadd.f32 v10, v9;
	v9 =	vmul.f32 v22, v22;
	v10 =	vld [tilespmem:s25+$0x80]  }
0x2d9: {  	v2 =	vadd.f32 v38, v2;
	v1 =	vadd.f32 v8, v1;
	v8 =	vld [tilespmem:s25+$0x4080]  }
0x2da: {  	v0 =	vadd.f32 v3, v0;
	v3 =	vadd.f32 v9, v5;
	v5 =	vld [tilespmem:s0+$0x80]  }
0x2db: {  	v14 =	vsub.f32 v37, v40;
	v9 =	vsub.f32 v16, v32;
	v15 =	vld [tilespmem:s0+$0x4080]  }
0x2dc: {  	v1 =	vadd.f32 v1, v2;
	v0 =	vadd.f32 v3, v0;
	v2 =	vld [tilespmem:s16+$0x80]  }
0x2dd: {  	v16 =	vsub.f32 v34, v29;
	v3 =	vmul.f32 v9, v9;
	v9 =	vsub.f32 v41, v33;
	v22 =	vld [tilespmem:s16+$0x4080]  }
0x2de: {  	v0 =	vadd.f32 v0, v1;
	v1 =	vmul.f32 v14, v14;
	v14 =	vsub.f32 v30, v17;
	v17 =	vld [tilespmem:s24+$0x80]  }
0x2df: {  	v11 =	vsub.f32 v26, v11;
	v7 =	vsub.f32 v13, v7;
	s16 =	sshra.s32 s31, $0x2;
	v9 =	vmul.f32 v9, v9;
	v13 =	vld [tilespmem:s24+$0x4080]  }
0x2e0: {  	v4 =	vsub.f32 v12, v4;
	[tilespmem:s16+$0x8580] =	vst v0;
	v0 =	vmul.f32 v16, v16;
	v14 =	vmul.f32 v14, v14;
	v12 =	vld [tilespmem:s23+$0x80]  }
0x2e1: {  	v11 =	vmul.f32 v11, v11;
	v7 =	vmul.f32 v7, v7;
	v8 =	vsub.f32 v10, v8;
	v10 =	vld [tilespmem:s23+$0x4080]  }
0x2e2: {  	v4 =	vmul.f32 v4, v4;
	v5 =	vsub.f32 v5, v15;
	v2 =	vsub.f32 v2, v22;
	v15 =	vld [tilespmem:s22+$0x80]  }
0x2e3: {  	v1 =	vadd.f32 v11, v1;
	v8 =	vmul.f32 v8, v8;
	v3 =	vadd.f32 v14, v3;
	v11 =	vld [tilespmem:s22+$0x4080]  }
0x2e4: {  	v7 =	vadd.f32 v7, v9;
	v5 =	vmul.f32 v5, v5;
	v9 =	vsub.f32 v17, v13;
	v13 =	vld [tilespmem:s21+$0x80]  }
0x2e5: {  	v0 =	vadd.f32 v4, v0;
	v3 =	vadd.f32 v8, v3;
	v2 =	vmul.f32 v2, v2;
	v4 =	vld [tilespmem:s21+$0x4080]  }
0x2e6: {  	v1 =	vadd.f32 v5, v1;
	v5 =	vmul.f32 v9, v9;
	v8 =	vsub.f32 v12, v10;
	v9 =	vld [tilespmem:s20+$0x80]  }
0x2e7: {  	v2 =	vadd.f32 v2, v7;
	v7 =	vld [tilespmem:s20+$0x4080]  }
0x2e8: {  	v0 =	vadd.f32 v5, v0;
	v5 =	vmul.f32 v8, v8;
	v8 =	vsub.f32 v15, v11;
	v10 =	vld [tilespmem:s14+$0x2880]  }
0x2e9: {  	v11 =	vld [tilespmem:s14+$0x6880]  }
0x2ea: {  	v3 =	vadd.f32 v5, v3;
	v5 =	vmul.f32 v8, v8;
	v4 =	vsub.f32 v13, v4;
	v8 =	vld [tilespmem:s14+$0x2890]  }
0x2eb: {  	v12 =	vld [tilespmem:s14+$0x6890]  }
0x2ec: {  	v1 =	vadd.f32 v5, v1;
	v4 =	vmul.f32 v4, v4;
	v5 =	vsub.f32 v9, v7;
	v7 =	vld [tilespmem:s14+$0x28A0]  }
0x2ed: {  	v9 =	vld [tilespmem:s14+$0x68A0]  }
0x2ee: {  	v2 =	vadd.f32 v4, v2;
	v4 =	vmul.f32 v5, v5;
	v5 =	vsub.f32 v10, v11;
	v10 =	vld [tilespmem:s14+$0x28B0]  }
0x2ef: {  	v11 =	vld [tilespmem:s14+$0x68B0]  }
0x2f0: {  	v0 =	vadd.f32 v4, v0;
	v4 =	vmul.f32 v5, v5;
	v5 =	vsub.f32 v8, v12;
	v8 =	vld [tilespmem:s14+$0x28C0]  }
0x2f1: {  	v12 =	vld [tilespmem:s14+$0x68C0]  }
0x2f2: {  	v3 =	vadd.f32 v4, v3;
	v4 =	vmul.f32 v5, v5;
	v5 =	vsub.f32 v7, v9;
	v7 =	vld [tilespmem:s14+$0x28D0]  }
0x2f3: {  	v9 =	vld [tilespmem:s14+$0x68D0]  }
0x2f4: {  	v1 =	vadd.f32 v4, v1;
	v4 =	vmul.f32 v5, v5;
	v5 =	vsub.f32 v10, v11;
	v10 =	vld [tilespmem:s14+$0x28E0]  }
0x2f5: {  	v11 =	vld [tilespmem:s14+$0x68E0]  }
0x2f6: {  	v2 =	vadd.f32 v4, v2;
	v4 =	vmul.f32 v5, v5;
	v5 =	vsub.f32 v8, v12;
	v8 =	vld [tilespmem:s14+$0x28F0]  }
0x2f7: {  	v12 =	vld [tilespmem:s14+$0x68F0]  }
0x2f8: {  	v0 =	vadd.f32 v4, v0;
	v4 =	vmul.f32 v5, v5;
	v5 =	vsub.f32 v7, v9;
	v7 =	vld [tilespmem:s15+$0x80]  }
0x2f9: {  	v9 =	vld [tilespmem:s15+$0x4080]  }
0x2fa: {  	v3 =	vadd.f32 v4, v3;
	v4 =	vmul.f32 v5, v5;
	v5 =	vsub.f32 v10, v11;
	v10 =	vld [tilespmem:s4+$0x80]  }
0x2fb: {  	v11 =	vld [tilespmem:s4+$0x4080]  }
0x2fc: {  	v1 =	vadd.f32 v4, v1;
	v4 =	vmul.f32 v5, v5;
	v5 =	vsub.f32 v8, v12;
	v8 =	vld [tilespmem:s3+$0x80]  }
0x2fd: {  	v12 =	vld [tilespmem:s3+$0x4080]  }
0x2fe: {  	v22 =	vadd.f32 v4, v2;
	v2 =	vmul.f32 v5, v5;
	v4 =	vsub.f32 v7, v9;
	v5 =	vld [tilespmem:s8+$0x80]  }
0x2ff: {  	v7 =	vld [tilespmem:s8+$0x4080]  }
.Ltmp3:
0x300: {  	v23 =	vadd.f32 v2, v0;
	v0 =	vmul.f32 v4, v4;
	v2 =	vsub.f32 v10, v11;
	v26 =	vld [tilespmem:s12+$0x80];
	(pc) =	sbr.rel @p2 .LBB2_5-.Ltmp3, $4  }
0x301: {  	v28 =	vld [tilespmem:s12+$0x4080]  }
0x302: {  	v24 =	vadd.f32 v0, v3;
	v0 =	vmul.f32 v2, v2;
	v2 =	vsub.f32 v8, v12;
	v27 =	vld [tilespmem:s13+$0x80]  }
0x303: {  	v30 =	vld [tilespmem:s13+$0x4080]  }
0x304: {  	s7 =	sadd.s32 $0x100, s7;
	v25 =	vadd.f32 v0, v1;
	v31 =	vmul.f32 v2, v2;
	v32 =	vsub.f32 v5, v7;
	v29 =	vld [tilespmem:s11+$0x80]  }
0x305: {  	v0 =	vld [tilespmem:s11+$0x4080]  }
0x306: {  	v1 =	vld [tilespmem:s10+$0x80]  }
0x307: {  	v2 =	vld [tilespmem:s10+$0x4080];
	_ =	sdelay $0x3  }
0x308: {  	v3 =	vsub.f32 v26, v28;
	v4 =	vsub.f32 v27, v30  }
0x309: {  	v5 =	vmul.f32 v32, v32;
	v0 =	vsub.f32 v29, v0;
	v1 =	vsub.f32 v1, v2  }
0x30a: {  	v44 =	vadd.f32 v31, v22;
	v3 =	vmul.f32 v3, v3;
	v4 =	vmul.f32 v4, v4  }
0x30b: {  	v5 =	vadd.f32 v5, v23;
	v0 =	vmul.f32 v0, v0;
	v1 =	vmul.f32 v1, v1  }
0x30c: {  	v3 =	vadd.f32 v3, v24;
	v4 =	vadd.f32 v4, v25  }
0x30d: {  	v0 =	vadd.f32 v0, v44;
	v1 =	vadd.f32 v1, v5;
	_ =	sdelay $0x1  }
0x30e: {  	v45 =	vadd.f32 v4, v3;
	v0 =	vadd.f32 v1, v0;
	_ =	sdelay $0x1  }
0x30f: {  	v0 =	vadd.f32 v0, v45;
	_ =	sdelay $0x1  }
0x310: {  	[tilespmem:s16+$0x8600] =	vst v0  }
0x311: {  	v46 =	vld [tilespmem:$0x1FF20];
	_ =	sdelay $0x1  }
0x312: {  	v47 =	vld [tilespmem:$0x1FF30];
	_ =	sdelay $0x1  }
0x313: {  	v48 =	vld [tilespmem:$0x1FF40]  }
0x314: {  	v0 =	vld.idx.msk [tilespmem:v6+s28+$0x0], $0xffff  }
0x315: {  	v49 =	vld [tilespmem:$0x1FF50]  }
0x316: {  	v50 =	vld [tilespmem:$0x1FF60]  }
0x317: {  	v1 =	vld.idx.msk [tilespmem:v46+s28+$0x0], $0xffff  }
0x318: {  	v51 =	vld [tilespmem:$0x1FF70]  }
0x319: {  	v2 =	vld.idx.msk [tilespmem:v47+s28+$0x0], $0xffff  }
0x31a: {  	v52 =	vld [tilespmem:$0x1FF80];
	v0 =	vadd.f32 $0.0e+00, v0  }
0x31b: {  	v3 =	vld.idx.msk [tilespmem:v48+s28+$0x0], $0xffff  }
0x31c: {  	v53 =	vld [tilespmem:$0x1FF90];
	v0 =	vadd.f32 v1, v0  }
0x31d: {  	v1 =	vld.idx.msk [tilespmem:v49+s28+$0x0], $0xffff  }
0x31e: {  	v54 =	vld [tilespmem:$0x1FFA0];
	v0 =	vadd.f32 v2, v0  }
0x31f: {  	v2 =	vld.idx.msk [tilespmem:v50+s28+$0x0], $0xffff  }
0x320: {  	v55 =	vld [tilespmem:$0x1FFB0];
	v0 =	vadd.f32 v3, v0  }
0x321: {  	v3 =	vld.idx.msk [tilespmem:v51+s28+$0x0], $0xffff  }
0x322: {  	v56 =	vld [tilespmem:$0x1FFC0];
	v0 =	vadd.f32 v1, v0  }
0x323: {  	v1 =	vld.idx.msk [tilespmem:v52+s28+$0x0], $0xffff  }
0x324: {  	v0 =	vadd.f32 v2, v0  }
0x325: {  	v2 =	vld.idx.msk [tilespmem:v53+s28+$0x0], $0xffff  }
0x326: {  	v0 =	vadd.f32 v3, v0  }
0x327: {  	v3 =	vld.idx.msk [tilespmem:v54+s28+$0x0], $0xffff  }
0x328: {  	v0 =	vadd.f32 v1, v0  }
0x329: {  	v1 =	vld.idx.msk [tilespmem:v55+s28+$0x0], $0xffff  }
0x32a: {  	v0 =	vadd.f32 v2, v0  }
0x32b: {  	v2 =	vld.idx.msk [tilespmem:v56+s28+$0x0], $0xffff  }
0x32c: {  	v0 =	vadd.f32 v3, v0  }
0x32d: {  	v57 =	vld.idx.msk [tilespmem:v18+s28+$0x0], $0xffff  }
0x32e: {  	v0 =	vadd.f32 v1, v0  }
0x32f: {  	v58 =	vld.idx.msk [tilespmem:v19+s28+$0x0], $0xffff  }
0x330: {  	v0 =	vadd.f32 v2, v0  }
0x331: {  	v59 =	vld.idx.msk [tilespmem:v20+s28+$0x0], $0xffff  }
0x332: {  	v0 =	vadd.f32 v57, v0  }
0x333: {  	v60 =	vld.idx.msk [tilespmem:v21+s28+$0x0], $0xffff  }
0x334: {  	v0 =	vadd.f32 v58, v0;
	_ =	sdelay $0x1  }
0x335: {  	v0 =	vadd.f32 v59, v0;
	_ =	sdelay $0x1  }
0x336: {  	v0 =	vadd.f32 v60, v0;
	_ =	sdelay $0x1  }
0x337: {  	v61 =	vmax.f32 v0, $1.000000000e-30  }
0x338: {  	v62 =	vshra.s32 v61, $0x1;
	v1 =	vmul.f32 $5.000000000e-01, v61  }
0x339: {  	v2 =	vsub.s32 $0x5F3759DF, v62  }
0x33a: {  	v63 =	vmul.f32 v2, v1;
	_ =	sdelay $0x1  }
0x33b: {  	v3 =	vmul.f32 v2, v63;
	_ =	sdelay $0x1  }
0x33c: {  	v3 =	vsub.f32 $1.500000000e+00, v3;
	_ =	sdelay $0x1  }
0x33d: {  	v2 =	vmul.f32 v2, v3;
	_ =	sdelay $0x1  }
0x33e: {  	v3 =	vmul.f32 v2, v1;
	_ =	sdelay $0x1  }
0x33f: {  	v3 =	vmul.f32 v3, v2;
	_ =	sdelay $0x1  }
0x340: {  	v3 =	vsub.f32 $1.500000000e+00, v3;
	_ =	sdelay $0x1  }
0x341: {  	v2 =	vmul.f32 v3, v2;
	_ =	sdelay $0x1  }
0x342: {  	v1 =	vmul.f32 v2, v1;
	_ =	sdelay $0x1  }
0x343: {  	v1 =	vmul.f32 v1, v2;
	_ =	sdelay $0x1  }
0x344: {  	v1 =	vsub.f32 $1.500000000e+00, v1;
	_ =	sdelay $0x1  }
.Ltmp4:
0x345: {  	v1 =	vmul.f32 v1, v2;
	(pc) =	sbr.rel @p1 .LBB2_8-.Ltmp4, $3  }
0x346: {  	_ = 	snop  }
0x347: {  	v0 =	vmul.f32 v1, v0;
	_ =	sdelay $0x1  }
0x348: {  	[tilespmem:s19+$0x8090] =	vst v0  }
0x349: {  	s0 =	sadd.s32 $0x30, s18  }
0x34a: {  	s0 =	sadd.s32 s6, s0  }
0x34b: {  	s1 =	rddreg [dreg:$0x0];
	s0 =	sshll.u32 s0, $0x6  }
0x34c: {  	s25 =	simm.s32 $0x2080;
	s0 =	sadd.s32 s1, s0  }
0x34d: {  	[tilespmem:s25], [sflag:$0x2] =	stream.linear.gather [hbm4b:s0+s5], $0x2000, $0x38;
	[tilespmem:$0x8E00] =	vst v63  }
0x34e: {  	v0 =	vld [tilespmem:s18+$0x30];
	_ =	sdelay $0x2  }
0x34f: {  	v63 =	vld [tilespmem:$0x1FFD0];
	_ =	sdelay $0x1  }
0x350: {  	v2 =	vld [tilespmem:$0x1FFE0];
	v1 =	vshll.u32 v0, $0x2  }
0x351: {  	v0 =	vand.u32 $0x7, v0;
	v1 =	vand.u32 $0xFFFFFFE0, v1  }
0x352: {  	v0 =	vor.u32 v0, v1  }
0x353: {  	v3 =	vld [tilespmem:$0x1FFF0];
	v1 =	vperm.xlane v0, v63;
	_ =	sdelay $0x1  }
0x354: {  	v1 =	vadd.s32 v2, v1;
	_ =	sdelay $0x2  }
0x355: {  	v0 =	vperm.xlane v0, v3  }
0x356: {  	s26 =	simm.s32 $0x6080  }
0x357: {  	v0 =	vadd.s32 v2, v0;
	[tilespmem:s26], [sflag:$0x4] =	stream.indirect_vreg.gather [hbm4b:s2+s5], $0x80, v1, vm0, $0xb8;
	[tilespmem:$0x8E00] =	vst v63  }
0x358: {  	s29 =	simm.s32 $0x6880  }
0x359: {  	[tilespmem:s29], [sflag:$0x4] =	stream.indirect_vreg.gather [hbm4b:s9+s5], $0x80, v1, vm0, $0xb8;
	[tilespmem:$0x8E00] =	vst v63  }
.Ltmp5:
0x35a: {  	_ = 	snop;
	(pc) =	sbr.rel .LBB2_2-.Ltmp5, $4  }
0x35b: {  	s30 =	simm.s32 $0x7080  }
0x35c: {  	[tilespmem:s30], [sflag:$0x4] =	stream.indirect_vreg.gather [hbm4b:s2+s5], $0x80, v0, vm0, $0xb8;
	[tilespmem:$0x8E00] =	vst v63  }
0x35d: {  	s31 =	simm.s32 $0x7880;
	s17 =	sadd.s32 $0x1, s17  }
0x35e: {  	[tilespmem:s31], [sflag:$0x4] =	stream.indirect_vreg.gather [hbm4b:s9+s5], $0x80, v0, vm0, $0xb8;
	[tilespmem:$0x8E00] =	vst v63  }
.LBB2_9:
0x35f: {  	_ =	sfence.sel $0x180000  }
0x360: {  	[bflag:$0x0] =	sbarrier.arrive $0xFFFF  }
0x361: {  	_ =	strace $0x90000047  }
0x362: {  	[bflag:$0x2] =	sbarrier.arrive $0xFFFF  }
0x363: {  	s0 =	rddreg [dreg:$0x6]  }
0x364: {  	s0 =	sadd.s32 @!p0 $0x100000, s0  }
0x365: {  	[sflag:s0] =	ssyncadd.tile.s32 @!p0 $0x1;
	_ =	shalt  }
.Lfunc_end2:
_tile_overlayer_lowered:
.L_overlay_start_2:
0x366: {  	(tag) =	ssettag $0x2  }
0x367: {  	s0 =	rddreg [dreg:$0x0];
	s2 =	stileid.u32  }
0x368: {  	s1 =	rddreg [dreg:$0x1];
	p0 =	sne.s32 s2, $0x0  }
0x369: {  	s3 =	rddreg [dreg:$0x2];
	[bflag:$0x3] =	sbarrier.arrive $0xFFFF;
	s2 =	simm.s32 @!p0 $0x1C05  }
0x36a: {  	[timem:s3], [sflag:s2] =	dma.local @!p0 [hbm:s0], s1  }
0x36b: {  	s0 =	simm.s32 @!p0 $0x5  }
0x36c: {  	_ =	swait.ge @!p0 [sflag:s0], s1  }
0x36d: {  	s1 =	ssub.s32 @!p0 $0x0, s1;
	[sflag:s0] =	ssyncset.done @!p0 $0x0  }
0x36e: {  	[sflag:s0] =	ssyncadd.s32 @!p0 s1  }
0x36f: {  	[bflag:$0x3] =	sbarrier.arrive $0xFFFF  }
0x370: {  	_ =	shalt  }

</sc_bundles>
